<compile_context>
chip_gen: v7x
topology: tpu7x:2x2x1
jax: 0.10.2.dev20260603
libtpu: 0.0.44.dev20260713+nightly
codegen_flags: <defaults>
</compile_context>

<pallas_src>
import functools

import jax
import jax.numpy as jnp
from jax import lax
from jax.experimental import pallas as pl
from jax.experimental.pallas import tpu as pltpu
from jax.experimental.pallas import tpu_sc as plsc

_NC = 2
_NS = 16
_LANES = 16

_SPLIT = 5200
_TROWS = 5248
_TRASH = 5200

_CHUNK = 80
_GRP = 2


def _scatter_add_call(edge_features, receivers):
    e, ed = edge_features.shape
    assert ed == _LANES
    sbc = 8
    sbe = sbc * _CHUNK
    nsb = e // sbe
    sb_pt = nsb // _NS
    sb_extra = nsb % _NS
    tail_e = e - nsb * sbe
    tail_c = tail_e // _CHUNK
    assert tail_c * _CHUNK == tail_e and tail_c <= sbc
    assert sbc % _GRP == 0
    srows = _TROWS // _NS
    nsl = 1
    assert srows % nsl == 0
    sub = srows // nsl
    nsub = _CHUNK // _LANES

    mesh = plsc.VectorSubcoreMesh(core_axis_name="c", subcore_axis_name="s")

    @functools.partial(
        pl.kernel,
        out_type=[
            jax.ShapeDtypeStruct((_NC, _TROWS, ed), jnp.float32),
            jax.ShapeDtypeStruct((_NC, _TROWS, ed), jnp.float32),
        ],
        mesh=mesh,
        scratch_types=[
            pltpu.VMEM((_GRP * _CHUNK, ed), jnp.float32),
            pltpu.VMEM((sbe,), jnp.int32),
        ] + [
            pltpu.VMEM((_CHUNK,), jnp.int32) for _ in range(sbc)
        ] + [
            pltpu.VMEM((_CHUNK, ed), jnp.float32),
            pltpu.VMEM((sub, ed), jnp.float32),
            pltpu.VMEM_SHARED((_TROWS, ed), jnp.float32),
            pltpu.VMEM_SHARED((_TROWS, ed), jnp.float32),
        ],
    )
    def scatter_kernel(edges_hbm, recv_hbm, feat_out, deg_out,
                       edge_v, raw_v, *rest):
        rbufs = rest[:sbc]
        ones_v, stage_v, sfeat, sdeg = rest[sbc:]
        cid = lax.axis_index("c")
        sid = lax.axis_index("s")
        base_node = cid * _SPLIT
        sb_start = sb_pt * sid + jnp.minimum(sid, sb_extra)
        nsb_t = sb_pt + jnp.where(sid < sb_extra, 1, 0)

        def zero_stage(i, carry):
            stage_v[i, :] = jnp.zeros((ed,), jnp.float32)
            return carry

        lax.fori_loop(0, sub, zero_stage, 0)

        def fill_ones(i, carry):
            ones_v[i, :] = jnp.ones((ed,), jnp.float32)
            return carry

        lax.fori_loop(0, _CHUNK, fill_ones, 0)

        r0 = sid * srows
        for z in range(nsl):
            pltpu.sync_copy(stage_v, sfeat.at[pl.ds(r0 + z * sub, sub)])
            pltpu.sync_copy(stage_v, sdeg.at[pl.ds(r0 + z * sub, sub)])
        plsc.subcore_barrier()

        trash16 = jnp.full((_LANES,), _TRASH, jnp.int32)

        def remap(iv):
            t = iv - base_node
            oob = jnp.logical_or(t < 0, t >= _SPLIT)
            return jnp.where(oob, trash16, t)

        def do_chunks(eoff, nchunks_here):
            for q in range(nchunks_here):
                for k in range(nsub):
                    iv = raw_v[pl.ds(q * _CHUNK + k * _LANES, _LANES)]
                    rbufs[q][pl.ds(k * _LANES, _LANES)] = remap(iv)
            for half in range((nchunks_here + _GRP - 1) // _GRP):
                pltpu.sync_copy(
                    edges_hbm.at[pl.ds(eoff + half * _GRP * _CHUNK,
                                       _GRP * _CHUNK)], edge_v)
                for q2 in range(min(_GRP, nchunks_here - half * _GRP)):
                    qq = half * _GRP + q2
                    pltpu.sync_copy(edge_v.at[pl.ds(q2 * _CHUNK, _CHUNK)],
                                    sfeat.at[rbufs[qq]], add=True)
                    pltpu.sync_copy(ones_v, sdeg.at[rbufs[qq]], add=True)

        def sb_body(s, carry):
            eoff = pl.multiple_of((sb_start + s) * sbe, sbe)
            pltpu.sync_copy(recv_hbm.at[pl.ds(eoff, sbe)], raw_v)
            do_chunks(eoff, sbc)
            return carry

        lax.fori_loop(0, nsb_t, sb_body, 0)

        if tail_c:
            @pl.when(sid == _NS - 1)
            def _():
                toff = nsb * sbe
                pltpu.sync_copy(recv_hbm.at[pl.ds(toff, tail_c * _CHUNK)],
                                raw_v.at[pl.ds(0, tail_c * _CHUNK)])
                do_chunks(toff, tail_c)

        plsc.subcore_barrier()

        for z in range(nsl):
            zoff = r0 + z * sub
            pltpu.sync_copy(sfeat.at[pl.ds(zoff, sub)], stage_v)
            pltpu.sync_copy(stage_v, feat_out.at[cid, pl.ds(zoff, sub)])
            pltpu.sync_copy(sdeg.at[pl.ds(zoff, sub)], stage_v)
            pltpu.sync_copy(stage_v, deg_out.at[cid, pl.ds(zoff, sub)])

    return scatter_kernel(edge_features, receivers)


def _mlp_call(node_features, feat_p, deg_p, bias_row,
              w1a, w1b, w2, w3, b1, b2, b3, gamma, beta):
    n, nd = node_features.shape
    ed = feat_p.shape[2]
    hid = w2.shape[0]
    blk = 400
    assert n % blk == 0 and _SPLIT % blk == 0
    grid = (n // blk,)
    sblk = _SPLIT // blk

    def body(nf_ref, fp_ref, dp_ref, bias_ref, w1a_ref, w1b_ref, w2_ref,
             w3_ref, b1_ref, b2_ref, b3_ref, g_ref, bt_ref, out_ref):
        f = fp_ref[0]
        d = dp_ref[0][:, 0:1]
        agg = (f + bias_ref[...]) / jnp.maximum(d, 1.0)
        h = jnp.dot(nf_ref[...], w1a_ref[...],
                    preferred_element_type=jnp.float32)
        h = h + jnp.dot(agg, w1b_ref[...],
                        preferred_element_type=jnp.float32)
        h = jnp.maximum(h + b1_ref[...], 0.0)
        h = jnp.dot(h, w2_ref[...], preferred_element_type=jnp.float32)
        h = jnp.maximum(h + b2_ref[...], 0.0)
        h = jnp.dot(h, w3_ref[...], preferred_element_type=jnp.float32)
        h = h + b3_ref[...]
        mu = jnp.mean(h, axis=-1, keepdims=True)
        var = jnp.mean((h - mu) ** 2, axis=-1, keepdims=True)
        out_ref[...] = (h - mu) * lax.rsqrt(var + 1e-5) * g_ref[...] + bt_ref[...]

    full = lambda i: (0, 0)

    def win_map(i):
        lo = i < sblk
        return (jnp.where(lo, 0, 1), jnp.where(lo, i, i - sblk), 0)

    return pl.pallas_call(
        body,
        grid=grid,
        in_specs=[
            pl.BlockSpec((blk, nd), lambda i: (i, 0)),
            pl.BlockSpec((1, blk, ed), win_map),
            pl.BlockSpec((1, blk, ed), win_map),
            pl.BlockSpec((1, ed), full),
            pl.BlockSpec((nd, hid), full),
            pl.BlockSpec((ed, hid), full),
            pl.BlockSpec((hid, hid), full),
            pl.BlockSpec((hid, hid), full),
            pl.BlockSpec((1, hid), full),
            pl.BlockSpec((1, hid), full),
            pl.BlockSpec((1, hid), full),
            pl.BlockSpec((1, hid), full),
            pl.BlockSpec((1, hid), full),
        ],
        out_specs=pl.BlockSpec((blk, hid), lambda i: (i, 0)),
        out_shape=jax.ShapeDtypeStruct((n, hid), jnp.float32),
    )(node_features, feat_p, deg_p, bias_row, w1a, w1b, w2, w3,
      b1, b2, b3, gamma, beta)


def kernel(node_features, edge_features, W1, b1, W2, b2, W3, b3,
           gamma, beta, receivers, num_nodes):
    n, nd = node_features.shape
    ed = edge_features.shape[1]

    feat_p, deg_p = _scatter_add_call(edge_features, receivers)

    bias_row = (jnp.asarray(num_nodes, jnp.float32) - n) * jnp.ones(
        (1, ed), jnp.float32)
    hid = W2.shape[0]
    return _mlp_call(
        node_features, feat_p, deg_p, bias_row,
        W1[:nd], W1[nd:], W2, W3,
        b1.reshape(1, hid), b2.reshape(1, hid), b3.reshape(1, hid),
        gamma.reshape(1, hid), beta.reshape(1, hid),
    )

# --- scband reference (transcript-rebuilt; emitter-appended) ---
"""Pipeline reference for scband-node-update-26740466385760 (READ-ONLY COPY).

The authoritative reference and input builder live on the scoring server;
editing this copy changes nothing except your own understanding.
"""

import jax, jax.numpy as jnp
import numpy as np


def setup_inputs(seed: int = 0) -> dict:
    key = jax.random.key(seed)
    ks = jax.random.split(key, 12)
    N, E, node_dim, edge_dim, hidden = 10000, 320000, 128, 16, 64
    in_dim = node_dim + edge_dim
    node_features = jax.random.normal(ks[0], (N, node_dim), dtype=jnp.float32)
    edge_features = jax.random.normal(ks[1], (E, edge_dim), dtype=jnp.float32)
    receivers = jax.random.randint(ks[2], (E,), 0, N, dtype=jnp.int32)
    W1 = jax.random.normal(ks[3], (in_dim, hidden), dtype=jnp.float32) * (1.0 / np.sqrt(in_dim))
    b1 = jnp.zeros((hidden,), dtype=jnp.float32)
    W2 = jax.random.normal(ks[4], (hidden, hidden), dtype=jnp.float32) * (1.0 / np.sqrt(hidden))
    b2 = jnp.zeros((hidden,), dtype=jnp.float32)
    W3 = jax.random.normal(ks[5], (hidden, hidden), dtype=jnp.float32) * (1.0 / np.sqrt(hidden))
    b3 = jnp.zeros((hidden,), dtype=jnp.float32)
    gamma = jnp.ones((hidden,), dtype=jnp.float32)
    beta = jnp.zeros((hidden,), dtype=jnp.float32)
    return {
        "node_features": node_features,
        "edge_features": edge_features,
        "W1": W1, "b1": b1, "W2": W2, "b2": b2, "W3": W3, "b3": b3,
        "gamma": gamma, "beta": beta,
        "receivers": receivers,
        "num_nodes": 10000,
    }


def reference(node_features, edge_features, W1, b1, W2, b2, W3, b3, gamma, beta, receivers, num_nodes):
    # agg_edges = scatter-add of edge features onto receiver nodes (Eq. 9)
    N = node_features.shape[0]
    agg = jnp.zeros((N, edge_features.shape[1]), dtype=edge_features.dtype)
    agg = agg + (jnp.asarray(num_nodes) - N).astype(edge_features.dtype)
    agg = agg.at[receivers].add(edge_features)
    deg = jnp.clip(jnp.bincount(receivers, length=N), 1, None).astype(edge_features.dtype)[:, None]
    agg = agg / deg
    # B_n = [F_v ; F'_e R_r^T]
    h = jnp.concatenate([node_features, agg], axis=-1)
    # phi_n: MLP = Linear-ReLU-Linear-ReLU-Linear
    h = jax.nn.relu(h @ W1 + b1)
    h = jax.nn.relu(h @ W2 + b2)
    h = h @ W3 + b3
    # LayerNorm
    mean = jnp.mean(h, axis=-1, keepdims=True)
    var = jnp.var(h, axis=-1, keepdims=True)
    return (h - mean) / jnp.sqrt(var + 1e-5) * gamma + beta

if __name__ == "__main__":
    import jax
    _d = setup_inputs()
    print(jax.jit(kernel)(*tuple(_d.values())))

</pallas_src>

<mosaic_0001>
#map = affine_map<(d0, d1) -> (0, 0)>
#map1 = affine_map<(d0, d1) -> (0)>
#map2 = affine_map<(d0, d1) -> (0, 0, 0)>
module attributes {stable_mosaic.version = 14 : i64} {
  func.func @scatter_kernel(%arg0: i32, %arg1: i32, %arg2: memref<320000x16xf32, #tpu.memory_space<hbm>>, %arg3: memref<320000xi32, #tpu.memory_space<hbm>>, %arg4: memref<2x5248x16xf32, #tpu.memory_space<hbm>>, %arg5: memref<2x5248x16xf32, #tpu.memory_space<hbm>>, %arg6: memref<160x16xf32, #tpu.memory_space<vmem>>, %arg7: memref<640xi32, #tpu.memory_space<vmem>>, %arg8: memref<80xi32, #tpu.memory_space<vmem>>, %arg9: memref<80xi32, #tpu.memory_space<vmem>>, %arg10: memref<80xi32, #tpu.memory_space<vmem>>, %arg11: memref<80xi32, #tpu.memory_space<vmem>>, %arg12: memref<80xi32, #tpu.memory_space<vmem>>, %arg13: memref<80xi32, #tpu.memory_space<vmem>>, %arg14: memref<80xi32, #tpu.memory_space<vmem>>, %arg15: memref<80xi32, #tpu.memory_space<vmem>>, %arg16: memref<80x16xf32, #tpu.memory_space<vmem>>, %arg17: memref<328x16xf32, #tpu.memory_space<vmem>>, %arg18: memref<5248x16xf32, #tpu.memory_space<vmem_shared>>, %arg19: memref<5248x16xf32, #tpu.memory_space<vmem_shared>>) attributes {dimension_semantics = [#tpu.dimension_semantics<core_parallel>, #tpu.dimension_semantics<subcore_parallel>], iteration_bounds = array<i64: 2, 16>, scalar_prefetch = 0 : i64, scratch_operands = 14 : i64, tpu.core_type = #tpu.core_type<sc_vector_subcore>, window_params = [{transform_indices = #map}, {transform_indices = #map1}, {transform_indices = #map2}, {transform_indices = #map2}]} {
    %mul3A = arith.constant 5200 : i32
    %mul3A_0 = arith.muli %arg0, %mul3A : i32
    %mul3A_1 = arith.constant 31 : i32
    %mul3A_2 = arith.muli %mul3A_1, %arg1 : i32
    %min3A = arith.constant 4 : i32
    %min3A_3 = arith.minsi %arg1, %min3A : i32
    %add3A = arith.addi %mul3A_2, %min3A_3 : i32
    %lt3A = arith.constant 4 : i32
    %lt3A_4 = arith.cmpi slt, %arg1, %lt3A : i32
    %jit3A = arith.constant 1 : i32
    %jit3A_5 = arith.constant 0 : i32
    %select_n3A = arith.select %lt3A_4, %jit3A, %jit3A_5 : i32
    %add3A_6 = arith.constant 31 : i32
    %add3A_7 = arith.addi %add3A_6, %select_n3A : i32
    %scan3A = arith.constant 0 : i32
    %scan3A_8 = arith.constant 0 : i32
    %scan3A_9 = arith.constant 328 : i32
    %scan3A_10 = arith.addi %scan3A_8, %scan3A_9 : i32
    %scan3A_11 = arith.constant 1 : i32
    scf.for %scan3A_38 = %scan3A_8 to %scan3A_10 step %scan3A_11  : i32 {
      %broadcast_in_dim3A_39 = arith.constant 0.000000e+00 : f32
      %broadcast_in_dim3A_40 = vector.broadcast %broadcast_in_dim3A_39 : f32 to vector<16xf32>
      %swap3A = arith.index_cast %scan3A_38 : i32 to index
      %swap3A_41 = arith.constant 0 : index
      %swap3A_42 = tpu.vector_load %arg17[%swap3A, %swap3A_41] {strides = array<i32>} : memref<328x16xf32, #tpu.memory_space<vmem>>, vector<1x16xf32>,
      %swap3A_43 = vector.shape_cast %swap3A_42 : vector<1x16xf32> to vector<16xf32>
      %swap3A_44 = vector.shape_cast %broadcast_in_dim3A_40 : vector<16xf32> to vector<1x16xf32>
      tpu.vector_store %arg17[%swap3A, %swap3A_41], %swap3A_44 {strides = array<i32>} : memref<328x16xf32, #tpu.memory_space<vmem>>, vector<1x16xf32>,
    }
    %scan3A_12 = arith.constant 328 : i32
    %scan3A_13 = arith.constant 0 : i32
    %scan3A_14 = arith.constant 0 : i32
    %scan3A_15 = arith.constant 80 : i32
    %scan3A_16 = arith.addi %scan3A_14, %scan3A_15 : i32
    %scan3A_17 = arith.constant 1 : i32
    scf.for %scan3A_38 = %scan3A_14 to %scan3A_16 step %scan3A_17  : i32 {
      %broadcast_in_dim3A_39 = arith.constant 1.000000e+00 : f32
      %broadcast_in_dim3A_40 = vector.broadcast %broadcast_in_dim3A_39 : f32 to vector<16xf32>
      %swap3A = arith.index_cast %scan3A_38 : i32 to index
      %swap3A_41 = arith.constant 0 : index
      %swap3A_42 = tpu.vector_load %arg16[%swap3A, %swap3A_41] {strides = array<i32>} : memref<80x16xf32, #tpu.memory_space<vmem>>, vector<1x16xf32>,
      %swap3A_43 = vector.shape_cast %swap3A_42 : vector<1x16xf32> to vector<16xf32>
      %swap3A_44 = vector.shape_cast %broadcast_in_dim3A_40 : vector<16xf32> to vector<1x16xf32>
      tpu.vector_store %arg16[%swap3A, %swap3A_41], %swap3A_44 {strides = array<i32>} : memref<80x16xf32, #tpu.memory_space<vmem>>, vector<1x16xf32>,
    }
    %scan3A_18 = arith.constant 80 : i32
    %mul3A_19 = arith.constant 328 : i32
    %mul3A_20 = arith.muli %arg1, %mul3A_19 : i32
    %add3A_21 = arith.constant 0 : i32
    %add3A_22 = arith.addi %mul3A_20, %add3A_21 : i32
    "tpu.region"() ({
      %run_scoped3A = tpu.sem_alloc : memref<!tpu.dma_semaphore, #tpu.memory_space<semaphore_mem>>
      %dma_start3A = arith.constant 0 : i32
      %dma_start3A_38 = tpu.memref_slice %arg18[%add3A_22, %dma_start3A] : memref<5248x16xf32, #tpu.memory_space<vmem_shared>> -> memref<328x16xf32, #tpu.memory_space<vmem_shared>>
      %dma_start3A_39 = arith.constant 0 : i32
      %dma_start3A_40 = tpu.memref_slice %arg18[%add3A_22, %dma_start3A_39] : memref<5248x16xf32, #tpu.memory_space<vmem_shared>> -> memref<328x16xf32, #tpu.memory_space<vmem_shared>>
      tpu.enqueue_dma source(%arg17 : memref<328x16xf32, #tpu.memory_space<vmem>>) target(%dma_start3A_40 : memref<328x16xf32, #tpu.memory_space<vmem_shared>>) target_semaphore(%run_scoped3A : memref<!tpu.dma_semaphore, #tpu.memory_space<semaphore_mem>>)
      %dma_wait3A = arith.constant 0 : i32
      %dma_wait3A_41 = tpu.memref_slice %arg18[%add3A_22, %dma_wait3A] : memref<5248x16xf32, #tpu.memory_space<vmem_shared>> -> memref<328x16xf32, #tpu.memory_space<vmem_shared>>
      %dma_wait3A_42 = arith.constant 0 : i32
      %dma_wait3A_43 = tpu.memref_slice %arg18[%add3A_22, %dma_wait3A_42] : memref<5248x16xf32, #tpu.memory_space<vmem_shared>> -> memref<328x16xf32, #tpu.memory_space<vmem_shared>>
      tpu.wait_dma2 semaphore(%run_scoped3A : memref<!tpu.dma_semaphore, #tpu.memory_space<semaphore_mem>>) src(%arg17 : memref<328x16xf32, #tpu.memory_space<vmem>>) dst(%dma_wait3A_43 : memref<328x16xf32, #tpu.memory_space<vmem_shared>>)
      tpu.yield
    }) : () -> ()
    %add3A_23 = arith.constant 0 : i32
    %add3A_24 = arith.addi %mul3A_20, %add3A_23 : i32
    "tpu.region"() ({
      %run_scoped3A = tpu.sem_alloc : memref<!tpu.dma_semaphore, #tpu.memory_space<semaphore_mem>>
      %dma_start3A = arith.constant 0 : i32
      %dma_start3A_38 = tpu.memref_slice %arg19[%add3A_24, %dma_start3A] : memref<5248x16xf32, #tpu.memory_space<vmem_shared>> -> memref<328x16xf32, #tpu.memory_space<vmem_shared>>
      %dma_start3A_39 = arith.constant 0 : i32
      %dma_start3A_40 = tpu.memref_slice %arg19[%add3A_24, %dma_start3A_39] : memref<5248x16xf32, #tpu.memory_space<vmem_shared>> -> memref<328x16xf32, #tpu.memory_space<vmem_shared>>
      tpu.enqueue_dma source(%arg17 : memref<328x16xf32, #tpu.memory_space<vmem>>) target(%dma_start3A_40 : memref<328x16xf32, #tpu.memory_space<vmem_shared>>) target_semaphore(%run_scoped3A : memref<!tpu.dma_semaphore, #tpu.memory_space<semaphore_mem>>)
      %dma_wait3A = arith.constant 0 : i32
      %dma_wait3A_41 = tpu.memref_slice %arg19[%add3A_24, %dma_wait3A] : memref<5248x16xf32, #tpu.memory_space<vmem_shared>> -> memref<328x16xf32, #tpu.memory_space<vmem_shared>>
      %dma_wait3A_42 = arith.constant 0 : i32
      %dma_wait3A_43 = tpu.memref_slice %arg19[%add3A_24, %dma_wait3A_42] : memref<5248x16xf32, #tpu.memory_space<vmem_shared>> -> memref<328x16xf32, #tpu.memory_space<vmem_shared>>
      tpu.wait_dma2 semaphore(%run_scoped3A : memref<!tpu.dma_semaphore, #tpu.memory_space<semaphore_mem>>) src(%arg17 : memref<328x16xf32, #tpu.memory_space<vmem>>) dst(%dma_wait3A_43 : memref<328x16xf32, #tpu.memory_space<vmem_shared>>)
      tpu.yield
    }) : () -> ()
    %barrier3A = arith.constant 0 : index
    tpu.barrier barrier_id(%barrier3A)
    %broadcast_in_dim3A = arith.constant 5200 : i32
    %broadcast_in_dim3A_25 = vector.broadcast %broadcast_in_dim3A : i32 to vector<16xi32>
    %while3A = arith.constant 0 : i32
    %while3A_26 = arith.constant 0 : i32
    %while3A_27 = arith.subi %add3A_7, %while3A_26 : i32
    %while3A_28 = arith.addi %while3A_26, %while3A_27 : i32
    %while3A_29 = arith.constant 1 : i32
    %while3A_30 = arith.divsi %while3A_27, %while3A_29 : i32
    %while3A_31 = arith.muli %while3A_30, %while3A_29 : i32
    %while3A_32 = arith.addi %while3A_26, %while3A_31 : i32
    %while3A_33 = arith.constant 1 : i32
    scf.for %while3A_38 = %while3A_26 to %while3A_32 step %while3A_33  : i32 {
      %add3A_39 = arith.addi %add3A, %while3A_38 : i32
      %mul3A_40 = arith.constant 640 : i32
      %mul3A_41 = arith.muli %add3A_39, %mul3A_40 : i32
      %multiple_of3A = tpu.assume_multiple %mul3A_41, 640 : i32
      "tpu.region"() ({
        %run_scoped3A = tpu.sem_alloc : memref<!tpu.dma_semaphore, #tpu.memory_space<semaphore_mem>>
        %dma_start3A = tpu.memref_slice %arg3[%multiple_of3A] : memref<320000xi32, #tpu.memory_space<hbm>> -> memref<640xi32, #tpu.memory_space<hbm>>
        %dma_start3A_725 = tpu.memref_slice %arg3[%multiple_of3A] : memref<320000xi32, #tpu.memory_space<hbm>> -> memref<640xi32, #tpu.memory_space<hbm>>
        tpu.enqueue_dma source(%dma_start3A_725 : memref<640xi32, #tpu.memory_space<hbm>>) target(%arg7 : memref<640xi32, #tpu.memory_space<vmem>>) target_semaphore(%run_scoped3A : memref<!tpu.dma_semaphore, #tpu.memory_space<semaphore_mem>>)
        %dma_wait3A = tpu.memref_slice %arg3[%multiple_of3A] : memref<320000xi32, #tpu.memory_space<hbm>> -> memref<640xi32, #tpu.memory_space<hbm>>
        %dma_wait3A_726 = tpu.memref_slice %arg3[%multiple_of3A] : memref<320000xi32, #tpu.memory_space<hbm>> -> memref<640xi32, #tpu.memory_space<hbm>>
        tpu.wait_dma2 semaphore(%run_scoped3A : memref<!tpu.dma_semaphore, #tpu.memory_space<semaphore_mem>>) src(%dma_wait3A_726 : memref<640xi32, #tpu.memory_space<hbm>>) dst(%arg7 : memref<640xi32, #tpu.memory_space<vmem>>)
        tpu.yield
      }) : () -> ()
      %get3A = arith.constant 0 : index
      %get3A_42 = tpu.vector_load %arg7[%get3A] {strides = array<i32>} : memref<640xi32, #tpu.memory_space<vmem>>, vector<16xi32>,
      %get3A_43 = vector.shape_cast %get3A_42 : vector<16xi32> to vector<16xi32>
      %sub3A = vector.broadcast %mul3A_0 : i32 to vector<16xi32>
      %sub3A_44 = arith.subi %get3A_43, %sub3A : vector<16xi32>
      %lt3A_45 = arith.constant 0 : i32
      %lt3A_46 = vector.broadcast %lt3A_45 : i32 to vector<16xi32>
      %lt3A_47 = arith.cmpi slt, %sub3A_44, %lt3A_46 : vector<16xi32>
      %ge3A = arith.constant 5200 : i32
      %ge3A_48 = vector.broadcast %ge3A : i32 to vector<16xi32>
      %ge3A_49 = arith.cmpi sge, %sub3A_44, %ge3A_48 : vector<16xi32>
      %or3A = arith.ori %lt3A_47, %ge3A_49 : vector<16xi1>
      %select_n3A_50 = arith.select %or3A, %broadcast_in_dim3A_25, %sub3A_44 : vector<16xi1>, vector<16xi32>
      %swap3A = arith.constant 0 : index
      %swap3A_51 = tpu.vector_load %arg8[%swap3A] {strides = array<i32>} : memref<80xi32, #tpu.memory_space<vmem>>, vector<16xi32>,
      %swap3A_52 = vector.shape_cast %swap3A_51 : vector<16xi32> to vector<16xi32>
      %swap3A_53 = vector.shape_cast %select_n3A_50 : vector<16xi32> to vector<16xi32>
      tpu.vector_store %arg8[%swap3A], %swap3A_53 {strides = array<i32>} : memref<80xi32, #tpu.memory_space<vmem>>, vector<16xi32>,
      %get3A_54 = arith.constant 16 : index
      %get3A_55 = tpu.vector_load %arg7[%get3A_54] {strides = array<i32>} : memref<640xi32, #tpu.memory_space<vmem>>, vector<16xi32>,
      %get3A_56 = vector.shape_cast %get3A_55 : vector<16xi32> to vector<16xi32>
      %sub3A_57 = vector.broadcast %mul3A_0 : i32 to vector<16xi32>
      %sub3A_58 = arith.subi %get3A_56, %sub3A_57 : vector<16xi32>
      %lt3A_59 = arith.constant 0 : i32
      %lt3A_60 = vector.broadcast %lt3A_59 : i32 to vector<16xi32>
      %lt3A_61 = arith.cmpi slt, %sub3A_58, %lt3A_60 : vector<16xi32>
      %ge3A_62 = arith.constant 5200 : i32
      %ge3A_63 = vector.broadcast %ge3A_62 : i32 to vector<16xi32>
      %ge3A_64 = arith.cmpi sge, %sub3A_58, %ge3A_63 : vector<16xi32>
      %or3A_65 = arith.ori %lt3A_61, %ge3A_64 : vector<16xi1>
      %select_n3A_66 = arith.select %or3A_65, %broadcast_in_dim3A_25, %sub3A_58 : vector<16xi1>, vector<16xi32>
      %swap3A_67 = arith.constant 16 : index
      %swap3A_68 = tpu.vector_load %arg8[%swap3A_67] {strides = array<i32>} : memref<80xi32, #tpu.memory_space<vmem>>, vector<16xi32>,
      %swap3A_69 = vector.shape_cast %swap3A_68 : vector<16xi32> to vector<16xi32>
      %swap3A_70 = vector.shape_cast %select_n3A_66 : vector<16xi32> to vector<16xi32>
      tpu.vector_store %arg8[%swap3A_67], %swap3A_70 {strides = array<i32>} : memref<80xi32, #tpu.memory_space<vmem>>, vector<16xi32>,
      %get3A_71 = arith.constant 32 : index
      %get3A_72 = tpu.vector_load %arg7[%get3A_71] {strides = array<i32>} : memref<640xi32, #tpu.memory_space<vmem>>, vector<16xi32>,
      %get3A_73 = vector.shape_cast %get3A_72 : vector<16xi32> to vector<16xi32>
      %sub3A_74 = vector.broadcast %mul3A_0 : i32 to vector<16xi32>
      %sub3A_75 = arith.subi %get3A_73, %sub3A_74 : vector<16xi32>
      %lt3A_76 = arith.constant 0 : i32
      %lt3A_77 = vector.broadcast %lt3A_76 : i32 to vector<16xi32>
      %lt3A_78 = arith.cmpi slt, %sub3A_75, %lt3A_77 : vector<16xi32>
      %ge3A_79 = arith.constant 5200 : i32
      %ge3A_80 = vector.broadcast %ge3A_79 : i32 to vector<16xi32>
      %ge3A_81 = arith.cmpi sge, %sub3A_75, %ge3A_80 : vector<16xi32>
      %or3A_82 = arith.ori %lt3A_78, %ge3A_81 : vector<16xi1>
      %select_n3A_83 = arith.select %or3A_82, %broadcast_in_dim3A_25, %sub3A_75 : vector<16xi1>, vector<16xi32>
      %swap3A_84 = arith.constant 32 : index
      %swap3A_85 = tpu.vector_load %arg8[%swap3A_84] {strides = array<i32>} : memref<80xi32, #tpu.memory_space<vmem>>, vector<16xi32>,
      %swap3A_86 = vector.shape_cast %swap3A_85 : vector<16xi32> to vector<16xi32>
      %swap3A_87 = vector.shape_cast %select_n3A_83 : vector<16xi32> to vector<16xi32>
      tpu.vector_store %arg8[%swap3A_84], %swap3A_87 {strides = array<i32>} : memref<80xi32, #tpu.memory_space<vmem>>, vector<16xi32>,
      %get3A_88 = arith.constant 48 : index
      %get3A_89 = tpu.vector_load %arg7[%get3A_88] {strides = array<i32>} : memref<640xi32, #tpu.memory_space<vmem>>, vector<16xi32>,
      %get3A_90 = vector.shape_cast %get3A_89 : vector<16xi32> to vector<16xi32>
      %sub3A_91 = vector.broadcast %mul3A_0 : i32 to vector<16xi32>
      %sub3A_92 = arith.subi %get3A_90, %sub3A_91 : vector<16xi32>
      %lt3A_93 = arith.constant 0 : i32
      %lt3A_94 = vector.broadcast %lt3A_93 : i32 to vector<16xi32>
      %lt3A_95 = arith.cmpi slt, %sub3A_92, %lt3A_94 : vector<16xi32>
      %ge3A_96 = arith.constant 5200 : i32
      %ge3A_97 = vector.broadcast %ge3A_96 : i32 to vector<16xi32>
      %ge3A_98 = arith.cmpi sge, %sub3A_92, %ge3A_97 : vector<16xi32>
      %or3A_99 = arith.ori %lt3A_95, %ge3A_98 : vector<16xi1>
      %select_n3A_100 = arith.select %or3A_99, %broadcast_in_dim3A_25, %sub3A_92 : vector<16xi1>, vector<16xi32>
      %swap3A_101 = arith.constant 48 : index
      %swap3A_102 = tpu.vector_load %arg8[%swap3A_101] {strides = array<i32>} : memref<80xi32, #tpu.memory_space<vmem>>, vector<16xi32>,
      %swap3A_103 = vector.shape_cast %swap3A_102 : vector<16xi32> to vector<16xi32>
      %swap3A_104 = vector.shape_cast %select_n3A_100 : vector<16xi32> to vector<16xi32>
      tpu.vector_store %arg8[%swap3A_101], %swap3A_104 {strides = array<i32>} : memref<80xi32, #tpu.memory_space<vmem>>, vector<16xi32>,
      %get3A_105 = arith.constant 64 : index
      %get3A_106 = tpu.vector_load %arg7[%get3A_105] {strides = array<i32>} : memref<640xi32, #tpu.memory_space<vmem>>, vector<16xi32>,
      %get3A_107 = vector.shape_cast %get3A_106 : vector<16xi32> to vector<16xi32>
      %sub3A_108 = vector.broadcast %mul3A_0 : i32 to vector<16xi32>
      %sub3A_109 = arith.subi %get3A_107, %sub3A_108 : vector<16xi32>
      %lt3A_110 = arith.constant 0 : i32
      %lt3A_111 = vector.broadcast %lt3A_110 : i32 to vector<16xi32>
      %lt3A_112 = arith.cmpi slt, %sub3A_109, %lt3A_111 : vector<16xi32>
      %ge3A_113 = arith.constant 5200 : i32
      %ge3A_114 = vector.broadcast %ge3A_113 : i32 to vector<16xi32>
      %ge3A_115 = arith.cmpi sge, %sub3A_109, %ge3A_114 : vector<16xi32>
      %or3A_116 = arith.ori %lt3A_112, %ge3A_115 : vector<16xi1>
      %select_n3A_117 = arith.select %or3A_116, %broadcast_in_dim3A_25, %sub3A_109 : vector<16xi1>, vector<16xi32>
      %swap3A_118 = arith.constant 64 : index
      %swap3A_119 = tpu.vector_load %arg8[%swap3A_118] {strides = array<i32>} : memref<80xi32, #tpu.memory_space<vmem>>, vector<16xi32>,
      %swap3A_120 = vector.shape_cast %swap3A_119 : vector<16xi32> to vector<16xi32>
      %swap3A_121 = vector.shape_cast %select_n3A_117 : vector<16xi32> to vector<16xi32>
      tpu.vector_store %arg8[%swap3A_118], %swap3A_121 {strides = array<i32>} : memref<80xi32, #tpu.memory_space<vmem>>, vector<16xi32>,
      %get3A_122 = arith.constant 80 : index
      %get3A_123 = tpu.vector_load %arg7[%get3A_122] {strides = array<i32>} : memref<640xi32, #tpu.memory_space<vmem>>, vector<16xi32>,
      %get3A_124 = vector.shape_cast %get3A_123 : vector<16xi32> to vector<16xi32>
      %sub3A_125 = vector.broadcast %mul3A_0 : i32 to vector<16xi32>
      %sub3A_126 = arith.subi %get3A_124, %sub3A_125 : vector<16xi32>
      %lt3A_127 = arith.constant 0 : i32
      %lt3A_128 = vector.broadcast %lt3A_127 : i32 to vector<16xi32>
      %lt3A_129 = arith.cmpi slt, %sub3A_126, %lt3A_128 : vector<16xi32>
      %ge3A_130 = arith.constant 5200 : i32
      %ge3A_131 = vector.broadcast %ge3A_130 : i32 to vector<16xi32>
      %ge3A_132 = arith.cmpi sge, %sub3A_126, %ge3A_131 : vector<16xi32>
      %or3A_133 = arith.ori %lt3A_129, %ge3A_132 : vector<16xi1>
      %select_n3A_134 = arith.select %or3A_133, %broadcast_in_dim3A_25, %sub3A_126 : vector<16xi1>, vector<16xi32>
      %swap3A_135 = arith.constant 0 : index
      %swap3A_136 = tpu.vector_load %arg9[%swap3A_135] {strides = array<i32>} : memref<80xi32, #tpu.memory_space<vmem>>, vector<16xi32>,
      %swap3A_137 = vector.shape_cast %swap3A_136 : vector<16xi32> to vector<16xi32>
      %swap3A_138 = vector.shape_cast %select_n3A_134 : vector<16xi32> to vector<16xi32>
      tpu.vector_store %arg9[%swap3A_135], %swap3A_138 {strides = array<i32>} : memref<80xi32, #tpu.memory_space<vmem>>, vector<16xi32>,
      %get3A_139 = arith.constant 96 : index
      %get3A_140 = tpu.vector_load %arg7[%get3A_139] {strides = array<i32>} : memref<640xi32, #tpu.memory_space<vmem>>, vector<16xi32>,
      %get3A_141 = vector.shape_cast %get3A_140 : vector<16xi32> to vector<16xi32>
      %sub3A_142 = vector.broadcast %mul3A_0 : i32 to vector<16xi32>
      %sub3A_143 = arith.subi %get3A_141, %sub3A_142 : vector<16xi32>
      %lt3A_144 = arith.constant 0 : i32
      %lt3A_145 = vector.broadcast %lt3A_144 : i32 to vector<16xi32>
      %lt3A_146 = arith.cmpi slt, %sub3A_143, %lt3A_145 : vector<16xi32>
      %ge3A_147 = arith.constant 5200 : i32
      %ge3A_148 = vector.broadcast %ge3A_147 : i32 to vector<16xi32>
      %ge3A_149 = arith.cmpi sge, %sub3A_143, %ge3A_148 : vector<16xi32>
      %or3A_150 = arith.ori %lt3A_146, %ge3A_149 : vector<16xi1>
      %select_n3A_151 = arith.select %or3A_150, %broadcast_in_dim3A_25, %sub3A_143 : vector<16xi1>, vector<16xi32>
      %swap3A_152 = arith.constant 16 : index
      %swap3A_153 = tpu.vector_load %arg9[%swap3A_152] {strides = array<i32>} : memref<80xi32, #tpu.memory_space<vmem>>, vector<16xi32>,
      %swap3A_154 = vector.shape_cast %swap3A_153 : vector<16xi32> to vector<16xi32>
      %swap3A_155 = vector.shape_cast %select_n3A_151 : vector<16xi32> to vector<16xi32>
      tpu.vector_store %arg9[%swap3A_152], %swap3A_155 {strides = array<i32>} : memref<80xi32, #tpu.memory_space<vmem>>, vector<16xi32>,
      %get3A_156 = arith.constant 112 : index
      %get3A_157 = tpu.vector_load %arg7[%get3A_156] {strides = array<i32>} : memref<640xi32, #tpu.memory_space<vmem>>, vector<16xi32>,
      %get3A_158 = vector.shape_cast %get3A_157 : vector<16xi32> to vector<16xi32>
      %sub3A_159 = vector.broadcast %mul3A_0 : i32 to vector<16xi32>
      %sub3A_160 = arith.subi %get3A_158, %sub3A_159 : vector<16xi32>
      %lt3A_161 = arith.constant 0 : i32
      %lt3A_162 = vector.broadcast %lt3A_161 : i32 to vector<16xi32>
      %lt3A_163 = arith.cmpi slt, %sub3A_160, %lt3A_162 : vector<16xi32>
      %ge3A_164 = arith.constant 5200 : i32
      %ge3A_165 = vector.broadcast %ge3A_164 : i32 to vector<16xi32>
      %ge3A_166 = arith.cmpi sge, %sub3A_160, %ge3A_165 : vector<16xi32>
      %or3A_167 = arith.ori %lt3A_163, %ge3A_166 : vector<16xi1>
      %select_n3A_168 = arith.select %or3A_167, %broadcast_in_dim3A_25, %sub3A_160 : vector<16xi1>, vector<16xi32>
      %swap3A_169 = arith.constant 32 : index
      %swap3A_170 = tpu.vector_load %arg9[%swap3A_169] {strides = array<i32>} : memref<80xi32, #tpu.memory_space<vmem>>, vector<16xi32>,
      %swap3A_171 = vector.shape_cast %swap3A_170 : vector<16xi32> to vector<16xi32>
      %swap3A_172 = vector.shape_cast %select_n3A_168 : vector<16xi32> to vector<16xi32>
      tpu.vector_store %arg9[%swap3A_169], %swap3A_172 {strides = array<i32>} : memref<80xi32, #tpu.memory_space<vmem>>, vector<16xi32>,
      %get3A_173 = arith.constant 128 : index
      %get3A_174 = tpu.vector_load %arg7[%get3A_173] {strides = array<i32>} : memref<640xi32, #tpu.memory_space<vmem>>, vector<16xi32>,
      %get3A_175 = vector.shape_cast %get3A_174 : vector<16xi32> to vector<16xi32>
      %sub3A_176 = vector.broadcast %mul3A_0 : i32 to vector<16xi32>
      %sub3A_177 = arith.subi %get3A_175, %sub3A_176 : vector<16xi32>
      %lt3A_178 = arith.constant 0 : i32
      %lt3A_179 = vector.broadcast %lt3A_178 : i32 to vector<16xi32>
      %lt3A_180 = arith.cmpi slt, %sub3A_177, %lt3A_179 : vector<16xi32>
      %ge3A_181 = arith.constant 5200 : i32
      %ge3A_182 = vector.broadcast %ge3A_181 : i32 to vector<16xi32>
      %ge3A_183 = arith.cmpi sge, %sub3A_177, %ge3A_182 : vector<16xi32>
      %or3A_184 = arith.ori %lt3A_180, %ge3A_183 : vector<16xi1>
      %select_n3A_185 = arith.select %or3A_184, %broadcast_in_dim3A_25, %sub3A_177 : vector<16xi1>, vector<16xi32>
      %swap3A_186 = arith.constant 48 : index
      %swap3A_187 = tpu.vector_load %arg9[%swap3A_186] {strides = array<i32>} : memref<80xi32, #tpu.memory_space<vmem>>, vector<16xi32>,
      %swap3A_188 = vector.shape_cast %swap3A_187 : vector<16xi32> to vector<16xi32>
      %swap3A_189 = vector.shape_cast %select_n3A_185 : vector<16xi32> to vector<16xi32>
      tpu.vector_store %arg9[%swap3A_186], %swap3A_189 {strides = array<i32>} : memref<80xi32, #tpu.memory_space<vmem>>, vector<16xi32>,
      %get3A_190 = arith.constant 144 : index
      %get3A_191 = tpu.vector_load %arg7[%get3A_190] {strides = array<i32>} : memref<640xi32, #tpu.memory_space<vmem>>, vector<16xi32>,
      %get3A_192 = vector.shape_cast %get3A_191 : vector<16xi32> to vector<16xi32>
      %sub3A_193 = vector.broadcast %mul3A_0 : i32 to vector<16xi32>
      %sub3A_194 = arith.subi %get3A_192, %sub3A_193 : vector<16xi32>
      %lt3A_195 = arith.constant 0 : i32
      %lt3A_196 = vector.broadcast %lt3A_195 : i32 to vector<16xi32>
      %lt3A_197 = arith.cmpi slt, %sub3A_194, %lt3A_196 : vector<16xi32>
      %ge3A_198 = arith.constant 5200 : i32
      %ge3A_199 = vector.broadcast %ge3A_198 : i32 to vector<16xi32>
      %ge3A_200 = arith.cmpi sge, %sub3A_194, %ge3A_199 : vector<16xi32>
      %or3A_201 = arith.ori %lt3A_197, %ge3A_200 : vector<16xi1>
      %select_n3A_202 = arith.select %or3A_201, %broadcast_in_dim3A_25, %sub3A_194 : vector<16xi1>, vector<16xi32>
      %swap3A_203 = arith.constant 64 : index
      %swap3A_204 = tpu.vector_load %arg9[%swap3A_203] {strides = array<i32>} : memref<80xi32, #tpu.memory_space<vmem>>, vector<16xi32>,
      %swap3A_205 = vector.shape_cast %swap3A_204 : vector<16xi32> to vector<16xi32>
      %swap3A_206 = vector.shape_cast %select_n3A_202 : vector<16xi32> to vector<16xi32>
      tpu.vector_store %arg9[%swap3A_203], %swap3A_206 {strides = array<i32>} : memref<80xi32, #tpu.memory_space<vmem>>, vector<16xi32>,
      %get3A_207 = arith.constant 160 : index
      %get3A_208 = tpu.vector_load %arg7[%get3A_207] {strides = array<i32>} : memref<640xi32, #tpu.memory_space<vmem>>, vector<16xi32>,
      %get3A_209 = vector.shape_cast %get3A_208 : vector<16xi32> to vector<16xi32>
      %sub3A_210 = vector.broadcast %mul3A_0 : i32 to vector<16xi32>
      %sub3A_211 = arith.subi %get3A_209, %sub3A_210 : vector<16xi32>
      %lt3A_212 = arith.constant 0 : i32
      %lt3A_213 = vector.broadcast %lt3A_212 : i32 to vector<16xi32>
      %lt3A_214 = arith.cmpi slt, %sub3A_211, %lt3A_213 : vector<16xi32>
      %ge3A_215 = arith.constant 5200 : i32
      %ge3A_216 = vector.broadcast %ge3A_215 : i32 to vector<16xi32>
      %ge3A_217 = arith.cmpi sge, %sub3A_211, %ge3A_216 : vector<16xi32>
      %or3A_218 = arith.ori %lt3A_214, %ge3A_217 : vector<16xi1>
      %select_n3A_219 = arith.select %or3A_218, %broadcast_in_dim3A_25, %sub3A_211 : vector<16xi1>, vector<16xi32>
      %swap3A_220 = arith.constant 0 : index
      %swap3A_221 = tpu.vector_load %arg10[%swap3A_220] {strides = array<i32>} : memref<80xi32, #tpu.memory_space<vmem>>, vector<16xi32>,
      %swap3A_222 = vector.shape_cast %swap3A_221 : vector<16xi32> to vector<16xi32>
      %swap3A_223 = vector.shape_cast %select_n3A_219 : vector<16xi32> to vector<16xi32>
      tpu.vector_store %arg10[%swap3A_220], %swap3A_223 {strides = array<i32>} : memref<80xi32, #tpu.memory_space<vmem>>, vector<16xi32>,
      %get3A_224 = arith.constant 176 : index
      %get3A_225 = tpu.vector_load %arg7[%get3A_224] {strides = array<i32>} : memref<640xi32, #tpu.memory_space<vmem>>, vector<16xi32>,
      %get3A_226 = vector.shape_cast %get3A_225 : vector<16xi32> to vector<16xi32>
      %sub3A_227 = vector.broadcast %mul3A_0 : i32 to vector<16xi32>
      %sub3A_228 = arith.subi %get3A_226, %sub3A_227 : vector<16xi32>
      %lt3A_229 = arith.constant 0 : i32
      %lt3A_230 = vector.broadcast %lt3A_229 : i32 to vector<16xi32>
      %lt3A_231 = arith.cmpi slt, %sub3A_228, %lt3A_230 : vector<16xi32>
      %ge3A_232 = arith.constant 5200 : i32
      %ge3A_233 = vector.broadcast %ge3A_232 : i32 to vector<16xi32>
      %ge3A_234 = arith.cmpi sge, %sub3A_228, %ge3A_233 : vector<16xi32>
      %or3A_235 = arith.ori %lt3A_231, %ge3A_234 : vector<16xi1>
      %select_n3A_236 = arith.select %or3A_235, %broadcast_in_dim3A_25, %sub3A_228 : vector<16xi1>, vector<16xi32>
      %swap3A_237 = arith.constant 16 : index
      %swap3A_238 = tpu.vector_load %arg10[%swap3A_237] {strides = array<i32>} : memref<80xi32, #tpu.memory_space<vmem>>, vector<16xi32>,
      %swap3A_239 = vector.shape_cast %swap3A_238 : vector<16xi32> to vector<16xi32>
      %swap3A_240 = vector.shape_cast %select_n3A_236 : vector<16xi32> to vector<16xi32>
      tpu.vector_store %arg10[%swap3A_237], %swap3A_240 {strides = array<i32>} : memref<80xi32, #tpu.memory_space<vmem>>, vector<16xi32>,
      %get3A_241 = arith.constant 192 : index
      %get3A_242 = tpu.vector_load %arg7[%get3A_241] {strides = array<i32>} : memref<640xi32, #tpu.memory_space<vmem>>, vector<16xi32>,
      %get3A_243 = vector.shape_cast %get3A_242 : vector<16xi32> to vector<16xi32>
      %sub3A_244 = vector.broadcast %mul3A_0 : i32 to vector<16xi32>
      %sub3A_245 = arith.subi %get3A_243, %sub3A_244 : vector<16xi32>
      %lt3A_246 = arith.constant 0 : i32
      %lt3A_247 = vector.broadcast %lt3A_246 : i32 to vector<16xi32>
      %lt3A_248 = arith.cmpi slt, %sub3A_245, %lt3A_247 : vector<16xi32>
      %ge3A_249 = arith.constant 5200 : i32
      %ge3A_250 = vector.broadcast %ge3A_249 : i32 to vector<16xi32>
      %ge3A_251 = arith.cmpi sge, %sub3A_245, %ge3A_250 : vector<16xi32>
      %or3A_252 = arith.ori %lt3A_248, %ge3A_251 : vector<16xi1>
      %select_n3A_253 = arith.select %or3A_252, %broadcast_in_dim3A_25, %sub3A_245 : vector<16xi1>, vector<16xi32>
      %swap3A_254 = arith.constant 32 : index
      %swap3A_255 = tpu.vector_load %arg10[%swap3A_254] {strides = array<i32>} : memref<80xi32, #tpu.memory_space<vmem>>, vector<16xi32>,
      %swap3A_256 = vector.shape_cast %swap3A_255 : vector<16xi32> to vector<16xi32>
      %swap3A_257 = vector.shape_cast %select_n3A_253 : vector<16xi32> to vector<16xi32>
      tpu.vector_store %arg10[%swap3A_254], %swap3A_257 {strides = array<i32>} : memref<80xi32, #tpu.memory_space<vmem>>, vector<16xi32>,
      %get3A_258 = arith.constant 208 : index
      %get3A_259 = tpu.vector_load %arg7[%get3A_258] {strides = array<i32>} : memref<640xi32, #tpu.memory_space<vmem>>, vector<16xi32>,
      %get3A_260 = vector.shape_cast %get3A_259 : vector<16xi32> to vector<16xi32>
      %sub3A_261 = vector.broadcast %mul3A_0 : i32 to vector<16xi32>
      %sub3A_262 = arith.subi %get3A_260, %sub3A_261 : vector<16xi32>
      %lt3A_263 = arith.constant 0 : i32
      %lt3A_264 = vector.broadcast %lt3A_263 : i32 to vector<16xi32>
      %lt3A_265 = arith.cmpi slt, %sub3A_262, %lt3A_264 : vector<16xi32>
      %ge3A_266 = arith.constant 5200 : i32
      %ge3A_267 = vector.broadcast %ge3A_266 : i32 to vector<16xi32>
      %ge3A_268 = arith.cmpi sge, %sub3A_262, %ge3A_267 : vector<16xi32>
      %or3A_269 = arith.ori %lt3A_265, %ge3A_268 : vector<16xi1>
      %select_n3A_270 = arith.select %or3A_269, %broadcast_in_dim3A_25, %sub3A_262 : vector<16xi1>, vector<16xi32>
      %swap3A_271 = arith.constant 48 : index
      %swap3A_272 = tpu.vector_load %arg10[%swap3A_271] {strides = array<i32>} : memref<80xi32, #tpu.memory_space<vmem>>, vector<16xi32>,
      %swap3A_273 = vector.shape_cast %swap3A_272 : vector<16xi32> to vector<16xi32>
      %swap3A_274 = vector.shape_cast %select_n3A_270 : vector<16xi32> to vector<16xi32>
      tpu.vector_store %arg10[%swap3A_271], %swap3A_274 {strides = array<i32>} : memref<80xi32, #tpu.memory_space<vmem>>, vector<16xi32>,
      %get3A_275 = arith.constant 224 : index
      %get3A_276 = tpu.vector_load %arg7[%get3A_275] {strides = array<i32>} : memref<640xi32, #tpu.memory_space<vmem>>, vector<16xi32>,
      %get3A_277 = vector.shape_cast %get3A_276 : vector<16xi32> to vector<16xi32>
      %sub3A_278 = vector.broadcast %mul3A_0 : i32 to vector<16xi32>
      %sub3A_279 = arith.subi %get3A_277, %sub3A_278 : vector<16xi32>
      %lt3A_280 = arith.constant 0 : i32
      %lt3A_281 = vector.broadcast %lt3A_280 : i32 to vector<16xi32>
      %lt3A_282 = arith.cmpi slt, %sub3A_279, %lt3A_281 : vector<16xi32>
      %ge3A_283 = arith.constant 5200 : i32
      %ge3A_284 = vector.broadcast %ge3A_283 : i32 to vector<16xi32>
      %ge3A_285 = arith.cmpi sge, %sub3A_279, %ge3A_284 : vector<16xi32>
      %or3A_286 = arith.ori %lt3A_282, %ge3A_285 : vector<16xi1>
      %select_n3A_287 = arith.select %or3A_286, %broadcast_in_dim3A_25, %sub3A_279 : vector<16xi1>, vector<16xi32>
      %swap3A_288 = arith.constant 64 : index
      %swap3A_289 = tpu.vector_load %arg10[%swap3A_288] {strides = array<i32>} : memref<80xi32, #tpu.memory_space<vmem>>, vector<16xi32>,
      %swap3A_290 = vector.shape_cast %swap3A_289 : vector<16xi32> to vector<16xi32>
      %swap3A_291 = vector.shape_cast %select_n3A_287 : vector<16xi32> to vector<16xi32>
      tpu.vector_store %arg10[%swap3A_288], %swap3A_291 {strides = array<i32>} : memref<80xi32, #tpu.memory_space<vmem>>, vector<16xi32>,
      %get3A_292 = arith.constant 240 : index
      %get3A_293 = tpu.vector_load %arg7[%get3A_292] {strides = array<i32>} : memref<640xi32, #tpu.memory_space<vmem>>, vector<16xi32>,
      %get3A_294 = vector.shape_cast %get3A_293 : vector<16xi32> to vector<16xi32>
      %sub3A_295 = vector.broadcast %mul3A_0 : i32 to vector<16xi32>
      %sub3A_296 = arith.subi %get3A_294, %sub3A_295 : vector<16xi32>
      %lt3A_297 = arith.constant 0 : i32
      %lt3A_298 = vector.broadcast %lt3A_297 : i32 to vector<16xi32>
      %lt3A_299 = arith.cmpi slt, %sub3A_296, %lt3A_298 : vector<16xi32>
      %ge3A_300 = arith.constant 5200 : i32
      %ge3A_301 = vector.broadcast %ge3A_300 : i32 to vector<16xi32>
      %ge3A_302 = arith.cmpi sge, %sub3A_296, %ge3A_301 : vector<16xi32>
      %or3A_303 = arith.ori %lt3A_299, %ge3A_302 : vector<16xi1>
      %select_n3A_304 = arith.select %or3A_303, %broadcast_in_dim3A_25, %sub3A_296 : vector<16xi1>, vector<16xi32>
      %swap3A_305 = arith.constant 0 : index
      %swap3A_306 = tpu.vector_load %arg11[%swap3A_305] {strides = array<i32>} : memref<80xi32, #tpu.memory_space<vmem>>, vector<16xi32>,
      %swap3A_307 = vector.shape_cast %swap3A_306 : vector<16xi32> to vector<16xi32>
      %swap3A_308 = vector.shape_cast %select_n3A_304 : vector<16xi32> to vector<16xi32>
      tpu.vector_store %arg11[%swap3A_305], %swap3A_308 {strides = array<i32>} : memref<80xi32, #tpu.memory_space<vmem>>, vector<16xi32>,
      %get3A_309 = arith.constant 256 : index
      %get3A_310 = tpu.vector_load %arg7[%get3A_309] {strides = array<i32>} : memref<640xi32, #tpu.memory_space<vmem>>, vector<16xi32>,
      %get3A_311 = vector.shape_cast %get3A_310 : vector<16xi32> to vector<16xi32>
      %sub3A_312 = vector.broadcast %mul3A_0 : i32 to vector<16xi32>
      %sub3A_313 = arith.subi %get3A_311, %sub3A_312 : vector<16xi32>
      %lt3A_314 = arith.constant 0 : i32
      %lt3A_315 = vector.broadcast %lt3A_314 : i32 to vector<16xi32>
      %lt3A_316 = arith.cmpi slt, %sub3A_313, %lt3A_315 : vector<16xi32>
      %ge3A_317 = arith.constant 5200 : i32
      %ge3A_318 = vector.broadcast %ge3A_317 : i32 to vector<16xi32>
      %ge3A_319 = arith.cmpi sge, %sub3A_313, %ge3A_318 : vector<16xi32>
      %or3A_320 = arith.ori %lt3A_316, %ge3A_319 : vector<16xi1>
      %select_n3A_321 = arith.select %or3A_320, %broadcast_in_dim3A_25, %sub3A_313 : vector<16xi1>, vector<16xi32>
      %swap3A_322 = arith.constant 16 : index
      %swap3A_323 = tpu.vector_load %arg11[%swap3A_322] {strides = array<i32>} : memref<80xi32, #tpu.memory_space<vmem>>, vector<16xi32>,
      %swap3A_324 = vector.shape_cast %swap3A_323 : vector<16xi32> to vector<16xi32>
      %swap3A_325 = vector.shape_cast %select_n3A_321 : vector<16xi32> to vector<16xi32>
      tpu.vector_store %arg11[%swap3A_322], %swap3A_325 {strides = array<i32>} : memref<80xi32, #tpu.memory_space<vmem>>, vector<16xi32>,
      %get3A_326 = arith.constant 272 : index
      %get3A_327 = tpu.vector_load %arg7[%get3A_326] {strides = array<i32>} : memref<640xi32, #tpu.memory_space<vmem>>, vector<16xi32>,
      %get3A_328 = vector.shape_cast %get3A_327 : vector<16xi32> to vector<16xi32>
      %sub3A_329 = vector.broadcast %mul3A_0 : i32 to vector<16xi32>
      %sub3A_330 = arith.subi %get3A_328, %sub3A_329 : vector<16xi32>
      %lt3A_331 = arith.constant 0 : i32
      %lt3A_332 = vector.broadcast %lt3A_331 : i32 to vector<16xi32>
      %lt3A_333 = arith.cmpi slt, %sub3A_330, %lt3A_332 : vector<16xi32>
      %ge3A_334 = arith.constant 5200 : i32
      %ge3A_335 = vector.broadcast %ge3A_334 : i32 to vector<16xi32>
      %ge3A_336 = arith.cmpi sge, %sub3A_330, %ge3A_335 : vector<16xi32>
      %or3A_337 = arith.ori %lt3A_333, %ge3A_336 : vector<16xi1>
      %select_n3A_338 = arith.select %or3A_337, %broadcast_in_dim3A_25, %sub3A_330 : vector<16xi1>, vector<16xi32>
      %swap3A_339 = arith.constant 32 : index
      %swap3A_340 = tpu.vector_load %arg11[%swap3A_339] {strides = array<i32>} : memref<80xi32, #tpu.memory_space<vmem>>, vector<16xi32>,
      %swap3A_341 = vector.shape_cast %swap3A_340 : vector<16xi32> to vector<16xi32>
      %swap3A_342 = vector.shape_cast %select_n3A_338 : vector<16xi32> to vector<16xi32>
      tpu.vector_store %arg11[%swap3A_339], %swap3A_342 {strides = array<i32>} : memref<80xi32, #tpu.memory_space<vmem>>, vector<16xi32>,
      %get3A_343 = arith.constant 288 : index
      %get3A_344 = tpu.vector_load %arg7[%get3A_343] {strides = array<i32>} : memref<640xi32, #tpu.memory_space<vmem>>, vector<16xi32>,
      %get3A_345 = vector.shape_cast %get3A_344 : vector<16xi32> to vector<16xi32>
      %sub3A_346 = vector.broadcast %mul3A_0 : i32 to vector<16xi32>
      %sub3A_347 = arith.subi %get3A_345, %sub3A_346 : vector<16xi32>
      %lt3A_348 = arith.constant 0 : i32
      %lt3A_349 = vector.broadcast %lt3A_348 : i32 to vector<16xi32>
      %lt3A_350 = arith.cmpi slt, %sub3A_347, %lt3A_349 : vector<16xi32>
      %ge3A_351 = arith.constant 5200 : i32
      %ge3A_352 = vector.broadcast %ge3A_351 : i32 to vector<16xi32>
      %ge3A_353 = arith.cmpi sge, %sub3A_347, %ge3A_352 : vector<16xi32>
      %or3A_354 = arith.ori %lt3A_350, %ge3A_353 : vector<16xi1>
      %select_n3A_355 = arith.select %or3A_354, %broadcast_in_dim3A_25, %sub3A_347 : vector<16xi1>, vector<16xi32>
      %swap3A_356 = arith.constant 48 : index
      %swap3A_357 = tpu.vector_load %arg11[%swap3A_356] {strides = array<i32>} : memref<80xi32, #tpu.memory_space<vmem>>, vector<16xi32>,
      %swap3A_358 = vector.shape_cast %swap3A_357 : vector<16xi32> to vector<16xi32>
      %swap3A_359 = vector.shape_cast %select_n3A_355 : vector<16xi32> to vector<16xi32>
      tpu.vector_store %arg11[%swap3A_356], %swap3A_359 {strides = array<i32>} : memref<80xi32, #tpu.memory_space<vmem>>, vector<16xi32>,
      %get3A_360 = arith.constant 304 : index
      %get3A_361 = tpu.vector_load %arg7[%get3A_360] {strides = array<i32>} : memref<640xi32, #tpu.memory_space<vmem>>, vector<16xi32>,
      %get3A_362 = vector.shape_cast %get3A_361 : vector<16xi32> to vector<16xi32>
      %sub3A_363 = vector.broadcast %mul3A_0 : i32 to vector<16xi32>
      %sub3A_364 = arith.subi %get3A_362, %sub3A_363 : vector<16xi32>
      %lt3A_365 = arith.constant 0 : i32
      %lt3A_366 = vector.broadcast %lt3A_365 : i32 to vector<16xi32>
      %lt3A_367 = arith.cmpi slt, %sub3A_364, %lt3A_366 : vector<16xi32>
      %ge3A_368 = arith.constant 5200 : i32
      %ge3A_369 = vector.broadcast %ge3A_368 : i32 to vector<16xi32>
      %ge3A_370 = arith.cmpi sge, %sub3A_364, %ge3A_369 : vector<16xi32>
      %or3A_371 = arith.ori %lt3A_367, %ge3A_370 : vector<16xi1>
      %select_n3A_372 = arith.select %or3A_371, %broadcast_in_dim3A_25, %sub3A_364 : vector<16xi1>, vector<16xi32>
      %swap3A_373 = arith.constant 64 : index
      %swap3A_374 = tpu.vector_load %arg11[%swap3A_373] {strides = array<i32>} : memref<80xi32, #tpu.memory_space<vmem>>, vector<16xi32>,
      %swap3A_375 = vector.shape_cast %swap3A_374 : vector<16xi32> to vector<16xi32>
      %swap3A_376 = vector.shape_cast %select_n3A_372 : vector<16xi32> to vector<16xi32>
      tpu.vector_store %arg11[%swap3A_373], %swap3A_376 {strides = array<i32>} : memref<80xi32, #tpu.memory_space<vmem>>, vector<16xi32>,
      %get3A_377 = arith.constant 320 : index
      %get3A_378 = tpu.vector_load %arg7[%get3A_377] {strides = array<i32>} : memref<640xi32, #tpu.memory_space<vmem>>, vector<16xi32>,
      %get3A_379 = vector.shape_cast %get3A_378 : vector<16xi32> to vector<16xi32>
      %sub3A_380 = vector.broadcast %mul3A_0 : i32 to vector<16xi32>
      %sub3A_381 = arith.subi %get3A_379, %sub3A_380 : vector<16xi32>
      %lt3A_382 = arith.constant 0 : i32
      %lt3A_383 = vector.broadcast %lt3A_382 : i32 to vector<16xi32>
      %lt3A_384 = arith.cmpi slt, %sub3A_381, %lt3A_383 : vector<16xi32>
      %ge3A_385 = arith.constant 5200 : i32
      %ge3A_386 = vector.broadcast %ge3A_385 : i32 to vector<16xi32>
      %ge3A_387 = arith.cmpi sge, %sub3A_381, %ge3A_386 : vector<16xi32>
      %or3A_388 = arith.ori %lt3A_384, %ge3A_387 : vector<16xi1>
      %select_n3A_389 = arith.select %or3A_388, %broadcast_in_dim3A_25, %sub3A_381 : vector<16xi1>, vector<16xi32>
      %swap3A_390 = arith.constant 0 : index
      %swap3A_391 = tpu.vector_load %arg12[%swap3A_390] {strides = array<i32>} : memref<80xi32, #tpu.memory_space<vmem>>, vector<16xi32>,
      %swap3A_392 = vector.shape_cast %swap3A_391 : vector<16xi32> to vector<16xi32>
      %swap3A_393 = vector.shape_cast %select_n3A_389 : vector<16xi32> to vector<16xi32>
      tpu.vector_store %arg12[%swap3A_390], %swap3A_393 {strides = array<i32>} : memref<80xi32, #tpu.memory_space<vmem>>, vector<16xi32>,
      %get3A_394 = arith.constant 336 : index
      %get3A_395 = tpu.vector_load %arg7[%get3A_394] {strides = array<i32>} : memref<640xi32, #tpu.memory_space<vmem>>, vector<16xi32>,
      %get3A_396 = vector.shape_cast %get3A_395 : vector<16xi32> to vector<16xi32>
      %sub3A_397 = vector.broadcast %mul3A_0 : i32 to vector<16xi32>
      %sub3A_398 = arith.subi %get3A_396, %sub3A_397 : vector<16xi32>
      %lt3A_399 = arith.constant 0 : i32
      %lt3A_400 = vector.broadcast %lt3A_399 : i32 to vector<16xi32>
      %lt3A_401 = arith.cmpi slt, %sub3A_398, %lt3A_400 : vector<16xi32>
      %ge3A_402 = arith.constant 5200 : i32
      %ge3A_403 = vector.broadcast %ge3A_402 : i32 to vector<16xi32>
      %ge3A_404 = arith.cmpi sge, %sub3A_398, %ge3A_403 : vector<16xi32>
      %or3A_405 = arith.ori %lt3A_401, %ge3A_404 : vector<16xi1>
      %select_n3A_406 = arith.select %or3A_405, %broadcast_in_dim3A_25, %sub3A_398 : vector<16xi1>, vector<16xi32>
      %swap3A_407 = arith.constant 16 : index
      %swap3A_408 = tpu.vector_load %arg12[%swap3A_407] {strides = array<i32>} : memref<80xi32, #tpu.memory_space<vmem>>, vector<16xi32>,
      %swap3A_409 = vector.shape_cast %swap3A_408 : vector<16xi32> to vector<16xi32>
      %swap3A_410 = vector.shape_cast %select_n3A_406 : vector<16xi32> to vector<16xi32>
      tpu.vector_store %arg12[%swap3A_407], %swap3A_410 {strides = array<i32>} : memref<80xi32, #tpu.memory_space<vmem>>, vector<16xi32>,
      %get3A_411 = arith.constant 352 : index
      %get3A_412 = tpu.vector_load %arg7[%get3A_411] {strides = array<i32>} : memref<640xi32, #tpu.memory_space<vmem>>, vector<16xi32>,
      %get3A_413 = vector.shape_cast %get3A_412 : vector<16xi32> to vector<16xi32>
      %sub3A_414 = vector.broadcast %mul3A_0 : i32 to vector<16xi32>
      %sub3A_415 = arith.subi %get3A_413, %sub3A_414 : vector<16xi32>
      %lt3A_416 = arith.constant 0 : i32
      %lt3A_417 = vector.broadcast %lt3A_416 : i32 to vector<16xi32>
      %lt3A_418 = arith.cmpi slt, %sub3A_415, %lt3A_417 : vector<16xi32>
      %ge3A_419 = arith.constant 5200 : i32
      %ge3A_420 = vector.broadcast %ge3A_419 : i32 to vector<16xi32>
      %ge3A_421 = arith.cmpi sge, %sub3A_415, %ge3A_420 : vector<16xi32>
      %or3A_422 = arith.ori %lt3A_418, %ge3A_421 : vector<16xi1>
      %select_n3A_423 = arith.select %or3A_422, %broadcast_in_dim3A_25, %sub3A_415 : vector<16xi1>, vector<16xi32>
      %swap3A_424 = arith.constant 32 : index
      %swap3A_425 = tpu.vector_load %arg12[%swap3A_424] {strides = array<i32>} : memref<80xi32, #tpu.memory_space<vmem>>, vector<16xi32>,
      %swap3A_426 = vector.shape_cast %swap3A_425 : vector<16xi32> to vector<16xi32>
      %swap3A_427 = vector.shape_cast %select_n3A_423 : vector<16xi32> to vector<16xi32>
      tpu.vector_store %arg12[%swap3A_424], %swap3A_427 {strides = array<i32>} : memref<80xi32, #tpu.memory_space<vmem>>, vector<16xi32>,
      %get3A_428 = arith.constant 368 : index
      %get3A_429 = tpu.vector_load %arg7[%get3A_428] {strides = array<i32>} : memref<640xi32, #tpu.memory_space<vmem>>, vector<16xi32>,
      %get3A_430 = vector.shape_cast %get3A_429 : vector<16xi32> to vector<16xi32>
      %sub3A_431 = vector.broadcast %mul3A_0 : i32 to vector<16xi32>
      %sub3A_432 = arith.subi %get3A_430, %sub3A_431 : vector<16xi32>
      %lt3A_433 = arith.constant 0 : i32
      %lt3A_434 = vector.broadcast %lt3A_433 : i32 to vector<16xi32>
      %lt3A_435 = arith.cmpi slt, %sub3A_432, %lt3A_434 : vector<16xi32>
      %ge3A_436 = arith.constant 5200 : i32
      %ge3A_437 = vector.broadcast %ge3A_436 : i32 to vector<16xi32>
      %ge3A_438 = arith.cmpi sge, %sub3A_432, %ge3A_437 : vector<16xi32>
      %or3A_439 = arith.ori %lt3A_435, %ge3A_438 : vector<16xi1>
      %select_n3A_440 = arith.select %or3A_439, %broadcast_in_dim3A_25, %sub3A_432 : vector<16xi1>, vector<16xi32>
      %swap3A_441 = arith.constant 48 : index
      %swap3A_442 = tpu.vector_load %arg12[%swap3A_441] {strides = array<i32>} : memref<80xi32, #tpu.memory_space<vmem>>, vector<16xi32>,
      %swap3A_443 = vector.shape_cast %swap3A_442 : vector<16xi32> to vector<16xi32>
      %swap3A_444 = vector.shape_cast %select_n3A_440 : vector<16xi32> to vector<16xi32>
      tpu.vector_store %arg12[%swap3A_441], %swap3A_444 {strides = array<i32>} : memref<80xi32, #tpu.memory_space<vmem>>, vector<16xi32>,
      %get3A_445 = arith.constant 384 : index
      %get3A_446 = tpu.vector_load %arg7[%get3A_445] {strides = array<i32>} : memref<640xi32, #tpu.memory_space<vmem>>, vector<16xi32>,
      %get3A_447 = vector.shape_cast %get3A_446 : vector<16xi32> to vector<16xi32>
      %sub3A_448 = vector.broadcast %mul3A_0 : i32 to vector<16xi32>
      %sub3A_449 = arith.subi %get3A_447, %sub3A_448 : vector<16xi32>
      %lt3A_450 = arith.constant 0 : i32
      %lt3A_451 = vector.broadcast %lt3A_450 : i32 to vector<16xi32>
      %lt3A_452 = arith.cmpi slt, %sub3A_449, %lt3A_451 : vector<16xi32>
      %ge3A_453 = arith.constant 5200 : i32
      %ge3A_454 = vector.broadcast %ge3A_453 : i32 to vector<16xi32>
      %ge3A_455 = arith.cmpi sge, %sub3A_449, %ge3A_454 : vector<16xi32>
      %or3A_456 = arith.ori %lt3A_452, %ge3A_455 : vector<16xi1>
      %select_n3A_457 = arith.select %or3A_456, %broadcast_in_dim3A_25, %sub3A_449 : vector<16xi1>, vector<16xi32>
      %swap3A_458 = arith.constant 64 : index
      %swap3A_459 = tpu.vector_load %arg12[%swap3A_458] {strides = array<i32>} : memref<80xi32, #tpu.memory_space<vmem>>, vector<16xi32>,
      %swap3A_460 = vector.shape_cast %swap3A_459 : vector<16xi32> to vector<16xi32>
      %swap3A_461 = vector.shape_cast %select_n3A_457 : vector<16xi32> to vector<16xi32>
      tpu.vector_store %arg12[%swap3A_458], %swap3A_461 {strides = array<i32>} : memref<80xi32, #tpu.memory_space<vmem>>, vector<16xi32>,
      %get3A_462 = arith.constant 400 : index
      %get3A_463 = tpu.vector_load %arg7[%get3A_462] {strides = array<i32>} : memref<640xi32, #tpu.memory_space<vmem>>, vector<16xi32>,
      %get3A_464 = vector.shape_cast %get3A_463 : vector<16xi32> to vector<16xi32>
      %sub3A_465 = vector.broadcast %mul3A_0 : i32 to vector<16xi32>
      %sub3A_466 = arith.subi %get3A_464, %sub3A_465 : vector<16xi32>
      %lt3A_467 = arith.constant 0 : i32
      %lt3A_468 = vector.broadcast %lt3A_467 : i32 to vector<16xi32>
      %lt3A_469 = arith.cmpi slt, %sub3A_466, %lt3A_468 : vector<16xi32>
      %ge3A_470 = arith.constant 5200 : i32
      %ge3A_471 = vector.broadcast %ge3A_470 : i32 to vector<16xi32>
      %ge3A_472 = arith.cmpi sge, %sub3A_466, %ge3A_471 : vector<16xi32>
      %or3A_473 = arith.ori %lt3A_469, %ge3A_472 : vector<16xi1>
      %select_n3A_474 = arith.select %or3A_473, %broadcast_in_dim3A_25, %sub3A_466 : vector<16xi1>, vector<16xi32>
      %swap3A_475 = arith.constant 0 : index
      %swap3A_476 = tpu.vector_load %arg13[%swap3A_475] {strides = array<i32>} : memref<80xi32, #tpu.memory_space<vmem>>, vector<16xi32>,
      %swap3A_477 = vector.shape_cast %swap3A_476 : vector<16xi32> to vector<16xi32>
      %swap3A_478 = vector.shape_cast %select_n3A_474 : vector<16xi32> to vector<16xi32>
      tpu.vector_store %arg13[%swap3A_475], %swap3A_478 {strides = array<i32>} : memref<80xi32, #tpu.memory_space<vmem>>, vector<16xi32>,
      %get3A_479 = arith.constant 416 : index
      %get3A_480 = tpu.vector_load %arg7[%get3A_479] {strides = array<i32>} : memref<640xi32, #tpu.memory_space<vmem>>, vector<16xi32>,
      %get3A_481 = vector.shape_cast %get3A_480 : vector<16xi32> to vector<16xi32>
      %sub3A_482 = vector.broadcast %mul3A_0 : i32 to vector<16xi32>
      %sub3A_483 = arith.subi %get3A_481, %sub3A_482 : vector<16xi32>
      %lt3A_484 = arith.constant 0 : i32
      %lt3A_485 = vector.broadcast %lt3A_484 : i32 to vector<16xi32>
      %lt3A_486 = arith.cmpi slt, %sub3A_483, %lt3A_485 : vector<16xi32>
      %ge3A_487 = arith.constant 5200 : i32
      %ge3A_488 = vector.broadcast %ge3A_487 : i32 to vector<16xi32>
      %ge3A_489 = arith.cmpi sge, %sub3A_483, %ge3A_488 : vector<16xi32>
      %or3A_490 = arith.ori %lt3A_486, %ge3A_489 : vector<16xi1>
      %select_n3A_491 = arith.select %or3A_490, %broadcast_in_dim3A_25, %sub3A_483 : vector<16xi1>, vector<16xi32>
      %swap3A_492 = arith.constant 16 : index
      %swap3A_493 = tpu.vector_load %arg13[%swap3A_492] {strides = array<i32>} : memref<80xi32, #tpu.memory_space<vmem>>, vector<16xi32>,
      %swap3A_494 = vector.shape_cast %swap3A_493 : vector<16xi32> to vector<16xi32>
      %swap3A_495 = vector.shape_cast %select_n3A_491 : vector<16xi32> to vector<16xi32>
      tpu.vector_store %arg13[%swap3A_492], %swap3A_495 {strides = array<i32>} : memref<80xi32, #tpu.memory_space<vmem>>, vector<16xi32>,
      %get3A_496 = arith.constant 432 : index
      %get3A_497 = tpu.vector_load %arg7[%get3A_496] {strides = array<i32>} : memref<640xi32, #tpu.memory_space<vmem>>, vector<16xi32>,
      %get3A_498 = vector.shape_cast %get3A_497 : vector<16xi32> to vector<16xi32>
      %sub3A_499 = vector.broadcast %mul3A_0 : i32 to vector<16xi32>
      %sub3A_500 = arith.subi %get3A_498, %sub3A_499 : vector<16xi32>
      %lt3A_501 = arith.constant 0 : i32
      %lt3A_502 = vector.broadcast %lt3A_501 : i32 to vector<16xi32>
      %lt3A_503 = arith.cmpi slt, %sub3A_500, %lt3A_502 : vector<16xi32>
      %ge3A_504 = arith.constant 5200 : i32
      %ge3A_505 = vector.broadcast %ge3A_504 : i32 to vector<16xi32>
      %ge3A_506 = arith.cmpi sge, %sub3A_500, %ge3A_505 : vector<16xi32>
      %or3A_507 = arith.ori %lt3A_503, %ge3A_506 : vector<16xi1>
      %select_n3A_508 = arith.select %or3A_507, %broadcast_in_dim3A_25, %sub3A_500 : vector<16xi1>, vector<16xi32>
      %swap3A_509 = arith.constant 32 : index
      %swap3A_510 = tpu.vector_load %arg13[%swap3A_509] {strides = array<i32>} : memref<80xi32, #tpu.memory_space<vmem>>, vector<16xi32>,
      %swap3A_511 = vector.shape_cast %swap3A_510 : vector<16xi32> to vector<16xi32>
      %swap3A_512 = vector.shape_cast %select_n3A_508 : vector<16xi32> to vector<16xi32>
      tpu.vector_store %arg13[%swap3A_509], %swap3A_512 {strides = array<i32>} : memref<80xi32, #tpu.memory_space<vmem>>, vector<16xi32>,
      %get3A_513 = arith.constant 448 : index
      %get3A_514 = tpu.vector_load %arg7[%get3A_513] {strides = array<i32>} : memref<640xi32, #tpu.memory_space<vmem>>, vector<16xi32>,
      %get3A_515 = vector.shape_cast %get3A_514 : vector<16xi32> to vector<16xi32>
      %sub3A_516 = vector.broadcast %mul3A_0 : i32 to vector<16xi32>
      %sub3A_517 = arith.subi %get3A_515, %sub3A_516 : vector<16xi32>
      %lt3A_518 = arith.constant 0 : i32
      %lt3A_519 = vector.broadcast %lt3A_518 : i32 to vector<16xi32>
      %lt3A_520 = arith.cmpi slt, %sub3A_517, %lt3A_519 : vector<16xi32>
      %ge3A_521 = arith.constant 5200 : i32
      %ge3A_522 = vector.broadcast %ge3A_521 : i32 to vector<16xi32>
      %ge3A_523 = arith.cmpi sge, %sub3A_517, %ge3A_522 : vector<16xi32>
      %or3A_524 = arith.ori %lt3A_520, %ge3A_523 : vector<16xi1>
      %select_n3A_525 = arith.select %or3A_524, %broadcast_in_dim3A_25, %sub3A_517 : vector<16xi1>, vector<16xi32>
      %swap3A_526 = arith.constant 48 : index
      %swap3A_527 = tpu.vector_load %arg13[%swap3A_526] {strides = array<i32>} : memref<80xi32, #tpu.memory_space<vmem>>, vector<16xi32>,
      %swap3A_528 = vector.shape_cast %swap3A_527 : vector<16xi32> to vector<16xi32>
      %swap3A_529 = vector.shape_cast %select_n3A_525 : vector<16xi32> to vector<16xi32>
      tpu.vector_store %arg13[%swap3A_526], %swap3A_529 {strides = array<i32>} : memref<80xi32, #tpu.memory_space<vmem>>, vector<16xi32>,
      %get3A_530 = arith.constant 464 : index
      %get3A_531 = tpu.vector_load %arg7[%get3A_530] {strides = array<i32>} : memref<640xi32, #tpu.memory_space<vmem>>, vector<16xi32>,
      %get3A_532 = vector.shape_cast %get3A_531 : vector<16xi32> to vector<16xi32>
      %sub3A_533 = vector.broadcast %mul3A_0 : i32 to vector<16xi32>
      %sub3A_534 = arith.subi %get3A_532, %sub3A_533 : vector<16xi32>
      %lt3A_535 = arith.constant 0 : i32
      %lt3A_536 = vector.broadcast %lt3A_535 : i32 to vector<16xi32>
      %lt3A_537 = arith.cmpi slt, %sub3A_534, %lt3A_536 : vector<16xi32>
      %ge3A_538 = arith.constant 5200 : i32
      %ge3A_539 = vector.broadcast %ge3A_538 : i32 to vector<16xi32>
      %ge3A_540 = arith.cmpi sge, %sub3A_534, %ge3A_539 : vector<16xi32>
      %or3A_541 = arith.ori %lt3A_537, %ge3A_540 : vector<16xi1>
      %select_n3A_542 = arith.select %or3A_541, %broadcast_in_dim3A_25, %sub3A_534 : vector<16xi1>, vector<16xi32>
      %swap3A_543 = arith.constant 64 : index
      %swap3A_544 = tpu.vector_load %arg13[%swap3A_543] {strides = array<i32>} : memref<80xi32, #tpu.memory_space<vmem>>, vector<16xi32>,
      %swap3A_545 = vector.shape_cast %swap3A_544 : vector<16xi32> to vector<16xi32>
      %swap3A_546 = vector.shape_cast %select_n3A_542 : vector<16xi32> to vector<16xi32>
      tpu.vector_store %arg13[%swap3A_543], %swap3A_546 {strides = array<i32>} : memref<80xi32, #tpu.memory_space<vmem>>, vector<16xi32>,
      %get3A_547 = arith.constant 480 : index
      %get3A_548 = tpu.vector_load %arg7[%get3A_547] {strides = array<i32>} : memref<640xi32, #tpu.memory_space<vmem>>, vector<16xi32>,
      %get3A_549 = vector.shape_cast %get3A_548 : vector<16xi32> to vector<16xi32>
      %sub3A_550 = vector.broadcast %mul3A_0 : i32 to vector<16xi32>
      %sub3A_551 = arith.subi %get3A_549, %sub3A_550 : vector<16xi32>
      %lt3A_552 = arith.constant 0 : i32
      %lt3A_553 = vector.broadcast %lt3A_552 : i32 to vector<16xi32>
      %lt3A_554 = arith.cmpi slt, %sub3A_551, %lt3A_553 : vector<16xi32>
      %ge3A_555 = arith.constant 5200 : i32
      %ge3A_556 = vector.broadcast %ge3A_555 : i32 to vector<16xi32>
      %ge3A_557 = arith.cmpi sge, %sub3A_551, %ge3A_556 : vector<16xi32>
      %or3A_558 = arith.ori %lt3A_554, %ge3A_557 : vector<16xi1>
      %select_n3A_559 = arith.select %or3A_558, %broadcast_in_dim3A_25, %sub3A_551 : vector<16xi1>, vector<16xi32>
      %swap3A_560 = arith.constant 0 : index
      %swap3A_561 = tpu.vector_load %arg14[%swap3A_560] {strides = array<i32>} : memref<80xi32, #tpu.memory_space<vmem>>, vector<16xi32>,
      %swap3A_562 = vector.shape_cast %swap3A_561 : vector<16xi32> to vector<16xi32>
      %swap3A_563 = vector.shape_cast %select_n3A_559 : vector<16xi32> to vector<16xi32>
      tpu.vector_store %arg14[%swap3A_560], %swap3A_563 {strides = array<i32>} : memref<80xi32, #tpu.memory_space<vmem>>, vector<16xi32>,
      %get3A_564 = arith.constant 496 : index
      %get3A_565 = tpu.vector_load %arg7[%get3A_564] {strides = array<i32>} : memref<640xi32, #tpu.memory_space<vmem>>, vector<16xi32>,
      %get3A_566 = vector.shape_cast %get3A_565 : vector<16xi32> to vector<16xi32>
      %sub3A_567 = vector.broadcast %mul3A_0 : i32 to vector<16xi32>
      %sub3A_568 = arith.subi %get3A_566, %sub3A_567 : vector<16xi32>
      %lt3A_569 = arith.constant 0 : i32
      %lt3A_570 = vector.broadcast %lt3A_569 : i32 to vector<16xi32>
      %lt3A_571 = arith.cmpi slt, %sub3A_568, %lt3A_570 : vector<16xi32>
      %ge3A_572 = arith.constant 5200 : i32
      %ge3A_573 = vector.broadcast %ge3A_572 : i32 to vector<16xi32>
      %ge3A_574 = arith.cmpi sge, %sub3A_568, %ge3A_573 : vector<16xi32>
      %or3A_575 = arith.ori %lt3A_571, %ge3A_574 : vector<16xi1>
      %select_n3A_576 = arith.select %or3A_575, %broadcast_in_dim3A_25, %sub3A_568 : vector<16xi1>, vector<16xi32>
      %swap3A_577 = arith.constant 16 : index
      %swap3A_578 = tpu.vector_load %arg14[%swap3A_577] {strides = array<i32>} : memref<80xi32, #tpu.memory_space<vmem>>, vector<16xi32>,
      %swap3A_579 = vector.shape_cast %swap3A_578 : vector<16xi32> to vector<16xi32>
      %swap3A_580 = vector.shape_cast %select_n3A_576 : vector<16xi32> to vector<16xi32>
      tpu.vector_store %arg14[%swap3A_577], %swap3A_580 {strides = array<i32>} : memref<80xi32, #tpu.memory_space<vmem>>, vector<16xi32>,
      %get3A_581 = arith.constant 512 : index
      %get3A_582 = tpu.vector_load %arg7[%get3A_581] {strides = array<i32>} : memref<640xi32, #tpu.memory_space<vmem>>, vector<16xi32>,
      %get3A_583 = vector.shape_cast %get3A_582 : vector<16xi32> to vector<16xi32>
      %sub3A_584 = vector.broadcast %mul3A_0 : i32 to vector<16xi32>
      %sub3A_585 = arith.subi %get3A_583, %sub3A_584 : vector<16xi32>
      %lt3A_586 = arith.constant 0 : i32
      %lt3A_587 = vector.broadcast %lt3A_586 : i32 to vector<16xi32>
      %lt3A_588 = arith.cmpi slt, %sub3A_585, %lt3A_587 : vector<16xi32>
      %ge3A_589 = arith.constant 5200 : i32
      %ge3A_590 = vector.broadcast %ge3A_589 : i32 to vector<16xi32>
      %ge3A_591 = arith.cmpi sge, %sub3A_585, %ge3A_590 : vector<16xi32>
      %or3A_592 = arith.ori %lt3A_588, %ge3A_591 : vector<16xi1>
      %select_n3A_593 = arith.select %or3A_592, %broadcast_in_dim3A_25, %sub3A_585 : vector<16xi1>, vector<16xi32>
      %swap3A_594 = arith.constant 32 : index
      %swap3A_595 = tpu.vector_load %arg14[%swap3A_594] {strides = array<i32>} : memref<80xi32, #tpu.memory_space<vmem>>, vector<16xi32>,
      %swap3A_596 = vector.shape_cast %swap3A_595 : vector<16xi32> to vector<16xi32>
      %swap3A_597 = vector.shape_cast %select_n3A_593 : vector<16xi32> to vector<16xi32>
      tpu.vector_store %arg14[%swap3A_594], %swap3A_597 {strides = array<i32>} : memref<80xi32, #tpu.memory_space<vmem>>, vector<16xi32>,
      %get3A_598 = arith.constant 528 : index
      %get3A_599 = tpu.vector_load %arg7[%get3A_598] {strides = array<i32>} : memref<640xi32, #tpu.memory_space<vmem>>, vector<16xi32>,
      %get3A_600 = vector.shape_cast %get3A_599 : vector<16xi32> to vector<16xi32>
      %sub3A_601 = vector.broadcast %mul3A_0 : i32 to vector<16xi32>
      %sub3A_602 = arith.subi %get3A_600, %sub3A_601 : vector<16xi32>
      %lt3A_603 = arith.constant 0 : i32
      %lt3A_604 = vector.broadcast %lt3A_603 : i32 to vector<16xi32>
      %lt3A_605 = arith.cmpi slt, %sub3A_602, %lt3A_604 : vector<16xi32>
      %ge3A_606 = arith.constant 5200 : i32
      %ge3A_607 = vector.broadcast %ge3A_606 : i32 to vector<16xi32>
      %ge3A_608 = arith.cmpi sge, %sub3A_602, %ge3A_607 : vector<16xi32>
      %or3A_609 = arith.ori %lt3A_605, %ge3A_608 : vector<16xi1>
      %select_n3A_610 = arith.select %or3A_609, %broadcast_in_dim3A_25, %sub3A_602 : vector<16xi1>, vector<16xi32>
      %swap3A_611 = arith.constant 48 : index
      %swap3A_612 = tpu.vector_load %arg14[%swap3A_611] {strides = array<i32>} : memref<80xi32, #tpu.memory_space<vmem>>, vector<16xi32>,
      %swap3A_613 = vector.shape_cast %swap3A_612 : vector<16xi32> to vector<16xi32>
      %swap3A_614 = vector.shape_cast %select_n3A_610 : vector<16xi32> to vector<16xi32>
      tpu.vector_store %arg14[%swap3A_611], %swap3A_614 {strides = array<i32>} : memref<80xi32, #tpu.memory_space<vmem>>, vector<16xi32>,
      %get3A_615 = arith.constant 544 : index
      %get3A_616 = tpu.vector_load %arg7[%get3A_615] {strides = array<i32>} : memref<640xi32, #tpu.memory_space<vmem>>, vector<16xi32>,
      %get3A_617 = vector.shape_cast %get3A_616 : vector<16xi32> to vector<16xi32>
      %sub3A_618 = vector.broadcast %mul3A_0 : i32 to vector<16xi32>
      %sub3A_619 = arith.subi %get3A_617, %sub3A_618 : vector<16xi32>
      %lt3A_620 = arith.constant 0 : i32
      %lt3A_621 = vector.broadcast %lt3A_620 : i32 to vector<16xi32>
      %lt3A_622 = arith.cmpi slt, %sub3A_619, %lt3A_621 : vector<16xi32>
      %ge3A_623 = arith.constant 5200 : i32
      %ge3A_624 = vector.broadcast %ge3A_623 : i32 to vector<16xi32>
      %ge3A_625 = arith.cmpi sge, %sub3A_619, %ge3A_624 : vector<16xi32>
      %or3A_626 = arith.ori %lt3A_622, %ge3A_625 : vector<16xi1>
      %select_n3A_627 = arith.select %or3A_626, %broadcast_in_dim3A_25, %sub3A_619 : vector<16xi1>, vector<16xi32>
      %swap3A_628 = arith.constant 64 : index
      %swap3A_629 = tpu.vector_load %arg14[%swap3A_628] {strides = array<i32>} : memref<80xi32, #tpu.memory_space<vmem>>, vector<16xi32>,
      %swap3A_630 = vector.shape_cast %swap3A_629 : vector<16xi32> to vector<16xi32>
      %swap3A_631 = vector.shape_cast %select_n3A_627 : vector<16xi32> to vector<16xi32>
      tpu.vector_store %arg14[%swap3A_628], %swap3A_631 {strides = array<i32>} : memref<80xi32, #tpu.memory_space<vmem>>, vector<16xi32>,
      %get3A_632 = arith.constant 560 : index
      %get3A_633 = tpu.vector_load %arg7[%get3A_632] {strides = array<i32>} : memref<640xi32, #tpu.memory_space<vmem>>, vector<16xi32>,
      %get3A_634 = vector.shape_cast %get3A_633 : vector<16xi32> to vector<16xi32>
      %sub3A_635 = vector.broadcast %mul3A_0 : i32 to vector<16xi32>
      %sub3A_636 = arith.subi %get3A_634, %sub3A_635 : vector<16xi32>
      %lt3A_637 = arith.constant 0 : i32
      %lt3A_638 = vector.broadcast %lt3A_637 : i32 to vector<16xi32>
      %lt3A_639 = arith.cmpi slt, %sub3A_636, %lt3A_638 : vector<16xi32>
      %ge3A_640 = arith.constant 5200 : i32
      %ge3A_641 = vector.broadcast %ge3A_640 : i32 to vector<16xi32>
      %ge3A_642 = arith.cmpi sge, %sub3A_636, %ge3A_641 : vector<16xi32>
      %or3A_643 = arith.ori %lt3A_639, %ge3A_642 : vector<16xi1>
      %select_n3A_644 = arith.select %or3A_643, %broadcast_in_dim3A_25, %sub3A_636 : vector<16xi1>, vector<16xi32>
      %swap3A_645 = arith.constant 0 : index
      %swap3A_646 = tpu.vector_load %arg15[%swap3A_645] {strides = array<i32>} : memref<80xi32, #tpu.memory_space<vmem>>, vector<16xi32>,
      %swap3A_647 = vector.shape_cast %swap3A_646 : vector<16xi32> to vector<16xi32>
      %swap3A_648 = vector.shape_cast %select_n3A_644 : vector<16xi32> to vector<16xi32>
      tpu.vector_store %arg15[%swap3A_645], %swap3A_648 {strides = array<i32>} : memref<80xi32, #tpu.memory_space<vmem>>, vector<16xi32>,
      %get3A_649 = arith.constant 576 : index
      %get3A_650 = tpu.vector_load %arg7[%get3A_649] {strides = array<i32>} : memref<640xi32, #tpu.memory_space<vmem>>, vector<16xi32>,
      %get3A_651 = vector.shape_cast %get3A_650 : vector<16xi32> to vector<16xi32>
      %sub3A_652 = vector.broadcast %mul3A_0 : i32 to vector<16xi32>
      %sub3A_653 = arith.subi %get3A_651, %sub3A_652 : vector<16xi32>
      %lt3A_654 = arith.constant 0 : i32
      %lt3A_655 = vector.broadcast %lt3A_654 : i32 to vector<16xi32>
      %lt3A_656 = arith.cmpi slt, %sub3A_653, %lt3A_655 : vector<16xi32>
      %ge3A_657 = arith.constant 5200 : i32
      %ge3A_658 = vector.broadcast %ge3A_657 : i32 to vector<16xi32>
      %ge3A_659 = arith.cmpi sge, %sub3A_653, %ge3A_658 : vector<16xi32>
      %or3A_660 = arith.ori %lt3A_656, %ge3A_659 : vector<16xi1>
      %select_n3A_661 = arith.select %or3A_660, %broadcast_in_dim3A_25, %sub3A_653 : vector<16xi1>, vector<16xi32>
      %swap3A_662 = arith.constant 16 : index
      %swap3A_663 = tpu.vector_load %arg15[%swap3A_662] {strides = array<i32>} : memref<80xi32, #tpu.memory_space<vmem>>, vector<16xi32>,
      %swap3A_664 = vector.shape_cast %swap3A_663 : vector<16xi32> to vector<16xi32>
      %swap3A_665 = vector.shape_cast %select_n3A_661 : vector<16xi32> to vector<16xi32>
      tpu.vector_store %arg15[%swap3A_662], %swap3A_665 {strides = array<i32>} : memref<80xi32, #tpu.memory_space<vmem>>, vector<16xi32>,
      %get3A_666 = arith.constant 592 : index
      %get3A_667 = tpu.vector_load %arg7[%get3A_666] {strides = array<i32>} : memref<640xi32, #tpu.memory_space<vmem>>, vector<16xi32>,
      %get3A_668 = vector.shape_cast %get3A_667 : vector<16xi32> to vector<16xi32>
      %sub3A_669 = vector.broadcast %mul3A_0 : i32 to vector<16xi32>
      %sub3A_670 = arith.subi %get3A_668, %sub3A_669 : vector<16xi32>
      %lt3A_671 = arith.constant 0 : i32
      %lt3A_672 = vector.broadcast %lt3A_671 : i32 to vector<16xi32>
      %lt3A_673 = arith.cmpi slt, %sub3A_670, %lt3A_672 : vector<16xi32>
      %ge3A_674 = arith.constant 5200 : i32
      %ge3A_675 = vector.broadcast %ge3A_674 : i32 to vector<16xi32>
      %ge3A_676 = arith.cmpi sge, %sub3A_670, %ge3A_675 : vector<16xi32>
      %or3A_677 = arith.ori %lt3A_673, %ge3A_676 : vector<16xi1>
      %select_n3A_678 = arith.select %or3A_677, %broadcast_in_dim3A_25, %sub3A_670 : vector<16xi1>, vector<16xi32>
      %swap3A_679 = arith.constant 32 : index
      %swap3A_680 = tpu.vector_load %arg15[%swap3A_679] {strides = array<i32>} : memref<80xi32, #tpu.memory_space<vmem>>, vector<16xi32>,
      %swap3A_681 = vector.shape_cast %swap3A_680 : vector<16xi32> to vector<16xi32>
      %swap3A_682 = vector.shape_cast %select_n3A_678 : vector<16xi32> to vector<16xi32>
      tpu.vector_store %arg15[%swap3A_679], %swap3A_682 {strides = array<i32>} : memref<80xi32, #tpu.memory_space<vmem>>, vector<16xi32>,
      %get3A_683 = arith.constant 608 : index
      %get3A_684 = tpu.vector_load %arg7[%get3A_683] {strides = array<i32>} : memref<640xi32, #tpu.memory_space<vmem>>, vector<16xi32>,
      %get3A_685 = vector.shape_cast %get3A_684 : vector<16xi32> to vector<16xi32>
      %sub3A_686 = vector.broadcast %mul3A_0 : i32 to vector<16xi32>
      %sub3A_687 = arith.subi %get3A_685, %sub3A_686 : vector<16xi32>
      %lt3A_688 = arith.constant 0 : i32
      %lt3A_689 = vector.broadcast %lt3A_688 : i32 to vector<16xi32>
      %lt3A_690 = arith.cmpi slt, %sub3A_687, %lt3A_689 : vector<16xi32>
      %ge3A_691 = arith.constant 5200 : i32
      %ge3A_692 = vector.broadcast %ge3A_691 : i32 to vector<16xi32>
      %ge3A_693 = arith.cmpi sge, %sub3A_687, %ge3A_692 : vector<16xi32>
      %or3A_694 = arith.ori %lt3A_690, %ge3A_693 : vector<16xi1>
      %select_n3A_695 = arith.select %or3A_694, %broadcast_in_dim3A_25, %sub3A_687 : vector<16xi1>, vector<16xi32>
      %swap3A_696 = arith.constant 48 : index
      %swap3A_697 = tpu.vector_load %arg15[%swap3A_696] {strides = array<i32>} : memref<80xi32, #tpu.memory_space<vmem>>, vector<16xi32>,
      %swap3A_698 = vector.shape_cast %swap3A_697 : vector<16xi32> to vector<16xi32>
      %swap3A_699 = vector.shape_cast %select_n3A_695 : vector<16xi32> to vector<16xi32>
      tpu.vector_store %arg15[%swap3A_696], %swap3A_699 {strides = array<i32>} : memref<80xi32, #tpu.memory_space<vmem>>, vector<16xi32>,
      %get3A_700 = arith.constant 624 : index
      %get3A_701 = tpu.vector_load %arg7[%get3A_700] {strides = array<i32>} : memref<640xi32, #tpu.memory_space<vmem>>, vector<16xi32>,
      %get3A_702 = vector.shape_cast %get3A_701 : vector<16xi32> to vector<16xi32>
      %sub3A_703 = vector.broadcast %mul3A_0 : i32 to vector<16xi32>
      %sub3A_704 = arith.subi %get3A_702, %sub3A_703 : vector<16xi32>
      %lt3A_705 = arith.constant 0 : i32
      %lt3A_706 = vector.broadcast %lt3A_705 : i32 to vector<16xi32>
      %lt3A_707 = arith.cmpi slt, %sub3A_704, %lt3A_706 : vector<16xi32>
      %ge3A_708 = arith.constant 5200 : i32
      %ge3A_709 = vector.broadcast %ge3A_708 : i32 to vector<16xi32>
      %ge3A_710 = arith.cmpi sge, %sub3A_704, %ge3A_709 : vector<16xi32>
      %or3A_711 = arith.ori %lt3A_707, %ge3A_710 : vector<16xi1>
      %select_n3A_712 = arith.select %or3A_711, %broadcast_in_dim3A_25, %sub3A_704 : vector<16xi1>, vector<16xi32>
      %swap3A_713 = arith.constant 64 : index
      %swap3A_714 = tpu.vector_load %arg15[%swap3A_713] {strides = array<i32>} : memref<80xi32, #tpu.memory_space<vmem>>, vector<16xi32>,
      %swap3A_715 = vector.shape_cast %swap3A_714 : vector<16xi32> to vector<16xi32>
      %swap3A_716 = vector.shape_cast %select_n3A_712 : vector<16xi32> to vector<16xi32>
      tpu.vector_store %arg15[%swap3A_713], %swap3A_716 {strides = array<i32>} : memref<80xi32, #tpu.memory_space<vmem>>, vector<16xi32>,
      %add3A_717 = arith.constant 0 : i32
      %add3A_718 = arith.addi %multiple_of3A, %add3A_717 : i32
      "tpu.region"() ({
        %run_scoped3A = tpu.sem_alloc : memref<!tpu.dma_semaphore, #tpu.memory_space<semaphore_mem>>
        %dma_start3A = arith.constant 0 : i32
        %dma_start3A_725 = tpu.memref_slice %arg2[%add3A_718, %dma_start3A] : memref<320000x16xf32, #tpu.memory_space<hbm>> -> memref<160x16xf32, #tpu.memory_space<hbm>>
        %dma_start3A_726 = arith.constant 0 : i32
        %dma_start3A_727 = tpu.memref_slice %arg2[%add3A_718, %dma_start3A_726] : memref<320000x16xf32, #tpu.memory_space<hbm>> -> memref<160x16xf32, #tpu.memory_space<hbm>>
        tpu.enqueue_dma source(%dma_start3A_727 : memref<160x16xf32, #tpu.memory_space<hbm>>) target(%arg6 : memref<160x16xf32, #tpu.memory_space<vmem>>) target_semaphore(%run_scoped3A : memref<!tpu.dma_semaphore, #tpu.memory_space<semaphore_mem>>)
        %dma_wait3A = arith.constant 0 : i32
        %dma_wait3A_728 = tpu.memref_slice %arg2[%add3A_718, %dma_wait3A] : memref<320000x16xf32, #tpu.memory_space<hbm>> -> memref<160x16xf32, #tpu.memory_space<hbm>>
        %dma_wait3A_729 = arith.constant 0 : i32
        %dma_wait3A_730 = tpu.memref_slice %arg2[%add3A_718, %dma_wait3A_729] : memref<320000x16xf32, #tpu.memory_space<hbm>> -> memref<160x16xf32, #tpu.memory_space<hbm>>
        tpu.wait_dma2 semaphore(%run_scoped3A : memref<!tpu.dma_semaphore, #tpu.memory_space<semaphore_mem>>) src(%dma_wait3A_730 : memref<160x16xf32, #tpu.memory_space<hbm>>) dst(%arg6 : memref<160x16xf32, #tpu.memory_space<vmem>>)
        tpu.yield
      }) : () -> ()
      "tpu.region"() ({
        %run_scoped3A = tpu.sem_alloc : memref<!tpu.dma_semaphore, #tpu.memory_space<semaphore_mem>>
        %dma_start3A = arith.constant 0 : i32
        %dma_start3A_725 = arith.constant 0 : i32
        %dma_start3A_726 = tpu.memref_slice %arg6[%dma_start3A, %dma_start3A_725] : memref<160x16xf32, #tpu.memory_space<vmem>> -> memref<80x16xf32, #tpu.memory_space<vmem>>
        %dma_start3A_727 = arith.constant 0 : i32
        %dma_start3A_728 = arith.constant 0 : i32
        %dma_start3A_729 = tpu.memref_slice %arg18[%dma_start3A_727, %dma_start3A_728] : memref<5248x16xf32, #tpu.memory_space<vmem_shared>> -> memref<5248x16xf32, #tpu.memory_space<vmem_shared>>
        tpu.enqueue_indirect_dma source(%dma_start3A_726 : memref<80x16xf32, #tpu.memory_space<vmem>>) target(%dma_start3A_729 : memref<5248x16xf32, #tpu.memory_space<vmem_shared>>) offsets(%arg8 : memref<80xi32, #tpu.memory_space<vmem>>) semaphore(%run_scoped3A : memref<!tpu.dma_semaphore, #tpu.memory_space<semaphore_mem>>) {add = true}
        %dma_wait3A = arith.constant 0 : i32
        %dma_wait3A_730 = arith.constant 0 : i32
        %dma_wait3A_731 = tpu.memref_slice %arg6[%dma_wait3A, %dma_wait3A_730] : memref<160x16xf32, #tpu.memory_space<vmem>> -> memref<80x16xf32, #tpu.memory_space<vmem>>
        %dma_wait3A_732 = arith.constant 0 : i32
        %dma_wait3A_733 = arith.constant 0 : i32
        %dma_wait3A_734 = tpu.memref_slice %arg18[%dma_wait3A_732, %dma_wait3A_733] : memref<5248x16xf32, #tpu.memory_space<vmem_shared>> -> memref<5248x16xf32, #tpu.memory_space<vmem_shared>>
        tpu.wait_indirect_dma semaphore(%run_scoped3A : memref<!tpu.dma_semaphore, #tpu.memory_space<semaphore_mem>>) src(%dma_wait3A_731 : memref<80x16xf32, #tpu.memory_space<vmem>>) dst(%dma_wait3A_734 : memref<5248x16xf32, #tpu.memory_space<vmem_shared>>)
        tpu.yield
      }) : () -> ()
      "tpu.region"() ({
        %run_scoped3A = tpu.sem_alloc : memref<!tpu.dma_semaphore, #tpu.memory_space<semaphore_mem>>
        %dma_start3A = arith.constant 0 : i32
        %dma_start3A_725 = arith.constant 0 : i32
        %dma_start3A_726 = tpu.memref_slice %arg19[%dma_start3A, %dma_start3A_725] : memref<5248x16xf32, #tpu.memory_space<vmem_shared>> -> memref<5248x16xf32, #tpu.memory_space<vmem_shared>>
        tpu.enqueue_indirect_dma source(%arg16 : memref<80x16xf32, #tpu.memory_space<vmem>>) target(%dma_start3A_726 : memref<5248x16xf32, #tpu.memory_space<vmem_shared>>) offsets(%arg8 : memref<80xi32, #tpu.memory_space<vmem>>) semaphore(%run_scoped3A : memref<!tpu.dma_semaphore, #tpu.memory_space<semaphore_mem>>) {add = true}
        %dma_wait3A = arith.constant 0 : i32
        %dma_wait3A_727 = arith.constant 0 : i32
        %dma_wait3A_728 = tpu.memref_slice %arg19[%dma_wait3A, %dma_wait3A_727] : memref<5248x16xf32, #tpu.memory_space<vmem_shared>> -> memref<5248x16xf32, #tpu.memory_space<vmem_shared>>
        tpu.wait_indirect_dma semaphore(%run_scoped3A : memref<!tpu.dma_semaphore, #tpu.memory_space<semaphore_mem>>) src(%arg16 : memref<80x16xf32, #tpu.memory_space<vmem>>) dst(%dma_wait3A_728 : memref<5248x16xf32, #tpu.memory_space<vmem_shared>>)
        tpu.yield
      }) : () -> ()
      "tpu.region"() ({
        %run_scoped3A = tpu.sem_alloc : memref<!tpu.dma_semaphore, #tpu.memory_space<semaphore_mem>>
        %dma_start3A = arith.constant 80 : i32
        %dma_start3A_725 = arith.constant 0 : i32
        %dma_start3A_726 = tpu.memref_slice %arg6[%dma_start3A, %dma_start3A_725] : memref<160x16xf32, #tpu.memory_space<vmem>> -> memref<80x16xf32, #tpu.memory_space<vmem>>
        %dma_start3A_727 = arith.constant 0 : i32
        %dma_start3A_728 = arith.constant 0 : i32
        %dma_start3A_729 = tpu.memref_slice %arg18[%dma_start3A_727, %dma_start3A_728] : memref<5248x16xf32, #tpu.memory_space<vmem_shared>> -> memref<5248x16xf32, #tpu.memory_space<vmem_shared>>
        tpu.enqueue_indirect_dma source(%dma_start3A_726 : memref<80x16xf32, #tpu.memory_space<vmem>>) target(%dma_start3A_729 : memref<5248x16xf32, #tpu.memory_space<vmem_shared>>) offsets(%arg9 : memref<80xi32, #tpu.memory_space<vmem>>) semaphore(%run_scoped3A : memref<!tpu.dma_semaphore, #tpu.memory_space<semaphore_mem>>) {add = true}
        %dma_wait3A = arith.constant 80 : i32
        %dma_wait3A_730 = arith.constant 0 : i32
        %dma_wait3A_731 = tpu.memref_slice %arg6[%dma_wait3A, %dma_wait3A_730] : memref<160x16xf32, #tpu.memory_space<vmem>> -> memref<80x16xf32, #tpu.memory_space<vmem>>
        %dma_wait3A_732 = arith.constant 0 : i32
        %dma_wait3A_733 = arith.constant 0 : i32
        %dma_wait3A_734 = tpu.memref_slice %arg18[%dma_wait3A_732, %dma_wait3A_733] : memref<5248x16xf32, #tpu.memory_space<vmem_shared>> -> memref<5248x16xf32, #tpu.memory_space<vmem_shared>>
        tpu.wait_indirect_dma semaphore(%run_scoped3A : memref<!tpu.dma_semaphore, #tpu.memory_space<semaphore_mem>>) src(%dma_wait3A_731 : memref<80x16xf32, #tpu.memory_space<vmem>>) dst(%dma_wait3A_734 : memref<5248x16xf32, #tpu.memory_space<vmem_shared>>)
        tpu.yield
      }) : () -> ()
      "tpu.region"() ({
        %run_scoped3A = tpu.sem_alloc : memref<!tpu.dma_semaphore, #tpu.memory_space<semaphore_mem>>
        %dma_start3A = arith.constant 0 : i32
        %dma_start3A_725 = arith.constant 0 : i32
        %dma_start3A_726 = tpu.memref_slice %arg19[%dma_start3A, %dma_start3A_725] : memref<5248x16xf32, #tpu.memory_space<vmem_shared>> -> memref<5248x16xf32, #tpu.memory_space<vmem_shared>>
        tpu.enqueue_indirect_dma source(%arg16 : memref<80x16xf32, #tpu.memory_space<vmem>>) target(%dma_start3A_726 : memref<5248x16xf32, #tpu.memory_space<vmem_shared>>) offsets(%arg9 : memref<80xi32, #tpu.memory_space<vmem>>) semaphore(%run_scoped3A : memref<!tpu.dma_semaphore, #tpu.memory_space<semaphore_mem>>) {add = true}
        %dma_wait3A = arith.constant 0 : i32
        %dma_wait3A_727 = arith.constant 0 : i32
        %dma_wait3A_728 = tpu.memref_slice %arg19[%dma_wait3A, %dma_wait3A_727] : memref<5248x16xf32, #tpu.memory_space<vmem_shared>> -> memref<5248x16xf32, #tpu.memory_space<vmem_shared>>
        tpu.wait_indirect_dma semaphore(%run_scoped3A : memref<!tpu.dma_semaphore, #tpu.memory_space<semaphore_mem>>) src(%arg16 : memref<80x16xf32, #tpu.memory_space<vmem>>) dst(%dma_wait3A_728 : memref<5248x16xf32, #tpu.memory_space<vmem_shared>>)
        tpu.yield
      }) : () -> ()
      %add3A_719 = arith.constant 160 : i32
      %add3A_720 = arith.addi %multiple_of3A, %add3A_719 : i32
      "tpu.region"() ({
        %run_scoped3A = tpu.sem_alloc : memref<!tpu.dma_semaphore, #tpu.memory_space<semaphore_mem>>
        %dma_start3A = arith.constant 0 : i32
        %dma_start3A_725 = tpu.memref_slice %arg2[%add3A_720, %dma_start3A] : memref<320000x16xf32, #tpu.memory_space<hbm>> -> memref<160x16xf32, #tpu.memory_space<hbm>>
        %dma_start3A_726 = arith.constant 0 : i32
        %dma_start3A_727 = tpu.memref_slice %arg2[%add3A_720, %dma_start3A_726] : memref<320000x16xf32, #tpu.memory_space<hbm>> -> memref<160x16xf32, #tpu.memory_space<hbm>>
        tpu.enqueue_dma source(%dma_start3A_727 : memref<160x16xf32, #tpu.memory_space<hbm>>) target(%arg6 : memref<160x16xf32, #tpu.memory_space<vmem>>) target_semaphore(%run_scoped3A : memref<!tpu.dma_semaphore, #tpu.memory_space<semaphore_mem>>)
        %dma_wait3A = arith.constant 0 : i32
        %dma_wait3A_728 = tpu.memref_slice %arg2[%add3A_720, %dma_wait3A] : memref<320000x16xf32, #tpu.memory_space<hbm>> -> memref<160x16xf32, #tpu.memory_space<hbm>>
        %dma_wait3A_729 = arith.constant 0 : i32
        %dma_wait3A_730 = tpu.memref_slice %arg2[%add3A_720, %dma_wait3A_729] : memref<320000x16xf32, #tpu.memory_space<hbm>> -> memref<160x16xf32, #tpu.memory_space<hbm>>
        tpu.wait_dma2 semaphore(%run_scoped3A : memref<!tpu.dma_semaphore, #tpu.memory_space<semaphore_mem>>) src(%dma_wait3A_730 : memref<160x16xf32, #tpu.memory_space<hbm>>) dst(%arg6 : memref<160x16xf32, #tpu.memory_space<vmem>>)
        tpu.yield
      }) : () -> ()
      "tpu.region"() ({
        %run_scoped3A = tpu.sem_alloc : memref<!tpu.dma_semaphore, #tpu.memory_space<semaphore_mem>>
        %dma_start3A = arith.constant 0 : i32
        %dma_start3A_725 = arith.constant 0 : i32
        %dma_start3A_726 = tpu.memref_slice %arg6[%dma_start3A, %dma_start3A_725] : memref<160x16xf32, #tpu.memory_space<vmem>> -> memref<80x16xf32, #tpu.memory_space<vmem>>
        %dma_start3A_727 = arith.constant 0 : i32
        %dma_start3A_728 = arith.constant 0 : i32
        %dma_start3A_729 = tpu.memref_slice %arg18[%dma_start3A_727, %dma_start3A_728] : memref<5248x16xf32, #tpu.memory_space<vmem_shared>> -> memref<5248x16xf32, #tpu.memory_space<vmem_shared>>
        tpu.enqueue_indirect_dma source(%dma_start3A_726 : memref<80x16xf32, #tpu.memory_space<vmem>>) target(%dma_start3A_729 : memref<5248x16xf32, #tpu.memory_space<vmem_shared>>) offsets(%arg10 : memref<80xi32, #tpu.memory_space<vmem>>) semaphore(%run_scoped3A : memref<!tpu.dma_semaphore, #tpu.memory_space<semaphore_mem>>) {add = true}
        %dma_wait3A = arith.constant 0 : i32
        %dma_wait3A_730 = arith.constant 0 : i32
        %dma_wait3A_731 = tpu.memref_slice %arg6[%dma_wait3A, %dma_wait3A_730] : memref<160x16xf32, #tpu.memory_space<vmem>> -> memref<80x16xf32, #tpu.memory_space<vmem>>
        %dma_wait3A_732 = arith.constant 0 : i32
        %dma_wait3A_733 = arith.constant 0 : i32
        %dma_wait3A_734 = tpu.memref_slice %arg18[%dma_wait3A_732, %dma_wait3A_733] : memref<5248x16xf32, #tpu.memory_space<vmem_shared>> -> memref<5248x16xf32, #tpu.memory_space<vmem_shared>>
        tpu.wait_indirect_dma semaphore(%run_scoped3A : memref<!tpu.dma_semaphore, #tpu.memory_space<semaphore_mem>>) src(%dma_wait3A_731 : memref<80x16xf32, #tpu.memory_space<vmem>>) dst(%dma_wait3A_734 : memref<5248x16xf32, #tpu.memory_space<vmem_shared>>)
        tpu.yield
      }) : () -> ()
      "tpu.region"() ({
        %run_scoped3A = tpu.sem_alloc : memref<!tpu.dma_semaphore, #tpu.memory_space<semaphore_mem>>
        %dma_start3A = arith.constant 0 : i32
        %dma_start3A_725 = arith.constant 0 : i32
        %dma_start3A_726 = tpu.memref_slice %arg19[%dma_start3A, %dma_start3A_725] : memref<5248x16xf32, #tpu.memory_space<vmem_shared>> -> memref<5248x16xf32, #tpu.memory_space<vmem_shared>>
        tpu.enqueue_indirect_dma source(%arg16 : memref<80x16xf32, #tpu.memory_space<vmem>>) target(%dma_start3A_726 : memref<5248x16xf32, #tpu.memory_space<vmem_shared>>) offsets(%arg10 : memref<80xi32, #tpu.memory_space<vmem>>) semaphore(%run_scoped3A : memref<!tpu.dma_semaphore, #tpu.memory_space<semaphore_mem>>) {add = true}
        %dma_wait3A = arith.constant 0 : i32
        %dma_wait3A_727 = arith.constant 0 : i32
        %dma_wait3A_728 = tpu.memref_slice %arg19[%dma_wait3A, %dma_wait3A_727] : memref<5248x16xf32, #tpu.memory_space<vmem_shared>> -> memref<5248x16xf32, #tpu.memory_space<vmem_shared>>
        tpu.wait_indirect_dma semaphore(%run_scoped3A : memref<!tpu.dma_semaphore, #tpu.memory_space<semaphore_mem>>) src(%arg16 : memref<80x16xf32, #tpu.memory_space<vmem>>) dst(%dma_wait3A_728 : memref<5248x16xf32, #tpu.memory_space<vmem_shared>>)
        tpu.yield
      }) : () -> ()
      "tpu.region"() ({
        %run_scoped3A = tpu.sem_alloc : memref<!tpu.dma_semaphore, #tpu.memory_space<semaphore_mem>>
        %dma_start3A = arith.constant 80 : i32
        %dma_start3A_725 = arith.constant 0 : i32
        %dma_start3A_726 = tpu.memref_slice %arg6[%dma_start3A, %dma_start3A_725] : memref<160x16xf32, #tpu.memory_space<vmem>> -> memref<80x16xf32, #tpu.memory_space<vmem>>
        %dma_start3A_727 = arith.constant 0 : i32
        %dma_start3A_728 = arith.constant 0 : i32
        %dma_start3A_729 = tpu.memref_slice %arg18[%dma_start3A_727, %dma_start3A_728] : memref<5248x16xf32, #tpu.memory_space<vmem_shared>> -> memref<5248x16xf32, #tpu.memory_space<vmem_shared>>
        tpu.enqueue_indirect_dma source(%dma_start3A_726 : memref<80x16xf32, #tpu.memory_space<vmem>>) target(%dma_start3A_729 : memref<5248x16xf32, #tpu.memory_space<vmem_shared>>) offsets(%arg11 : memref<80xi32, #tpu.memory_space<vmem>>) semaphore(%run_scoped3A : memref<!tpu.dma_semaphore, #tpu.memory_space<semaphore_mem>>) {add = true}
        %dma_wait3A = arith.constant 80 : i32
        %dma_wait3A_730 = arith.constant 0 : i32
        %dma_wait3A_731 = tpu.memref_slice %arg6[%dma_wait3A, %dma_wait3A_730] : memref<160x16xf32, #tpu.memory_space<vmem>> -> memref<80x16xf32, #tpu.memory_space<vmem>>
        %dma_wait3A_732 = arith.constant 0 : i32
        %dma_wait3A_733 = arith.constant 0 : i32
        %dma_wait3A_734 = tpu.memref_slice %arg18[%dma_wait3A_732, %dma_wait3A_733] : memref<5248x16xf32, #tpu.memory_space<vmem_shared>> -> memref<5248x16xf32, #tpu.memory_space<vmem_shared>>
        tpu.wait_indirect_dma semaphore(%run_scoped3A : memref<!tpu.dma_semaphore, #tpu.memory_space<semaphore_mem>>) src(%dma_wait3A_731 : memref<80x16xf32, #tpu.memory_space<vmem>>) dst(%dma_wait3A_734 : memref<5248x16xf32, #tpu.memory_space<vmem_shared>>)
        tpu.yield
      }) : () -> ()
      "tpu.region"() ({
        %run_scoped3A = tpu.sem_alloc : memref<!tpu.dma_semaphore, #tpu.memory_space<semaphore_mem>>
        %dma_start3A = arith.constant 0 : i32
        %dma_start3A_725 = arith.constant 0 : i32
        %dma_start3A_726 = tpu.memref_slice %arg19[%dma_start3A, %dma_start3A_725] : memref<5248x16xf32, #tpu.memory_space<vmem_shared>> -> memref<5248x16xf32, #tpu.memory_space<vmem_shared>>
        tpu.enqueue_indirect_dma source(%arg16 : memref<80x16xf32, #tpu.memory_space<vmem>>) target(%dma_start3A_726 : memref<5248x16xf32, #tpu.memory_space<vmem_shared>>) offsets(%arg11 : memref<80xi32, #tpu.memory_space<vmem>>) semaphore(%run_scoped3A : memref<!tpu.dma_semaphore, #tpu.memory_space<semaphore_mem>>) {add = true}
        %dma_wait3A = arith.constant 0 : i32
        %dma_wait3A_727 = arith.constant 0 : i32
        %dma_wait3A_728 = tpu.memref_slice %arg19[%dma_wait3A, %dma_wait3A_727] : memref<5248x16xf32, #tpu.memory_space<vmem_shared>> -> memref<5248x16xf32, #tpu.memory_space<vmem_shared>>
        tpu.wait_indirect_dma semaphore(%run_scoped3A : memref<!tpu.dma_semaphore, #tpu.memory_space<semaphore_mem>>) src(%arg16 : memref<80x16xf32, #tpu.memory_space<vmem>>) dst(%dma_wait3A_728 : memref<5248x16xf32, #tpu.memory_space<vmem_shared>>)
        tpu.yield
      }) : () -> ()
      %add3A_721 = arith.constant 320 : i32
      %add3A_722 = arith.addi %multiple_of3A, %add3A_721 : i32
      "tpu.region"() ({
        %run_scoped3A = tpu.sem_alloc : memref<!tpu.dma_semaphore, #tpu.memory_space<semaphore_mem>>
        %dma_start3A = arith.constant 0 : i32
        %dma_start3A_725 = tpu.memref_slice %arg2[%add3A_722, %dma_start3A] : memref<320000x16xf32, #tpu.memory_space<hbm>> -> memref<160x16xf32, #tpu.memory_space<hbm>>
        %dma_start3A_726 = arith.constant 0 : i32
        %dma_start3A_727 = tpu.memref_slice %arg2[%add3A_722, %dma_start3A_726] : memref<320000x16xf32, #tpu.memory_space<hbm>> -> memref<160x16xf32, #tpu.memory_space<hbm>>
        tpu.enqueue_dma source(%dma_start3A_727 : memref<160x16xf32, #tpu.memory_space<hbm>>) target(%arg6 : memref<160x16xf32, #tpu.memory_space<vmem>>) target_semaphore(%run_scoped3A : memref<!tpu.dma_semaphore, #tpu.memory_space<semaphore_mem>>)
        %dma_wait3A = arith.constant 0 : i32
        %dma_wait3A_728 = tpu.memref_slice %arg2[%add3A_722, %dma_wait3A] : memref<320000x16xf32, #tpu.memory_space<hbm>> -> memref<160x16xf32, #tpu.memory_space<hbm>>
        %dma_wait3A_729 = arith.constant 0 : i32
        %dma_wait3A_730 = tpu.memref_slice %arg2[%add3A_722, %dma_wait3A_729] : memref<320000x16xf32, #tpu.memory_space<hbm>> -> memref<160x16xf32, #tpu.memory_space<hbm>>
        tpu.wait_dma2 semaphore(%run_scoped3A : memref<!tpu.dma_semaphore, #tpu.memory_space<semaphore_mem>>) src(%dma_wait3A_730 : memref<160x16xf32, #tpu.memory_space<hbm>>) dst(%arg6 : memref<160x16xf32, #tpu.memory_space<vmem>>)
        tpu.yield
      }) : () -> ()
      "tpu.region"() ({
        %run_scoped3A = tpu.sem_alloc : memref<!tpu.dma_semaphore, #tpu.memory_space<semaphore_mem>>
        %dma_start3A = arith.constant 0 : i32
        %dma_start3A_725 = arith.constant 0 : i32
        %dma_start3A_726 = tpu.memref_slice %arg6[%dma_start3A, %dma_start3A_725] : memref<160x16xf32, #tpu.memory_space<vmem>> -> memref<80x16xf32, #tpu.memory_space<vmem>>
        %dma_start3A_727 = arith.constant 0 : i32
        %dma_start3A_728 = arith.constant 0 : i32
        %dma_start3A_729 = tpu.memref_slice %arg18[%dma_start3A_727, %dma_start3A_728] : memref<5248x16xf32, #tpu.memory_space<vmem_shared>> -> memref<5248x16xf32, #tpu.memory_space<vmem_shared>>
        tpu.enqueue_indirect_dma source(%dma_start3A_726 : memref<80x16xf32, #tpu.memory_space<vmem>>) target(%dma_start3A_729 : memref<5248x16xf32, #tpu.memory_space<vmem_shared>>) offsets(%arg12 : memref<80xi32, #tpu.memory_space<vmem>>) semaphore(%run_scoped3A : memref<!tpu.dma_semaphore, #tpu.memory_space<semaphore_mem>>) {add = true}
        %dma_wait3A = arith.constant 0 : i32
        %dma_wait3A_730 = arith.constant 0 : i32
        %dma_wait3A_731 = tpu.memref_slice %arg6[%dma_wait3A, %dma_wait3A_730] : memref<160x16xf32, #tpu.memory_space<vmem>> -> memref<80x16xf32, #tpu.memory_space<vmem>>
        %dma_wait3A_732 = arith.constant 0 : i32
        %dma_wait3A_733 = arith.constant 0 : i32
        %dma_wait3A_734 = tpu.memref_slice %arg18[%dma_wait3A_732, %dma_wait3A_733] : memref<5248x16xf32, #tpu.memory_space<vmem_shared>> -> memref<5248x16xf32, #tpu.memory_space<vmem_shared>>
        tpu.wait_indirect_dma semaphore(%run_scoped3A : memref<!tpu.dma_semaphore, #tpu.memory_space<semaphore_mem>>) src(%dma_wait3A_731 : memref<80x16xf32, #tpu.memory_space<vmem>>) dst(%dma_wait3A_734 : memref<5248x16xf32, #tpu.memory_space<vmem_shared>>)
        tpu.yield
      }) : () -> ()
      "tpu.region"() ({
        %run_scoped3A = tpu.sem_alloc : memref<!tpu.dma_semaphore, #tpu.memory_space<semaphore_mem>>
        %dma_start3A = arith.constant 0 : i32
        %dma_start3A_725 = arith.constant 0 : i32
        %dma_start3A_726 = tpu.memref_slice %arg19[%dma_start3A, %dma_start3A_725] : memref<5248x16xf32, #tpu.memory_space<vmem_shared>> -> memref<5248x16xf32, #tpu.memory_space<vmem_shared>>
        tpu.enqueue_indirect_dma source(%arg16 : memref<80x16xf32, #tpu.memory_space<vmem>>) target(%dma_start3A_726 : memref<5248x16xf32, #tpu.memory_space<vmem_shared>>) offsets(%arg12 : memref<80xi32, #tpu.memory_space<vmem>>) semaphore(%run_scoped3A : memref<!tpu.dma_semaphore, #tpu.memory_space<semaphore_mem>>) {add = true}
        %dma_wait3A = arith.constant 0 : i32
        %dma_wait3A_727 = arith.constant 0 : i32
        %dma_wait3A_728 = tpu.memref_slice %arg19[%dma_wait3A, %dma_wait3A_727] : memref<5248x16xf32, #tpu.memory_space<vmem_shared>> -> memref<5248x16xf32, #tpu.memory_space<vmem_shared>>
        tpu.wait_indirect_dma semaphore(%run_scoped3A : memref<!tpu.dma_semaphore, #tpu.memory_space<semaphore_mem>>) src(%arg16 : memref<80x16xf32, #tpu.memory_space<vmem>>) dst(%dma_wait3A_728 : memref<5248x16xf32, #tpu.memory_space<vmem_shared>>)
        tpu.yield
      }) : () -> ()
      "tpu.region"() ({
        %run_scoped3A = tpu.sem_alloc : memref<!tpu.dma_semaphore, #tpu.memory_space<semaphore_mem>>
        %dma_start3A = arith.constant 80 : i32
        %dma_start3A_725 = arith.constant 0 : i32
        %dma_start3A_726 = tpu.memref_slice %arg6[%dma_start3A, %dma_start3A_725] : memref<160x16xf32, #tpu.memory_space<vmem>> -> memref<80x16xf32, #tpu.memory_space<vmem>>
        %dma_start3A_727 = arith.constant 0 : i32
        %dma_start3A_728 = arith.constant 0 : i32
        %dma_start3A_729 = tpu.memref_slice %arg18[%dma_start3A_727, %dma_start3A_728] : memref<5248x16xf32, #tpu.memory_space<vmem_shared>> -> memref<5248x16xf32, #tpu.memory_space<vmem_shared>>
        tpu.enqueue_indirect_dma source(%dma_start3A_726 : memref<80x16xf32, #tpu.memory_space<vmem>>) target(%dma_start3A_729 : memref<5248x16xf32, #tpu.memory_space<vmem_shared>>) offsets(%arg13 : memref<80xi32, #tpu.memory_space<vmem>>) semaphore(%run_scoped3A : memref<!tpu.dma_semaphore, #tpu.memory_space<semaphore_mem>>) {add = true}
        %dma_wait3A = arith.constant 80 : i32
        %dma_wait3A_730 = arith.constant 0 : i32
        %dma_wait3A_731 = tpu.memref_slice %arg6[%dma_wait3A, %dma_wait3A_730] : memref<160x16xf32, #tpu.memory_space<vmem>> -> memref<80x16xf32, #tpu.memory_space<vmem>>
        %dma_wait3A_732 = arith.constant 0 : i32
        %dma_wait3A_733 = arith.constant 0 : i32
        %dma_wait3A_734 = tpu.memref_slice %arg18[%dma_wait3A_732, %dma_wait3A_733] : memref<5248x16xf32, #tpu.memory_space<vmem_shared>> -> memref<5248x16xf32, #tpu.memory_space<vmem_shared>>
        tpu.wait_indirect_dma semaphore(%run_scoped3A : memref<!tpu.dma_semaphore, #tpu.memory_space<semaphore_mem>>) src(%dma_wait3A_731 : memref<80x16xf32, #tpu.memory_space<vmem>>) dst(%dma_wait3A_734 : memref<5248x16xf32, #tpu.memory_space<vmem_shared>>)
        tpu.yield
      }) : () -> ()
      "tpu.region"() ({
        %run_scoped3A = tpu.sem_alloc : memref<!tpu.dma_semaphore, #tpu.memory_space<semaphore_mem>>
        %dma_start3A = arith.constant 0 : i32
        %dma_start3A_725 = arith.constant 0 : i32
        %dma_start3A_726 = tpu.memref_slice %arg19[%dma_start3A, %dma_start3A_725] : memref<5248x16xf32, #tpu.memory_space<vmem_shared>> -> memref<5248x16xf32, #tpu.memory_space<vmem_shared>>
        tpu.enqueue_indirect_dma source(%arg16 : memref<80x16xf32, #tpu.memory_space<vmem>>) target(%dma_start3A_726 : memref<5248x16xf32, #tpu.memory_space<vmem_shared>>) offsets(%arg13 : memref<80xi32, #tpu.memory_space<vmem>>) semaphore(%run_scoped3A : memref<!tpu.dma_semaphore, #tpu.memory_space<semaphore_mem>>) {add = true}
        %dma_wait3A = arith.constant 0 : i32
        %dma_wait3A_727 = arith.constant 0 : i32
        %dma_wait3A_728 = tpu.memref_slice %arg19[%dma_wait3A, %dma_wait3A_727] : memref<5248x16xf32, #tpu.memory_space<vmem_shared>> -> memref<5248x16xf32, #tpu.memory_space<vmem_shared>>
        tpu.wait_indirect_dma semaphore(%run_scoped3A : memref<!tpu.dma_semaphore, #tpu.memory_space<semaphore_mem>>) src(%arg16 : memref<80x16xf32, #tpu.memory_space<vmem>>) dst(%dma_wait3A_728 : memref<5248x16xf32, #tpu.memory_space<vmem_shared>>)
        tpu.yield
      }) : () -> ()
      %add3A_723 = arith.constant 480 : i32
      %add3A_724 = arith.addi %multiple_of3A, %add3A_723 : i32
      "tpu.region"() ({
        %run_scoped3A = tpu.sem_alloc : memref<!tpu.dma_semaphore, #tpu.memory_space<semaphore_mem>>
        %dma_start3A = arith.constant 0 : i32
        %dma_start3A_725 = tpu.memref_slice %arg2[%add3A_724, %dma_start3A] : memref<320000x16xf32, #tpu.memory_space<hbm>> -> memref<160x16xf32, #tpu.memory_space<hbm>>
        %dma_start3A_726 = arith.constant 0 : i32
        %dma_start3A_727 = tpu.memref_slice %arg2[%add3A_724, %dma_start3A_726] : memref<320000x16xf32, #tpu.memory_space<hbm>> -> memref<160x16xf32, #tpu.memory_space<hbm>>
        tpu.enqueue_dma source(%dma_start3A_727 : memref<160x16xf32, #tpu.memory_space<hbm>>) target(%arg6 : memref<160x16xf32, #tpu.memory_space<vmem>>) target_semaphore(%run_scoped3A : memref<!tpu.dma_semaphore, #tpu.memory_space<semaphore_mem>>)
        %dma_wait3A = arith.constant 0 : i32
        %dma_wait3A_728 = tpu.memref_slice %arg2[%add3A_724, %dma_wait3A] : memref<320000x16xf32, #tpu.memory_space<hbm>> -> memref<160x16xf32, #tpu.memory_space<hbm>>
        %dma_wait3A_729 = arith.constant 0 : i32
        %dma_wait3A_730 = tpu.memref_slice %arg2[%add3A_724, %dma_wait3A_729] : memref<320000x16xf32, #tpu.memory_space<hbm>> -> memref<160x16xf32, #tpu.memory_space<hbm>>
        tpu.wait_dma2 semaphore(%run_scoped3A : memref<!tpu.dma_semaphore, #tpu.memory_space<semaphore_mem>>) src(%dma_wait3A_730 : memref<160x16xf32, #tpu.memory_space<hbm>>) dst(%arg6 : memref<160x16xf32, #tpu.memory_space<vmem>>)
        tpu.yield
      }) : () -> ()
      "tpu.region"() ({
        %run_scoped3A = tpu.sem_alloc : memref<!tpu.dma_semaphore, #tpu.memory_space<semaphore_mem>>
        %dma_start3A = arith.constant 0 : i32
        %dma_start3A_725 = arith.constant 0 : i32
        %dma_start3A_726 = tpu.memref_slice %arg6[%dma_start3A, %dma_start3A_725] : memref<160x16xf32, #tpu.memory_space<vmem>> -> memref<80x16xf32, #tpu.memory_space<vmem>>
        %dma_start3A_727 = arith.constant 0 : i32
        %dma_start3A_728 = arith.constant 0 : i32
        %dma_start3A_729 = tpu.memref_slice %arg18[%dma_start3A_727, %dma_start3A_728] : memref<5248x16xf32, #tpu.memory_space<vmem_shared>> -> memref<5248x16xf32, #tpu.memory_space<vmem_shared>>
        tpu.enqueue_indirect_dma source(%dma_start3A_726 : memref<80x16xf32, #tpu.memory_space<vmem>>) target(%dma_start3A_729 : memref<5248x16xf32, #tpu.memory_space<vmem_shared>>) offsets(%arg14 : memref<80xi32, #tpu.memory_space<vmem>>) semaphore(%run_scoped3A : memref<!tpu.dma_semaphore, #tpu.memory_space<semaphore_mem>>) {add = true}
        %dma_wait3A = arith.constant 0 : i32
        %dma_wait3A_730 = arith.constant 0 : i32
        %dma_wait3A_731 = tpu.memref_slice %arg6[%dma_wait3A, %dma_wait3A_730] : memref<160x16xf32, #tpu.memory_space<vmem>> -> memref<80x16xf32, #tpu.memory_space<vmem>>
        %dma_wait3A_732 = arith.constant 0 : i32
        %dma_wait3A_733 = arith.constant 0 : i32
        %dma_wait3A_734 = tpu.memref_slice %arg18[%dma_wait3A_732, %dma_wait3A_733] : memref<5248x16xf32, #tpu.memory_space<vmem_shared>> -> memref<5248x16xf32, #tpu.memory_space<vmem_shared>>
        tpu.wait_indirect_dma semaphore(%run_scoped3A : memref<!tpu.dma_semaphore, #tpu.memory_space<semaphore_mem>>) src(%dma_wait3A_731 : memref<80x16xf32, #tpu.memory_space<vmem>>) dst(%dma_wait3A_734 : memref<5248x16xf32, #tpu.memory_space<vmem_shared>>)
        tpu.yield
      }) : () -> ()
      "tpu.region"() ({
        %run_scoped3A = tpu.sem_alloc : memref<!tpu.dma_semaphore, #tpu.memory_space<semaphore_mem>>
        %dma_start3A = arith.constant 0 : i32
        %dma_start3A_725 = arith.constant 0 : i32
        %dma_start3A_726 = tpu.memref_slice %arg19[%dma_start3A, %dma_start3A_725] : memref<5248x16xf32, #tpu.memory_space<vmem_shared>> -> memref<5248x16xf32, #tpu.memory_space<vmem_shared>>
        tpu.enqueue_indirect_dma source(%arg16 : memref<80x16xf32, #tpu.memory_space<vmem>>) target(%dma_start3A_726 : memref<5248x16xf32, #tpu.memory_space<vmem_shared>>) offsets(%arg14 : memref<80xi32, #tpu.memory_space<vmem>>) semaphore(%run_scoped3A : memref<!tpu.dma_semaphore, #tpu.memory_space<semaphore_mem>>) {add = true}
        %dma_wait3A = arith.constant 0 : i32
        %dma_wait3A_727 = arith.constant 0 : i32
        %dma_wait3A_728 = tpu.memref_slice %arg19[%dma_wait3A, %dma_wait3A_727] : memref<5248x16xf32, #tpu.memory_space<vmem_shared>> -> memref<5248x16xf32, #tpu.memory_space<vmem_shared>>
        tpu.wait_indirect_dma semaphore(%run_scoped3A : memref<!tpu.dma_semaphore, #tpu.memory_space<semaphore_mem>>) src(%arg16 : memref<80x16xf32, #tpu.memory_space<vmem>>) dst(%dma_wait3A_728 : memref<5248x16xf32, #tpu.memory_space<vmem_shared>>)
        tpu.yield
      }) : () -> ()
      "tpu.region"() ({
        %run_scoped3A = tpu.sem_alloc : memref<!tpu.dma_semaphore, #tpu.memory_space<semaphore_mem>>
        %dma_start3A = arith.constant 80 : i32
        %dma_start3A_725 = arith.constant 0 : i32
        %dma_start3A_726 = tpu.memref_slice %arg6[%dma_start3A, %dma_start3A_725] : memref<160x16xf32, #tpu.memory_space<vmem>> -> memref<80x16xf32, #tpu.memory_space<vmem>>
        %dma_start3A_727 = arith.constant 0 : i32
        %dma_start3A_728 = arith.constant 0 : i32
        %dma_start3A_729 = tpu.memref_slice %arg18[%dma_start3A_727, %dma_start3A_728] : memref<5248x16xf32, #tpu.memory_space<vmem_shared>> -> memref<5248x16xf32, #tpu.memory_space<vmem_shared>>
        tpu.enqueue_indirect_dma source(%dma_start3A_726 : memref<80x16xf32, #tpu.memory_space<vmem>>) target(%dma_start3A_729 : memref<5248x16xf32, #tpu.memory_space<vmem_shared>>) offsets(%arg15 : memref<80xi32, #tpu.memory_space<vmem>>) semaphore(%run_scoped3A : memref<!tpu.dma_semaphore, #tpu.memory_space<semaphore_mem>>) {add = true}
        %dma_wait3A = arith.constant 80 : i32
        %dma_wait3A_730 = arith.constant 0 : i32
        %dma_wait3A_731 = tpu.memref_slice %arg6[%dma_wait3A, %dma_wait3A_730] : memref<160x16xf32, #tpu.memory_space<vmem>> -> memref<80x16xf32, #tpu.memory_space<vmem>>
        %dma_wait3A_732 = arith.constant 0 : i32
        %dma_wait3A_733 = arith.constant 0 : i32
        %dma_wait3A_734 = tpu.memref_slice %arg18[%dma_wait3A_732, %dma_wait3A_733] : memref<5248x16xf32, #tpu.memory_space<vmem_shared>> -> memref<5248x16xf32, #tpu.memory_space<vmem_shared>>
        tpu.wait_indirect_dma semaphore(%run_scoped3A : memref<!tpu.dma_semaphore, #tpu.memory_space<semaphore_mem>>) src(%dma_wait3A_731 : memref<80x16xf32, #tpu.memory_space<vmem>>) dst(%dma_wait3A_734 : memref<5248x16xf32, #tpu.memory_space<vmem_shared>>)
        tpu.yield
      }) : () -> ()
      "tpu.region"() ({
        %run_scoped3A = tpu.sem_alloc : memref<!tpu.dma_semaphore, #tpu.memory_space<semaphore_mem>>
        %dma_start3A = arith.constant 0 : i32
        %dma_start3A_725 = arith.constant 0 : i32
        %dma_start3A_726 = tpu.memref_slice %arg19[%dma_start3A, %dma_start3A_725] : memref<5248x16xf32, #tpu.memory_space<vmem_shared>> -> memref<5248x16xf32, #tpu.memory_space<vmem_shared>>
        tpu.enqueue_indirect_dma source(%arg16 : memref<80x16xf32, #tpu.memory_space<vmem>>) target(%dma_start3A_726 : memref<5248x16xf32, #tpu.memory_space<vmem_shared>>) offsets(%arg15 : memref<80xi32, #tpu.memory_space<vmem>>) semaphore(%run_scoped3A : memref<!tpu.dma_semaphore, #tpu.memory_space<semaphore_mem>>) {add = true}
        %dma_wait3A = arith.constant 0 : i32
        %dma_wait3A_727 = arith.constant 0 : i32
        %dma_wait3A_728 = tpu.memref_slice %arg19[%dma_wait3A, %dma_wait3A_727] : memref<5248x16xf32, #tpu.memory_space<vmem_shared>> -> memref<5248x16xf32, #tpu.memory_space<vmem_shared>>
        tpu.wait_indirect_dma semaphore(%run_scoped3A : memref<!tpu.dma_semaphore, #tpu.memory_space<semaphore_mem>>) src(%arg16 : memref<80x16xf32, #tpu.memory_space<vmem>>) dst(%dma_wait3A_728 : memref<5248x16xf32, #tpu.memory_space<vmem_shared>>)
        tpu.yield
      }) : () -> ()
    }
    %while3A_34 = arith.constant 1 : i32
    scf.for %while3A_38 = %while3A_32 to %while3A_28 step %while3A_34  : i32 {
      %add3A_39 = arith.addi %add3A, %while3A_38 : i32
      %mul3A_40 = arith.constant 640 : i32
      %mul3A_41 = arith.muli %add3A_39, %mul3A_40 : i32
      %multiple_of3A = tpu.assume_multiple %mul3A_41, 640 : i32
      "tpu.region"() ({
        %run_scoped3A = tpu.sem_alloc : memref<!tpu.dma_semaphore, #tpu.memory_space<semaphore_mem>>
        %dma_start3A = tpu.memref_slice %arg3[%multiple_of3A] : memref<320000xi32, #tpu.memory_space<hbm>> -> memref<640xi32, #tpu.memory_space<hbm>>
        %dma_start3A_725 = tpu.memref_slice %arg3[%multiple_of3A] : memref<320000xi32, #tpu.memory_space<hbm>> -> memref<640xi32, #tpu.memory_space<hbm>>
        tpu.enqueue_dma source(%dma_start3A_725 : memref<640xi32, #tpu.memory_space<hbm>>) target(%arg7 : memref<640xi32, #tpu.memory_space<vmem>>) target_semaphore(%run_scoped3A : memref<!tpu.dma_semaphore, #tpu.memory_space<semaphore_mem>>)
        %dma_wait3A = tpu.memref_slice %arg3[%multiple_of3A] : memref<320000xi32, #tpu.memory_space<hbm>> -> memref<640xi32, #tpu.memory_space<hbm>>
        %dma_wait3A_726 = tpu.memref_slice %arg3[%multiple_of3A] : memref<320000xi32, #tpu.memory_space<hbm>> -> memref<640xi32, #tpu.memory_space<hbm>>
        tpu.wait_dma2 semaphore(%run_scoped3A : memref<!tpu.dma_semaphore, #tpu.memory_space<semaphore_mem>>) src(%dma_wait3A_726 : memref<640xi32, #tpu.memory_space<hbm>>) dst(%arg7 : memref<640xi32, #tpu.memory_space<vmem>>)
        tpu.yield
      }) : () -> ()
      %get3A = arith.constant 0 : index
      %get3A_42 = tpu.vector_load %arg7[%get3A] {strides = array<i32>} : memref<640xi32, #tpu.memory_space<vmem>>, vector<16xi32>,
      %get3A_43 = vector.shape_cast %get3A_42 : vector<16xi32> to vector<16xi32>
      %sub3A = vector.broadcast %mul3A_0 : i32 to vector<16xi32>
      %sub3A_44 = arith.subi %get3A_43, %sub3A : vector<16xi32>
      %lt3A_45 = arith.constant 0 : i32
      %lt3A_46 = vector.broadcast %lt3A_45 : i32 to vector<16xi32>
      %lt3A_47 = arith.cmpi slt, %sub3A_44, %lt3A_46 : vector<16xi32>
      %ge3A = arith.constant 5200 : i32
      %ge3A_48 = vector.broadcast %ge3A : i32 to vector<16xi32>
      %ge3A_49 = arith.cmpi sge, %sub3A_44, %ge3A_48 : vector<16xi32>
      %or3A = arith.ori %lt3A_47, %ge3A_49 : vector<16xi1>
      %select_n3A_50 = arith.select %or3A, %broadcast_in_dim3A_25, %sub3A_44 : vector<16xi1>, vector<16xi32>
      %swap3A = arith.constant 0 : index
      %swap3A_51 = tpu.vector_load %arg8[%swap3A] {strides = array<i32>} : memref<80xi32, #tpu.memory_space<vmem>>, vector<16xi32>,
      %swap3A_52 = vector.shape_cast %swap3A_51 : vector<16xi32> to vector<16xi32>
      %swap3A_53 = vector.shape_cast %select_n3A_50 : vector<16xi32> to vector<16xi32>
      tpu.vector_store %arg8[%swap3A], %swap3A_53 {strides = array<i32>} : memref<80xi32, #tpu.memory_space<vmem>>, vector<16xi32>,
      %get3A_54 = arith.constant 16 : index
      %get3A_55 = tpu.vector_load %arg7[%get3A_54] {strides = array<i32>} : memref<640xi32, #tpu.memory_space<vmem>>, vector<16xi32>,
      %get3A_56 = vector.shape_cast %get3A_55 : vector<16xi32> to vector<16xi32>
      %sub3A_57 = vector.broadcast %mul3A_0 : i32 to vector<16xi32>
      %sub3A_58 = arith.subi %get3A_56, %sub3A_57 : vector<16xi32>
      %lt3A_59 = arith.constant 0 : i32
      %lt3A_60 = vector.broadcast %lt3A_59 : i32 to vector<16xi32>
      %lt3A_61 = arith.cmpi slt, %sub3A_58, %lt3A_60 : vector<16xi32>
      %ge3A_62 = arith.constant 5200 : i32
      %ge3A_63 = vector.broadcast %ge3A_62 : i32 to vector<16xi32>
      %ge3A_64 = arith.cmpi sge, %sub3A_58, %ge3A_63 : vector<16xi32>
      %or3A_65 = arith.ori %lt3A_61, %ge3A_64 : vector<16xi1>
      %select_n3A_66 = arith.select %or3A_65, %broadcast_in_dim3A_25, %sub3A_58 : vector<16xi1>, vector<16xi32>
      %swap3A_67 = arith.constant 16 : index
      %swap3A_68 = tpu.vector_load %arg8[%swap3A_67] {strides = array<i32>} : memref<80xi32, #tpu.memory_space<vmem>>, vector<16xi32>,
      %swap3A_69 = vector.shape_cast %swap3A_68 : vector<16xi32> to vector<16xi32>
      %swap3A_70 = vector.shape_cast %select_n3A_66 : vector<16xi32> to vector<16xi32>
      tpu.vector_store %arg8[%swap3A_67], %swap3A_70 {strides = array<i32>} : memref<80xi32, #tpu.memory_space<vmem>>, vector<16xi32>,
      %get3A_71 = arith.constant 32 : index
      %get3A_72 = tpu.vector_load %arg7[%get3A_71] {strides = array<i32>} : memref<640xi32, #tpu.memory_space<vmem>>, vector<16xi32>,
      %get3A_73 = vector.shape_cast %get3A_72 : vector<16xi32> to vector<16xi32>
      %sub3A_74 = vector.broadcast %mul3A_0 : i32 to vector<16xi32>
      %sub3A_75 = arith.subi %get3A_73, %sub3A_74 : vector<16xi32>
      %lt3A_76 = arith.constant 0 : i32
      %lt3A_77 = vector.broadcast %lt3A_76 : i32 to vector<16xi32>
      %lt3A_78 = arith.cmpi slt, %sub3A_75, %lt3A_77 : vector<16xi32>
      %ge3A_79 = arith.constant 5200 : i32
      %ge3A_80 = vector.broadcast %ge3A_79 : i32 to vector<16xi32>
      %ge3A_81 = arith.cmpi sge, %sub3A_75, %ge3A_80 : vector<16xi32>
      %or3A_82 = arith.ori %lt3A_78, %ge3A_81 : vector<16xi1>
      %select_n3A_83 = arith.select %or3A_82, %broadcast_in_dim3A_25, %sub3A_75 : vector<16xi1>, vector<16xi32>
      %swap3A_84 = arith.constant 32 : index
      %swap3A_85 = tpu.vector_load %arg8[%swap3A_84] {strides = array<i32>} : memref<80xi32, #tpu.memory_space<vmem>>, vector<16xi32>,
      %swap3A_86 = vector.shape_cast %swap3A_85 : vector<16xi32> to vector<16xi32>
      %swap3A_87 = vector.shape_cast %select_n3A_83 : vector<16xi32> to vector<16xi32>
      tpu.vector_store %arg8[%swap3A_84], %swap3A_87 {strides = array<i32>} : memref<80xi32, #tpu.memory_space<vmem>>, vector<16xi32>,
      %get3A_88 = arith.constant 48 : index
      %get3A_89 = tpu.vector_load %arg7[%get3A_88] {strides = array<i32>} : memref<640xi32, #tpu.memory_space<vmem>>, vector<16xi32>,
      %get3A_90 = vector.shape_cast %get3A_89 : vector<16xi32> to vector<16xi32>
      %sub3A_91 = vector.broadcast %mul3A_0 : i32 to vector<16xi32>
      %sub3A_92 = arith.subi %get3A_90, %sub3A_91 : vector<16xi32>
      %lt3A_93 = arith.constant 0 : i32
      %lt3A_94 = vector.broadcast %lt3A_93 : i32 to vector<16xi32>
      %lt3A_95 = arith.cmpi slt, %sub3A_92, %lt3A_94 : vector<16xi32>
      %ge3A_96 = arith.constant 5200 : i32
      %ge3A_97 = vector.broadcast %ge3A_96 : i32 to vector<16xi32>
      %ge3A_98 = arith.cmpi sge, %sub3A_92, %ge3A_97 : vector<16xi32>
      %or3A_99 = arith.ori %lt3A_95, %ge3A_98 : vector<16xi1>
      %select_n3A_100 = arith.select %or3A_99, %broadcast_in_dim3A_25, %sub3A_92 : vector<16xi1>, vector<16xi32>
      %swap3A_101 = arith.constant 48 : index
      %swap3A_102 = tpu.vector_load %arg8[%swap3A_101] {strides = array<i32>} : memref<80xi32, #tpu.memory_space<vmem>>, vector<16xi32>,
      %swap3A_103 = vector.shape_cast %swap3A_102 : vector<16xi32> to vector<16xi32>
      %swap3A_104 = vector.shape_cast %select_n3A_100 : vector<16xi32> to vector<16xi32>
      tpu.vector_store %arg8[%swap3A_101], %swap3A_104 {strides = array<i32>} : memref<80xi32, #tpu.memory_space<vmem>>, vector<16xi32>,
      %get3A_105 = arith.constant 64 : index
      %get3A_106 = tpu.vector_load %arg7[%get3A_105] {strides = array<i32>} : memref<640xi32, #tpu.memory_space<vmem>>, vector<16xi32>,
      %get3A_107 = vector.shape_cast %get3A_106 : vector<16xi32> to vector<16xi32>
      %sub3A_108 = vector.broadcast %mul3A_0 : i32 to vector<16xi32>
      %sub3A_109 = arith.subi %get3A_107, %sub3A_108 : vector<16xi32>
      %lt3A_110 = arith.constant 0 : i32
      %lt3A_111 = vector.broadcast %lt3A_110 : i32 to vector<16xi32>
      %lt3A_112 = arith.cmpi slt, %sub3A_109, %lt3A_111 : vector<16xi32>
      %ge3A_113 = arith.constant 5200 : i32
      %ge3A_114 = vector.broadcast %ge3A_113 : i32 to vector<16xi32>
      %ge3A_115 = arith.cmpi sge, %sub3A_109, %ge3A_114 : vector<16xi32>
      %or3A_116 = arith.ori %lt3A_112, %ge3A_115 : vector<16xi1>
      %select_n3A_117 = arith.select %or3A_116, %broadcast_in_dim3A_25, %sub3A_109 : vector<16xi1>, vector<16xi32>
      %swap3A_118 = arith.constant 64 : index
      %swap3A_119 = tpu.vector_load %arg8[%swap3A_118] {strides = array<i32>} : memref<80xi32, #tpu.memory_space<vmem>>, vector<16xi32>,
      %swap3A_120 = vector.shape_cast %swap3A_119 : vector<16xi32> to vector<16xi32>
      %swap3A_121 = vector.shape_cast %select_n3A_117 : vector<16xi32> to vector<16xi32>
      tpu.vector_store %arg8[%swap3A_118], %swap3A_121 {strides = array<i32>} : memref<80xi32, #tpu.memory_space<vmem>>, vector<16xi32>,
      %get3A_122 = arith.constant 80 : index
      %get3A_123 = tpu.vector_load %arg7[%get3A_122] {strides = array<i32>} : memref<640xi32, #tpu.memory_space<vmem>>, vector<16xi32>,
      %get3A_124 = vector.shape_cast %get3A_123 : vector<16xi32> to vector<16xi32>
      %sub3A_125 = vector.broadcast %mul3A_0 : i32 to vector<16xi32>
      %sub3A_126 = arith.subi %get3A_124, %sub3A_125 : vector<16xi32>
      %lt3A_127 = arith.constant 0 : i32
      %lt3A_128 = vector.broadcast %lt3A_127 : i32 to vector<16xi32>
      %lt3A_129 = arith.cmpi slt, %sub3A_126, %lt3A_128 : vector<16xi32>
      %ge3A_130 = arith.constant 5200 : i32
      %ge3A_131 = vector.broadcast %ge3A_130 : i32 to vector<16xi32>
      %ge3A_132 = arith.cmpi sge, %sub3A_126, %ge3A_131 : vector<16xi32>
      %or3A_133 = arith.ori %lt3A_129, %ge3A_132 : vector<16xi1>
      %select_n3A_134 = arith.select %or3A_133, %broadcast_in_dim3A_25, %sub3A_126 : vector<16xi1>, vector<16xi32>
      %swap3A_135 = arith.constant 0 : index
      %swap3A_136 = tpu.vector_load %arg9[%swap3A_135] {strides = array<i32>} : memref<80xi32, #tpu.memory_space<vmem>>, vector<16xi32>,
      %swap3A_137 = vector.shape_cast %swap3A_136 : vector<16xi32> to vector<16xi32>
      %swap3A_138 = vector.shape_cast %select_n3A_134 : vector<16xi32> to vector<16xi32>
      tpu.vector_store %arg9[%swap3A_135], %swap3A_138 {strides = array<i32>} : memref<80xi32, #tpu.memory_space<vmem>>, vector<16xi32>,
      %get3A_139 = arith.constant 96 : index
      %get3A_140 = tpu.vector_load %arg7[%get3A_139] {strides = array<i32>} : memref<640xi32, #tpu.memory_space<vmem>>, vector<16xi32>,
      %get3A_141 = vector.shape_cast %get3A_140 : vector<16xi32> to vector<16xi32>
      %sub3A_142 = vector.broadcast %mul3A_0 : i32 to vector<16xi32>
      %sub3A_143 = arith.subi %get3A_141, %sub3A_142 : vector<16xi32>
      %lt3A_144 = arith.constant 0 : i32
      %lt3A_145 = vector.broadcast %lt3A_144 : i32 to vector<16xi32>
      %lt3A_146 = arith.cmpi slt, %sub3A_143, %lt3A_145 : vector<16xi32>
      %ge3A_147 = arith.constant 5200 : i32
      %ge3A_148 = vector.broadcast %ge3A_147 : i32 to vector<16xi32>
      %ge3A_149 = arith.cmpi sge, %sub3A_143, %ge3A_148 : vector<16xi32>
      %or3A_150 = arith.ori %lt3A_146, %ge3A_149 : vector<16xi1>
      %select_n3A_151 = arith.select %or3A_150, %broadcast_in_dim3A_25, %sub3A_143 : vector<16xi1>, vector<16xi32>
      %swap3A_152 = arith.constant 16 : index
      %swap3A_153 = tpu.vector_load %arg9[%swap3A_152] {strides = array<i32>} : memref<80xi32, #tpu.memory_space<vmem>>, vector<16xi32>,
      %swap3A_154 = vector.shape_cast %swap3A_153 : vector<16xi32> to vector<16xi32>
      %swap3A_155 = vector.shape_cast %select_n3A_151 : vector<16xi32> to vector<16xi32>
      tpu.vector_store %arg9[%swap3A_152], %swap3A_155 {strides = array<i32>} : memref<80xi32, #tpu.memory_space<vmem>>, vector<16xi32>,
      %get3A_156 = arith.constant 112 : index
      %get3A_157 = tpu.vector_load %arg7[%get3A_156] {strides = array<i32>} : memref<640xi32, #tpu.memory_space<vmem>>, vector<16xi32>,
      %get3A_158 = vector.shape_cast %get3A_157 : vector<16xi32> to vector<16xi32>
      %sub3A_159 = vector.broadcast %mul3A_0 : i32 to vector<16xi32>
      %sub3A_160 = arith.subi %get3A_158, %sub3A_159 : vector<16xi32>
      %lt3A_161 = arith.constant 0 : i32
      %lt3A_162 = vector.broadcast %lt3A_161 : i32 to vector<16xi32>
      %lt3A_163 = arith.cmpi slt, %sub3A_160, %lt3A_162 : vector<16xi32>
      %ge3A_164 = arith.constant 5200 : i32
      %ge3A_165 = vector.broadcast %ge3A_164 : i32 to vector<16xi32>
      %ge3A_166 = arith.cmpi sge, %sub3A_160, %ge3A_165 : vector<16xi32>
      %or3A_167 = arith.ori %lt3A_163, %ge3A_166 : vector<16xi1>
      %select_n3A_168 = arith.select %or3A_167, %broadcast_in_dim3A_25, %sub3A_160 : vector<16xi1>, vector<16xi32>
      %swap3A_169 = arith.constant 32 : index
      %swap3A_170 = tpu.vector_load %arg9[%swap3A_169] {strides = array<i32>} : memref<80xi32, #tpu.memory_space<vmem>>, vector<16xi32>,
      %swap3A_171 = vector.shape_cast %swap3A_170 : vector<16xi32> to vector<16xi32>
      %swap3A_172 = vector.shape_cast %select_n3A_168 : vector<16xi32> to vector<16xi32>
      tpu.vector_store %arg9[%swap3A_169], %swap3A_172 {strides = array<i32>} : memref<80xi32, #tpu.memory_space<vmem>>, vector<16xi32>,
      %get3A_173 = arith.constant 128 : index
      %get3A_174 = tpu.vector_load %arg7[%get3A_173] {strides = array<i32>} : memref<640xi32, #tpu.memory_space<vmem>>, vector<16xi32>,
      %get3A_175 = vector.shape_cast %get3A_174 : vector<16xi32> to vector<16xi32>
      %sub3A_176 = vector.broadcast %mul3A_0 : i32 to vector<16xi32>
      %sub3A_177 = arith.subi %get3A_175, %sub3A_176 : vector<16xi32>
      %lt3A_178 = arith.constant 0 : i32
      %lt3A_179 = vector.broadcast %lt3A_178 : i32 to vector<16xi32>
      %lt3A_180 = arith.cmpi slt, %sub3A_177, %lt3A_179 : vector<16xi32>
      %ge3A_181 = arith.constant 5200 : i32
      %ge3A_182 = vector.broadcast %ge3A_181 : i32 to vector<16xi32>
      %ge3A_183 = arith.cmpi sge, %sub3A_177, %ge3A_182 : vector<16xi32>
      %or3A_184 = arith.ori %lt3A_180, %ge3A_183 : vector<16xi1>
      %select_n3A_185 = arith.select %or3A_184, %broadcast_in_dim3A_25, %sub3A_177 : vector<16xi1>, vector<16xi32>
      %swap3A_186 = arith.constant 48 : index
      %swap3A_187 = tpu.vector_load %arg9[%swap3A_186] {strides = array<i32>} : memref<80xi32, #tpu.memory_space<vmem>>, vector<16xi32>,
      %swap3A_188 = vector.shape_cast %swap3A_187 : vector<16xi32> to vector<16xi32>
      %swap3A_189 = vector.shape_cast %select_n3A_185 : vector<16xi32> to vector<16xi32>
      tpu.vector_store %arg9[%swap3A_186], %swap3A_189 {strides = array<i32>} : memref<80xi32, #tpu.memory_space<vmem>>, vector<16xi32>,
      %get3A_190 = arith.constant 144 : index
      %get3A_191 = tpu.vector_load %arg7[%get3A_190] {strides = array<i32>} : memref<640xi32, #tpu.memory_space<vmem>>, vector<16xi32>,
      %get3A_192 = vector.shape_cast %get3A_191 : vector<16xi32> to vector<16xi32>
      %sub3A_193 = vector.broadcast %mul3A_0 : i32 to vector<16xi32>
      %sub3A_194 = arith.subi %get3A_192, %sub3A_193 : vector<16xi32>
      %lt3A_195 = arith.constant 0 : i32
      %lt3A_196 = vector.broadcast %lt3A_195 : i32 to vector<16xi32>
      %lt3A_197 = arith.cmpi slt, %sub3A_194, %lt3A_196 : vector<16xi32>
      %ge3A_198 = arith.constant 5200 : i32
      %ge3A_199 = vector.broadcast %ge3A_198 : i32 to vector<16xi32>
      %ge3A_200 = arith.cmpi sge, %sub3A_194, %ge3A_199 : vector<16xi32>
      %or3A_201 = arith.ori %lt3A_197, %ge3A_200 : vector<16xi1>
      %select_n3A_202 = arith.select %or3A_201, %broadcast_in_dim3A_25, %sub3A_194 : vector<16xi1>, vector<16xi32>
      %swap3A_203 = arith.constant 64 : index
      %swap3A_204 = tpu.vector_load %arg9[%swap3A_203] {strides = array<i32>} : memref<80xi32, #tpu.memory_space<vmem>>, vector<16xi32>,
      %swap3A_205 = vector.shape_cast %swap3A_204 : vector<16xi32> to vector<16xi32>
      %swap3A_206 = vector.shape_cast %select_n3A_202 : vector<16xi32> to vector<16xi32>
      tpu.vector_store %arg9[%swap3A_203], %swap3A_206 {strides = array<i32>} : memref<80xi32, #tpu.memory_space<vmem>>, vector<16xi32>,
      %get3A_207 = arith.constant 160 : index
      %get3A_208 = tpu.vector_load %arg7[%get3A_207] {strides = array<i32>} : memref<640xi32, #tpu.memory_space<vmem>>, vector<16xi32>,
      %get3A_209 = vector.shape_cast %get3A_208 : vector<16xi32> to vector<16xi32>
      %sub3A_210 = vector.broadcast %mul3A_0 : i32 to vector<16xi32>
      %sub3A_211 = arith.subi %get3A_209, %sub3A_210 : vector<16xi32>
      %lt3A_212 = arith.constant 0 : i32
      %lt3A_213 = vector.broadcast %lt3A_212 : i32 to vector<16xi32>
      %lt3A_214 = arith.cmpi slt, %sub3A_211, %lt3A_213 : vector<16xi32>
      %ge3A_215 = arith.constant 5200 : i32
      %ge3A_216 = vector.broadcast %ge3A_215 : i32 to vector<16xi32>
      %ge3A_217 = arith.cmpi sge, %sub3A_211, %ge3A_216 : vector<16xi32>
      %or3A_218 = arith.ori %lt3A_214, %ge3A_217 : vector<16xi1>
      %select_n3A_219 = arith.select %or3A_218, %broadcast_in_dim3A_25, %sub3A_211 : vector<16xi1>, vector<16xi32>
      %swap3A_220 = arith.constant 0 : index
      %swap3A_221 = tpu.vector_load %arg10[%swap3A_220] {strides = array<i32>} : memref<80xi32, #tpu.memory_space<vmem>>, vector<16xi32>,
      %swap3A_222 = vector.shape_cast %swap3A_221 : vector<16xi32> to vector<16xi32>
      %swap3A_223 = vector.shape_cast %select_n3A_219 : vector<16xi32> to vector<16xi32>
      tpu.vector_store %arg10[%swap3A_220], %swap3A_223 {strides = array<i32>} : memref<80xi32, #tpu.memory_space<vmem>>, vector<16xi32>,
      %get3A_224 = arith.constant 176 : index
      %get3A_225 = tpu.vector_load %arg7[%get3A_224] {strides = array<i32>} : memref<640xi32, #tpu.memory_space<vmem>>, vector<16xi32>,
      %get3A_226 = vector.shape_cast %get3A_225 : vector<16xi32> to vector<16xi32>
      %sub3A_227 = vector.broadcast %mul3A_0 : i32 to vector<16xi32>
      %sub3A_228 = arith.subi %get3A_226, %sub3A_227 : vector<16xi32>
      %lt3A_229 = arith.constant 0 : i32
      %lt3A_230 = vector.broadcast %lt3A_229 : i32 to vector<16xi32>
      %lt3A_231 = arith.cmpi slt, %sub3A_228, %lt3A_230 : vector<16xi32>
      %ge3A_232 = arith.constant 5200 : i32
      %ge3A_233 = vector.broadcast %ge3A_232 : i32 to vector<16xi32>
      %ge3A_234 = arith.cmpi sge, %sub3A_228, %ge3A_233 : vector<16xi32>
      %or3A_235 = arith.ori %lt3A_231, %ge3A_234 : vector<16xi1>
      %select_n3A_236 = arith.select %or3A_235, %broadcast_in_dim3A_25, %sub3A_228 : vector<16xi1>, vector<16xi32>
      %swap3A_237 = arith.constant 16 : index
      %swap3A_238 = tpu.vector_load %arg10[%swap3A_237] {strides = array<i32>} : memref<80xi32, #tpu.memory_space<vmem>>, vector<16xi32>,
      %swap3A_239 = vector.shape_cast %swap3A_238 : vector<16xi32> to vector<16xi32>
      %swap3A_240 = vector.shape_cast %select_n3A_236 : vector<16xi32> to vector<16xi32>
      tpu.vector_store %arg10[%swap3A_237], %swap3A_240 {strides = array<i32>} : memref<80xi32, #tpu.memory_space<vmem>>, vector<16xi32>,
      %get3A_241 = arith.constant 192 : index
      %get3A_242 = tpu.vector_load %arg7[%get3A_241] {strides = array<i32>} : memref<640xi32, #tpu.memory_space<vmem>>, vector<16xi32>,
      %get3A_243 = vector.shape_cast %get3A_242 : vector<16xi32> to vector<16xi32>
      %sub3A_244 = vector.broadcast %mul3A_0 : i32 to vector<16xi32>
      %sub3A_245 = arith.subi %get3A_243, %sub3A_244 : vector<16xi32>
      %lt3A_246 = arith.constant 0 : i32
      %lt3A_247 = vector.broadcast %lt3A_246 : i32 to vector<16xi32>
      %lt3A_248 = arith.cmpi slt, %sub3A_245, %lt3A_247 : vector<16xi32>
      %ge3A_249 = arith.constant 5200 : i32
      %ge3A_250 = vector.broadcast %ge3A_249 : i32 to vector<16xi32>
      %ge3A_251 = arith.cmpi sge, %sub3A_245, %ge3A_250 : vector<16xi32>
      %or3A_252 = arith.ori %lt3A_248, %ge3A_251 : vector<16xi1>
      %select_n3A_253 = arith.select %or3A_252, %broadcast_in_dim3A_25, %sub3A_245 : vector<16xi1>, vector<16xi32>
      %swap3A_254 = arith.constant 32 : index
      %swap3A_255 = tpu.vector_load %arg10[%swap3A_254] {strides = array<i32>} : memref<80xi32, #tpu.memory_space<vmem>>, vector<16xi32>,
      %swap3A_256 = vector.shape_cast %swap3A_255 : vector<16xi32> to vector<16xi32>
      %swap3A_257 = vector.shape_cast %select_n3A_253 : vector<16xi32> to vector<16xi32>
      tpu.vector_store %arg10[%swap3A_254], %swap3A_257 {strides = array<i32>} : memref<80xi32, #tpu.memory_space<vmem>>, vector<16xi32>,
      %get3A_258 = arith.constant 208 : index
      %get3A_259 = tpu.vector_load %arg7[%get3A_258] {strides = array<i32>} : memref<640xi32, #tpu.memory_space<vmem>>, vector<16xi32>,
      %get3A_260 = vector.shape_cast %get3A_259 : vector<16xi32> to vector<16xi32>
      %sub3A_261 = vector.broadcast %mul3A_0 : i32 to vector<16xi32>
      %sub3A_262 = arith.subi %get3A_260, %sub3A_261 : vector<16xi32>
      %lt3A_263 = arith.constant 0 : i32
      %lt3A_264 = vector.broadcast %lt3A_263 : i32 to vector<16xi32>
      %lt3A_265 = arith.cmpi slt, %sub3A_262, %lt3A_264 : vector<16xi32>
      %ge3A_266 = arith.constant 5200 : i32
      %ge3A_267 = vector.broadcast %ge3A_266 : i32 to vector<16xi32>
      %ge3A_268 = arith.cmpi sge, %sub3A_262, %ge3A_267 : vector<16xi32>
      %or3A_269 = arith.ori %lt3A_265, %ge3A_268 : vector<16xi1>
      %select_n3A_270 = arith.select %or3A_269, %broadcast_in_dim3A_25, %sub3A_262 : vector<16xi1>, vector<16xi32>
      %swap3A_271 = arith.constant 48 : index
      %swap3A_272 = tpu.vector_load %arg10[%swap3A_271] {strides = array<i32>} : memref<80xi32, #tpu.memory_space<vmem>>, vector<16xi32>,
      %swap3A_273 = vector.shape_cast %swap3A_272 : vector<16xi32> to vector<16xi32>
      %swap3A_274 = vector.shape_cast %select_n3A_270 : vector<16xi32> to vector<16xi32>
      tpu.vector_store %arg10[%swap3A_271], %swap3A_274 {strides = array<i32>} : memref<80xi32, #tpu.memory_space<vmem>>, vector<16xi32>,
      %get3A_275 = arith.constant 224 : index
      %get3A_276 = tpu.vector_load %arg7[%get3A_275] {strides = array<i32>} : memref<640xi32, #tpu.memory_space<vmem>>, vector<16xi32>,
      %get3A_277 = vector.shape_cast %get3A_276 : vector<16xi32> to vector<16xi32>
      %sub3A_278 = vector.broadcast %mul3A_0 : i32 to vector<16xi32>
      %sub3A_279 = arith.subi %get3A_277, %sub3A_278 : vector<16xi32>
      %lt3A_280 = arith.constant 0 : i32
      %lt3A_281 = vector.broadcast %lt3A_280 : i32 to vector<16xi32>
      %lt3A_282 = arith.cmpi slt, %sub3A_279, %lt3A_281 : vector<16xi32>
      %ge3A_283 = arith.constant 5200 : i32
      %ge3A_284 = vector.broadcast %ge3A_283 : i32 to vector<16xi32>
      %ge3A_285 = arith.cmpi sge, %sub3A_279, %ge3A_284 : vector<16xi32>
      %or3A_286 = arith.ori %lt3A_282, %ge3A_285 : vector<16xi1>
      %select_n3A_287 = arith.select %or3A_286, %broadcast_in_dim3A_25, %sub3A_279 : vector<16xi1>, vector<16xi32>
      %swap3A_288 = arith.constant 64 : index
      %swap3A_289 = tpu.vector_load %arg10[%swap3A_288] {strides = array<i32>} : memref<80xi32, #tpu.memory_space<vmem>>, vector<16xi32>,
      %swap3A_290 = vector.shape_cast %swap3A_289 : vector<16xi32> to vector<16xi32>
      %swap3A_291 = vector.shape_cast %select_n3A_287 : vector<16xi32> to vector<16xi32>
      tpu.vector_store %arg10[%swap3A_288], %swap3A_291 {strides = array<i32>} : memref<80xi32, #tpu.memory_space<vmem>>, vector<16xi32>,
      %get3A_292 = arith.constant 240 : index
      %get3A_293 = tpu.vector_load %arg7[%get3A_292] {strides = array<i32>} : memref<640xi32, #tpu.memory_space<vmem>>, vector<16xi32>,
      %get3A_294 = vector.shape_cast %get3A_293 : vector<16xi32> to vector<16xi32>
      %sub3A_295 = vector.broadcast %mul3A_0 : i32 to vector<16xi32>
      %sub3A_296 = arith.subi %get3A_294, %sub3A_295 : vector<16xi32>
      %lt3A_297 = arith.constant 0 : i32
      %lt3A_298 = vector.broadcast %lt3A_297 : i32 to vector<16xi32>
      %lt3A_299 = arith.cmpi slt, %sub3A_296, %lt3A_298 : vector<16xi32>
      %ge3A_300 = arith.constant 5200 : i32
      %ge3A_301 = vector.broadcast %ge3A_300 : i32 to vector<16xi32>
      %ge3A_302 = arith.cmpi sge, %sub3A_296, %ge3A_301 : vector<16xi32>
      %or3A_303 = arith.ori %lt3A_299, %ge3A_302 : vector<16xi1>
      %select_n3A_304 = arith.select %or3A_303, %broadcast_in_dim3A_25, %sub3A_296 : vector<16xi1>, vector<16xi32>
      %swap3A_305 = arith.constant 0 : index
      %swap3A_306 = tpu.vector_load %arg11[%swap3A_305] {strides = array<i32>} : memref<80xi32, #tpu.memory_space<vmem>>, vector<16xi32>,
      %swap3A_307 = vector.shape_cast %swap3A_306 : vector<16xi32> to vector<16xi32>
      %swap3A_308 = vector.shape_cast %select_n3A_304 : vector<16xi32> to vector<16xi32>
      tpu.vector_store %arg11[%swap3A_305], %swap3A_308 {strides = array<i32>} : memref<80xi32, #tpu.memory_space<vmem>>, vector<16xi32>,
      %get3A_309 = arith.constant 256 : index
      %get3A_310 = tpu.vector_load %arg7[%get3A_309] {strides = array<i32>} : memref<640xi32, #tpu.memory_space<vmem>>, vector<16xi32>,
      %get3A_311 = vector.shape_cast %get3A_310 : vector<16xi32> to vector<16xi32>
      %sub3A_312 = vector.broadcast %mul3A_0 : i32 to vector<16xi32>
      %sub3A_313 = arith.subi %get3A_311, %sub3A_312 : vector<16xi32>
      %lt3A_314 = arith.constant 0 : i32
      %lt3A_315 = vector.broadcast %lt3A_314 : i32 to vector<16xi32>
      %lt3A_316 = arith.cmpi slt, %sub3A_313, %lt3A_315 : vector<16xi32>
      %ge3A_317 = arith.constant 5200 : i32
      %ge3A_318 = vector.broadcast %ge3A_317 : i32 to vector<16xi32>
      %ge3A_319 = arith.cmpi sge, %sub3A_313, %ge3A_318 : vector<16xi32>
      %or3A_320 = arith.ori %lt3A_316, %ge3A_319 : vector<16xi1>
      %select_n3A_321 = arith.select %or3A_320, %broadcast_in_dim3A_25, %sub3A_313 : vector<16xi1>, vector<16xi32>
      %swap3A_322 = arith.constant 16 : index
      %swap3A_323 = tpu.vector_load %arg11[%swap3A_322] {strides = array<i32>} : memref<80xi32, #tpu.memory_space<vmem>>, vector<16xi32>,
      %swap3A_324 = vector.shape_cast %swap3A_323 : vector<16xi32> to vector<16xi32>
      %swap3A_325 = vector.shape_cast %select_n3A_321 : vector<16xi32> to vector<16xi32>
      tpu.vector_store %arg11[%swap3A_322], %swap3A_325 {strides = array<i32>} : memref<80xi32, #tpu.memory_space<vmem>>, vector<16xi32>,
      %get3A_326 = arith.constant 272 : index
      %get3A_327 = tpu.vector_load %arg7[%get3A_326] {strides = array<i32>} : memref<640xi32, #tpu.memory_space<vmem>>, vector<16xi32>,
      %get3A_328 = vector.shape_cast %get3A_327 : vector<16xi32> to vector<16xi32>
      %sub3A_329 = vector.broadcast %mul3A_0 : i32 to vector<16xi32>
      %sub3A_330 = arith.subi %get3A_328, %sub3A_329 : vector<16xi32>
      %lt3A_331 = arith.constant 0 : i32
      %lt3A_332 = vector.broadcast %lt3A_331 : i32 to vector<16xi32>
      %lt3A_333 = arith.cmpi slt, %sub3A_330, %lt3A_332 : vector<16xi32>
      %ge3A_334 = arith.constant 5200 : i32
      %ge3A_335 = vector.broadcast %ge3A_334 : i32 to vector<16xi32>
      %ge3A_336 = arith.cmpi sge, %sub3A_330, %ge3A_335 : vector<16xi32>
      %or3A_337 = arith.ori %lt3A_333, %ge3A_336 : vector<16xi1>
      %select_n3A_338 = arith.select %or3A_337, %broadcast_in_dim3A_25, %sub3A_330 : vector<16xi1>, vector<16xi32>
      %swap3A_339 = arith.constant 32 : index
      %swap3A_340 = tpu.vector_load %arg11[%swap3A_339] {strides = array<i32>} : memref<80xi32, #tpu.memory_space<vmem>>, vector<16xi32>,
      %swap3A_341 = vector.shape_cast %swap3A_340 : vector<16xi32> to vector<16xi32>
      %swap3A_342 = vector.shape_cast %select_n3A_338 : vector<16xi32> to vector<16xi32>
      tpu.vector_store %arg11[%swap3A_339], %swap3A_342 {strides = array<i32>} : memref<80xi32, #tpu.memory_space<vmem>>, vector<16xi32>,
      %get3A_343 = arith.constant 288 : index
      %get3A_344 = tpu.vector_load %arg7[%get3A_343] {strides = array<i32>} : memref<640xi32, #tpu.memory_space<vmem>>, vector<16xi32>,
      %get3A_345 = vector.shape_cast %get3A_344 : vector<16xi32> to vector<16xi32>
      %sub3A_346 = vector.broadcast %mul3A_0 : i32 to vector<16xi32>
      %sub3A_347 = arith.subi %get3A_345, %sub3A_346 : vector<16xi32>
      %lt3A_348 = arith.constant 0 : i32
      %lt3A_349 = vector.broadcast %lt3A_348 : i32 to vector<16xi32>
      %lt3A_350 = arith.cmpi slt, %sub3A_347, %lt3A_349 : vector<16xi32>
      %ge3A_351 = arith.constant 5200 : i32
      %ge3A_352 = vector.broadcast %ge3A_351 : i32 to vector<16xi32>
      %ge3A_353 = arith.cmpi sge, %sub3A_347, %ge3A_352 : vector<16xi32>
      %or3A_354 = arith.ori %lt3A_350, %ge3A_353 : vector<16xi1>
      %select_n3A_355 = arith.select %or3A_354, %broadcast_in_dim3A_25, %sub3A_347 : vector<16xi1>, vector<16xi32>
      %swap3A_356 = arith.constant 48 : index
      %swap3A_357 = tpu.vector_load %arg11[%swap3A_356] {strides = array<i32>} : memref<80xi32, #tpu.memory_space<vmem>>, vector<16xi32>,
      %swap3A_358 = vector.shape_cast %swap3A_357 : vector<16xi32> to vector<16xi32>
      %swap3A_359 = vector.shape_cast %select_n3A_355 : vector<16xi32> to vector<16xi32>
      tpu.vector_store %arg11[%swap3A_356], %swap3A_359 {strides = array<i32>} : memref<80xi32, #tpu.memory_space<vmem>>, vector<16xi32>,
      %get3A_360 = arith.constant 304 : index
      %get3A_361 = tpu.vector_load %arg7[%get3A_360] {strides = array<i32>} : memref<640xi32, #tpu.memory_space<vmem>>, vector<16xi32>,
      %get3A_362 = vector.shape_cast %get3A_361 : vector<16xi32> to vector<16xi32>
      %sub3A_363 = vector.broadcast %mul3A_0 : i32 to vector<16xi32>
      %sub3A_364 = arith.subi %get3A_362, %sub3A_363 : vector<16xi32>
      %lt3A_365 = arith.constant 0 : i32
      %lt3A_366 = vector.broadcast %lt3A_365 : i32 to vector<16xi32>
      %lt3A_367 = arith.cmpi slt, %sub3A_364, %lt3A_366 : vector<16xi32>
      %ge3A_368 = arith.constant 5200 : i32
      %ge3A_369 = vector.broadcast %ge3A_368 : i32 to vector<16xi32>
      %ge3A_370 = arith.cmpi sge, %sub3A_364, %ge3A_369 : vector<16xi32>
      %or3A_371 = arith.ori %lt3A_367, %ge3A_370 : vector<16xi1>
      %select_n3A_372 = arith.select %or3A_371, %broadcast_in_dim3A_25, %sub3A_364 : vector<16xi1>, vector<16xi32>
      %swap3A_373 = arith.constant 64 : index
      %swap3A_374 = tpu.vector_load %arg11[%swap3A_373] {strides = array<i32>} : memref<80xi32, #tpu.memory_space<vmem>>, vector<16xi32>,
      %swap3A_375 = vector.shape_cast %swap3A_374 : vector<16xi32> to vector<16xi32>
      %swap3A_376 = vector.shape_cast %select_n3A_372 : vector<16xi32> to vector<16xi32>
      tpu.vector_store %arg11[%swap3A_373], %swap3A_376 {strides = array<i32>} : memref<80xi32, #tpu.memory_space<vmem>>, vector<16xi32>,
      %get3A_377 = arith.constant 320 : index
      %get3A_378 = tpu.vector_load %arg7[%get3A_377] {strides = array<i32>} : memref<640xi32, #tpu.memory_space<vmem>>, vector<16xi32>,
      %get3A_379 = vector.shape_cast %get3A_378 : vector<16xi32> to vector<16xi32>
      %sub3A_380 = vector.broadcast %mul3A_0 : i32 to vector<16xi32>
      %sub3A_381 = arith.subi %get3A_379, %sub3A_380 : vector<16xi32>
      %lt3A_382 = arith.constant 0 : i32
      %lt3A_383 = vector.broadcast %lt3A_382 : i32 to vector<16xi32>
      %lt3A_384 = arith.cmpi slt, %sub3A_381, %lt3A_383 : vector<16xi32>
      %ge3A_385 = arith.constant 5200 : i32
      %ge3A_386 = vector.broadcast %ge3A_385 : i32 to vector<16xi32>
      %ge3A_387 = arith.cmpi sge, %sub3A_381, %ge3A_386 : vector<16xi32>
      %or3A_388 = arith.ori %lt3A_384, %ge3A_387 : vector<16xi1>
      %select_n3A_389 = arith.select %or3A_388, %broadcast_in_dim3A_25, %sub3A_381 : vector<16xi1>, vector<16xi32>
      %swap3A_390 = arith.constant 0 : index
      %swap3A_391 = tpu.vector_load %arg12[%swap3A_390] {strides = array<i32>} : memref<80xi32, #tpu.memory_space<vmem>>, vector<16xi32>,
      %swap3A_392 = vector.shape_cast %swap3A_391 : vector<16xi32> to vector<16xi32>
      %swap3A_393 = vector.shape_cast %select_n3A_389 : vector<16xi32> to vector<16xi32>
      tpu.vector_store %arg12[%swap3A_390], %swap3A_393 {strides = array<i32>} : memref<80xi32, #tpu.memory_space<vmem>>, vector<16xi32>,
      %get3A_394 = arith.constant 336 : index
      %get3A_395 = tpu.vector_load %arg7[%get3A_394] {strides = array<i32>} : memref<640xi32, #tpu.memory_space<vmem>>, vector<16xi32>,
      %get3A_396 = vector.shape_cast %get3A_395 : vector<16xi32> to vector<16xi32>
      %sub3A_397 = vector.broadcast %mul3A_0 : i32 to vector<16xi32>
      %sub3A_398 = arith.subi %get3A_396, %sub3A_397 : vector<16xi32>
      %lt3A_399 = arith.constant 0 : i32
      %lt3A_400 = vector.broadcast %lt3A_399 : i32 to vector<16xi32>
      %lt3A_401 = arith.cmpi slt, %sub3A_398, %lt3A_400 : vector<16xi32>
      %ge3A_402 = arith.constant 5200 : i32
      %ge3A_403 = vector.broadcast %ge3A_402 : i32 to vector<16xi32>
      %ge3A_404 = arith.cmpi sge, %sub3A_398, %ge3A_403 : vector<16xi32>
      %or3A_405 = arith.ori %lt3A_401, %ge3A_404 : vector<16xi1>
      %select_n3A_406 = arith.select %or3A_405, %broadcast_in_dim3A_25, %sub3A_398 : vector<16xi1>, vector<16xi32>
      %swap3A_407 = arith.constant 16 : index
      %swap3A_408 = tpu.vector_load %arg12[%swap3A_407] {strides = array<i32>} : memref<80xi32, #tpu.memory_space<vmem>>, vector<16xi32>,
      %swap3A_409 = vector.shape_cast %swap3A_408 : vector<16xi32> to vector<16xi32>
      %swap3A_410 = vector.shape_cast %select_n3A_406 : vector<16xi32> to vector<16xi32>
      tpu.vector_store %arg12[%swap3A_407], %swap3A_410 {strides = array<i32>} : memref<80xi32, #tpu.memory_space<vmem>>, vector<16xi32>,
      %get3A_411 = arith.constant 352 : index
      %get3A_412 = tpu.vector_load %arg7[%get3A_411] {strides = array<i32>} : memref<640xi32, #tpu.memory_space<vmem>>, vector<16xi32>,
      %get3A_413 = vector.shape_cast %get3A_412 : vector<16xi32> to vector<16xi32>
      %sub3A_414 = vector.broadcast %mul3A_0 : i32 to vector<16xi32>
      %sub3A_415 = arith.subi %get3A_413, %sub3A_414 : vector<16xi32>
      %lt3A_416 = arith.constant 0 : i32
      %lt3A_417 = vector.broadcast %lt3A_416 : i32 to vector<16xi32>
      %lt3A_418 = arith.cmpi slt, %sub3A_415, %lt3A_417 : vector<16xi32>
      %ge3A_419 = arith.constant 5200 : i32
      %ge3A_420 = vector.broadcast %ge3A_419 : i32 to vector<16xi32>
      %ge3A_421 = arith.cmpi sge, %sub3A_415, %ge3A_420 : vector<16xi32>
      %or3A_422 = arith.ori %lt3A_418, %ge3A_421 : vector<16xi1>
      %select_n3A_423 = arith.select %or3A_422, %broadcast_in_dim3A_25, %sub3A_415 : vector<16xi1>, vector<16xi32>
      %swap3A_424 = arith.constant 32 : index
      %swap3A_425 = tpu.vector_load %arg12[%swap3A_424] {strides = array<i32>} : memref<80xi32, #tpu.memory_space<vmem>>, vector<16xi32>,
      %swap3A_426 = vector.shape_cast %swap3A_425 : vector<16xi32> to vector<16xi32>
      %swap3A_427 = vector.shape_cast %select_n3A_423 : vector<16xi32> to vector<16xi32>
      tpu.vector_store %arg12[%swap3A_424], %swap3A_427 {strides = array<i32>} : memref<80xi32, #tpu.memory_space<vmem>>, vector<16xi32>,
      %get3A_428 = arith.constant 368 : index
      %get3A_429 = tpu.vector_load %arg7[%get3A_428] {strides = array<i32>} : memref<640xi32, #tpu.memory_space<vmem>>, vector<16xi32>,
      %get3A_430 = vector.shape_cast %get3A_429 : vector<16xi32> to vector<16xi32>
      %sub3A_431 = vector.broadcast %mul3A_0 : i32 to vector<16xi32>
      %sub3A_432 = arith.subi %get3A_430, %sub3A_431 : vector<16xi32>
      %lt3A_433 = arith.constant 0 : i32
      %lt3A_434 = vector.broadcast %lt3A_433 : i32 to vector<16xi32>
      %lt3A_435 = arith.cmpi slt, %sub3A_432, %lt3A_434 : vector<16xi32>
      %ge3A_436 = arith.constant 5200 : i32
      %ge3A_437 = vector.broadcast %ge3A_436 : i32 to vector<16xi32>
      %ge3A_438 = arith.cmpi sge, %sub3A_432, %ge3A_437 : vector<16xi32>
      %or3A_439 = arith.ori %lt3A_435, %ge3A_438 : vector<16xi1>
      %select_n3A_440 = arith.select %or3A_439, %broadcast_in_dim3A_25, %sub3A_432 : vector<16xi1>, vector<16xi32>
      %swap3A_441 = arith.constant 48 : index
      %swap3A_442 = tpu.vector_load %arg12[%swap3A_441] {strides = array<i32>} : memref<80xi32, #tpu.memory_space<vmem>>, vector<16xi32>,
      %swap3A_443 = vector.shape_cast %swap3A_442 : vector<16xi32> to vector<16xi32>
      %swap3A_444 = vector.shape_cast %select_n3A_440 : vector<16xi32> to vector<16xi32>
      tpu.vector_store %arg12[%swap3A_441], %swap3A_444 {strides = array<i32>} : memref<80xi32, #tpu.memory_space<vmem>>, vector<16xi32>,
      %get3A_445 = arith.constant 384 : index
      %get3A_446 = tpu.vector_load %arg7[%get3A_445] {strides = array<i32>} : memref<640xi32, #tpu.memory_space<vmem>>, vector<16xi32>,
      %get3A_447 = vector.shape_cast %get3A_446 : vector<16xi32> to vector<16xi32>
      %sub3A_448 = vector.broadcast %mul3A_0 : i32 to vector<16xi32>
      %sub3A_449 = arith.subi %get3A_447, %sub3A_448 : vector<16xi32>
      %lt3A_450 = arith.constant 0 : i32
      %lt3A_451 = vector.broadcast %lt3A_450 : i32 to vector<16xi32>
      %lt3A_452 = arith.cmpi slt, %sub3A_449, %lt3A_451 : vector<16xi32>
      %ge3A_453 = arith.constant 5200 : i32
      %ge3A_454 = vector.broadcast %ge3A_453 : i32 to vector<16xi32>
      %ge3A_455 = arith.cmpi sge, %sub3A_449, %ge3A_454 : vector<16xi32>
      %or3A_456 = arith.ori %lt3A_452, %ge3A_455 : vector<16xi1>
      %select_n3A_457 = arith.select %or3A_456, %broadcast_in_dim3A_25, %sub3A_449 : vector<16xi1>, vector<16xi32>
      %swap3A_458 = arith.constant 64 : index
      %swap3A_459 = tpu.vector_load %arg12[%swap3A_458] {strides = array<i32>} : memref<80xi32, #tpu.memory_space<vmem>>, vector<16xi32>,
      %swap3A_460 = vector.shape_cast %swap3A_459 : vector<16xi32> to vector<16xi32>
      %swap3A_461 = vector.shape_cast %select_n3A_457 : vector<16xi32> to vector<16xi32>
      tpu.vector_store %arg12[%swap3A_458], %swap3A_461 {strides = array<i32>} : memref<80xi32, #tpu.memory_space<vmem>>, vector<16xi32>,
      %get3A_462 = arith.constant 400 : index
      %get3A_463 = tpu.vector_load %arg7[%get3A_462] {strides = array<i32>} : memref<640xi32, #tpu.memory_space<vmem>>, vector<16xi32>,
      %get3A_464 = vector.shape_cast %get3A_463 : vector<16xi32> to vector<16xi32>
      %sub3A_465 = vector.broadcast %mul3A_0 : i32 to vector<16xi32>
      %sub3A_466 = arith.subi %get3A_464, %sub3A_465 : vector<16xi32>
      %lt3A_467 = arith.constant 0 : i32
      %lt3A_468 = vector.broadcast %lt3A_467 : i32 to vector<16xi32>
      %lt3A_469 = arith.cmpi slt, %sub3A_466, %lt3A_468 : vector<16xi32>
      %ge3A_470 = arith.constant 5200 : i32
      %ge3A_471 = vector.broadcast %ge3A_470 : i32 to vector<16xi32>
      %ge3A_472 = arith.cmpi sge, %sub3A_466, %ge3A_471 : vector<16xi32>
      %or3A_473 = arith.ori %lt3A_469, %ge3A_472 : vector<16xi1>
      %select_n3A_474 = arith.select %or3A_473, %broadcast_in_dim3A_25, %sub3A_466 : vector<16xi1>, vector<16xi32>
      %swap3A_475 = arith.constant 0 : index
      %swap3A_476 = tpu.vector_load %arg13[%swap3A_475] {strides = array<i32>} : memref<80xi32, #tpu.memory_space<vmem>>, vector<16xi32>,
      %swap3A_477 = vector.shape_cast %swap3A_476 : vector<16xi32> to vector<16xi32>
      %swap3A_478 = vector.shape_cast %select_n3A_474 : vector<16xi32> to vector<16xi32>
      tpu.vector_store %arg13[%swap3A_475], %swap3A_478 {strides = array<i32>} : memref<80xi32, #tpu.memory_space<vmem>>, vector<16xi32>,
      %get3A_479 = arith.constant 416 : index
      %get3A_480 = tpu.vector_load %arg7[%get3A_479] {strides = array<i32>} : memref<640xi32, #tpu.memory_space<vmem>>, vector<16xi32>,
      %get3A_481 = vector.shape_cast %get3A_480 : vector<16xi32> to vector<16xi32>
      %sub3A_482 = vector.broadcast %mul3A_0 : i32 to vector<16xi32>
      %sub3A_483 = arith.subi %get3A_481, %sub3A_482 : vector<16xi32>
      %lt3A_484 = arith.constant 0 : i32
      %lt3A_485 = vector.broadcast %lt3A_484 : i32 to vector<16xi32>
      %lt3A_486 = arith.cmpi slt, %sub3A_483, %lt3A_485 : vector<16xi32>
      %ge3A_487 = arith.constant 5200 : i32
      %ge3A_488 = vector.broadcast %ge3A_487 : i32 to vector<16xi32>
      %ge3A_489 = arith.cmpi sge, %sub3A_483, %ge3A_488 : vector<16xi32>
      %or3A_490 = arith.ori %lt3A_486, %ge3A_489 : vector<16xi1>
      %select_n3A_491 = arith.select %or3A_490, %broadcast_in_dim3A_25, %sub3A_483 : vector<16xi1>, vector<16xi32>
      %swap3A_492 = arith.constant 16 : index
      %swap3A_493 = tpu.vector_load %arg13[%swap3A_492] {strides = array<i32>} : memref<80xi32, #tpu.memory_space<vmem>>, vector<16xi32>,
      %swap3A_494 = vector.shape_cast %swap3A_493 : vector<16xi32> to vector<16xi32>
      %swap3A_495 = vector.shape_cast %select_n3A_491 : vector<16xi32> to vector<16xi32>
      tpu.vector_store %arg13[%swap3A_492], %swap3A_495 {strides = array<i32>} : memref<80xi32, #tpu.memory_space<vmem>>, vector<16xi32>,
      %get3A_496 = arith.constant 432 : index
      %get3A_497 = tpu.vector_load %arg7[%get3A_496] {strides = array<i32>} : memref<640xi32, #tpu.memory_space<vmem>>, vector<16xi32>,
      %get3A_498 = vector.shape_cast %get3A_497 : vector<16xi32> to vector<16xi32>
      %sub3A_499 = vector.broadcast %mul3A_0 : i32 to vector<16xi32>
      %sub3A_500 = arith.subi %get3A_498, %sub3A_499 : vector<16xi32>
      %lt3A_501 = arith.constant 0 : i32
      %lt3A_502 = vector.broadcast %lt3A_501 : i32 to vector<16xi32>
      %lt3A_503 = arith.cmpi slt, %sub3A_500, %lt3A_502 : vector<16xi32>
      %ge3A_504 = arith.constant 5200 : i32
      %ge3A_505 = vector.broadcast %ge3A_504 : i32 to vector<16xi32>
      %ge3A_506 = arith.cmpi sge, %sub3A_500, %ge3A_505 : vector<16xi32>
      %or3A_507 = arith.ori %lt3A_503, %ge3A_506 : vector<16xi1>
      %select_n3A_508 = arith.select %or3A_507, %broadcast_in_dim3A_25, %sub3A_500 : vector<16xi1>, vector<16xi32>
      %swap3A_509 = arith.constant 32 : index
      %swap3A_510 = tpu.vector_load %arg13[%swap3A_509] {strides = array<i32>} : memref<80xi32, #tpu.memory_space<vmem>>, vector<16xi32>,
      %swap3A_511 = vector.shape_cast %swap3A_510 : vector<16xi32> to vector<16xi32>
      %swap3A_512 = vector.shape_cast %select_n3A_508 : vector<16xi32> to vector<16xi32>
      tpu.vector_store %arg13[%swap3A_509], %swap3A_512 {strides = array<i32>} : memref<80xi32, #tpu.memory_space<vmem>>, vector<16xi32>,
      %get3A_513 = arith.constant 448 : index
      %get3A_514 = tpu.vector_load %arg7[%get3A_513] {strides = array<i32>} : memref<640xi32, #tpu.memory_space<vmem>>, vector<16xi32>,
      %get3A_515 = vector.shape_cast %get3A_514 : vector<16xi32> to vector<16xi32>
      %sub3A_516 = vector.broadcast %mul3A_0 : i32 to vector<16xi32>
      %sub3A_517 = arith.subi %get3A_515, %sub3A_516 : vector<16xi32>
      %lt3A_518 = arith.constant 0 : i32
      %lt3A_519 = vector.broadcast %lt3A_518 : i32 to vector<16xi32>
      %lt3A_520 = arith.cmpi slt, %sub3A_517, %lt3A_519 : vector<16xi32>
      %ge3A_521 = arith.constant 5200 : i32
      %ge3A_522 = vector.broadcast %ge3A_521 : i32 to vector<16xi32>
      %ge3A_523 = arith.cmpi sge, %sub3A_517, %ge3A_522 : vector<16xi32>
      %or3A_524 = arith.ori %lt3A_520, %ge3A_523 : vector<16xi1>
      %select_n3A_525 = arith.select %or3A_524, %broadcast_in_dim3A_25, %sub3A_517 : vector<16xi1>, vector<16xi32>
      %swap3A_526 = arith.constant 48 : index
      %swap3A_527 = tpu.vector_load %arg13[%swap3A_526] {strides = array<i32>} : memref<80xi32, #tpu.memory_space<vmem>>, vector<16xi32>,
      %swap3A_528 = vector.shape_cast %swap3A_527 : vector<16xi32> to vector<16xi32>
      %swap3A_529 = vector.shape_cast %select_n3A_525 : vector<16xi32> to vector<16xi32>
      tpu.vector_store %arg13[%swap3A_526], %swap3A_529 {strides = array<i32>} : memref<80xi32, #tpu.memory_space<vmem>>, vector<16xi32>,
      %get3A_530 = arith.constant 464 : index
      %get3A_531 = tpu.vector_load %arg7[%get3A_530] {strides = array<i32>} : memref<640xi32, #tpu.memory_space<vmem>>, vector<16xi32>,
      %get3A_532 = vector.shape_cast %get3A_531 : vector<16xi32> to vector<16xi32>
      %sub3A_533 = vector.broadcast %mul3A_0 : i32 to vector<16xi32>
      %sub3A_534 = arith.subi %get3A_532, %sub3A_533 : vector<16xi32>
      %lt3A_535 = arith.constant 0 : i32
      %lt3A_536 = vector.broadcast %lt3A_535 : i32 to vector<16xi32>
      %lt3A_537 = arith.cmpi slt, %sub3A_534, %lt3A_536 : vector<16xi32>
      %ge3A_538 = arith.constant 5200 : i32
      %ge3A_539 = vector.broadcast %ge3A_538 : i32 to vector<16xi32>
      %ge3A_540 = arith.cmpi sge, %sub3A_534, %ge3A_539 : vector<16xi32>
      %or3A_541 = arith.ori %lt3A_537, %ge3A_540 : vector<16xi1>
      %select_n3A_542 = arith.select %or3A_541, %broadcast_in_dim3A_25, %sub3A_534 : vector<16xi1>, vector<16xi32>
      %swap3A_543 = arith.constant 64 : index
      %swap3A_544 = tpu.vector_load %arg13[%swap3A_543] {strides = array<i32>} : memref<80xi32, #tpu.memory_space<vmem>>, vector<16xi32>,
      %swap3A_545 = vector.shape_cast %swap3A_544 : vector<16xi32> to vector<16xi32>
      %swap3A_546 = vector.shape_cast %select_n3A_542 : vector<16xi32> to vector<16xi32>
      tpu.vector_store %arg13[%swap3A_543], %swap3A_546 {strides = array<i32>} : memref<80xi32, #tpu.memory_space<vmem>>, vector<16xi32>,
      %get3A_547 = arith.constant 480 : index
      %get3A_548 = tpu.vector_load %arg7[%get3A_547] {strides = array<i32>} : memref<640xi32, #tpu.memory_space<vmem>>, vector<16xi32>,
      %get3A_549 = vector.shape_cast %get3A_548 : vector<16xi32> to vector<16xi32>
      %sub3A_550 = vector.broadcast %mul3A_0 : i32 to vector<16xi32>
      %sub3A_551 = arith.subi %get3A_549, %sub3A_550 : vector<16xi32>
      %lt3A_552 = arith.constant 0 : i32
      %lt3A_553 = vector.broadcast %lt3A_552 : i32 to vector<16xi32>
      %lt3A_554 = arith.cmpi slt, %sub3A_551, %lt3A_553 : vector<16xi32>
      %ge3A_555 = arith.constant 5200 : i32
      %ge3A_556 = vector.broadcast %ge3A_555 : i32 to vector<16xi32>
      %ge3A_557 = arith.cmpi sge, %sub3A_551, %ge3A_556 : vector<16xi32>
      %or3A_558 = arith.ori %lt3A_554, %ge3A_557 : vector<16xi1>
      %select_n3A_559 = arith.select %or3A_558, %broadcast_in_dim3A_25, %sub3A_551 : vector<16xi1>, vector<16xi32>
      %swap3A_560 = arith.constant 0 : index
      %swap3A_561 = tpu.vector_load %arg14[%swap3A_560] {strides = array<i32>} : memref<80xi32, #tpu.memory_space<vmem>>, vector<16xi32>,
      %swap3A_562 = vector.shape_cast %swap3A_561 : vector<16xi32> to vector<16xi32>
      %swap3A_563 = vector.shape_cast %select_n3A_559 : vector<16xi32> to vector<16xi32>
      tpu.vector_store %arg14[%swap3A_560], %swap3A_563 {strides = array<i32>} : memref<80xi32, #tpu.memory_space<vmem>>, vector<16xi32>,
      %get3A_564 = arith.constant 496 : index
      %get3A_565 = tpu.vector_load %arg7[%get3A_564] {strides = array<i32>} : memref<640xi32, #tpu.memory_space<vmem>>, vector<16xi32>,
      %get3A_566 = vector.shape_cast %get3A_565 : vector<16xi32> to vector<16xi32>
      %sub3A_567 = vector.broadcast %mul3A_0 : i32 to vector<16xi32>
      %sub3A_568 = arith.subi %get3A_566, %sub3A_567 : vector<16xi32>
      %lt3A_569 = arith.constant 0 : i32
      %lt3A_570 = vector.broadcast %lt3A_569 : i32 to vector<16xi32>
      %lt3A_571 = arith.cmpi slt, %sub3A_568, %lt3A_570 : vector<16xi32>
      %ge3A_572 = arith.constant 5200 : i32
      %ge3A_573 = vector.broadcast %ge3A_572 : i32 to vector<16xi32>
      %ge3A_574 = arith.cmpi sge, %sub3A_568, %ge3A_573 : vector<16xi32>
      %or3A_575 = arith.ori %lt3A_571, %ge3A_574 : vector<16xi1>
      %select_n3A_576 = arith.select %or3A_575, %broadcast_in_dim3A_25, %sub3A_568 : vector<16xi1>, vector<16xi32>
      %swap3A_577 = arith.constant 16 : index
      %swap3A_578 = tpu.vector_load %arg14[%swap3A_577] {strides = array<i32>} : memref<80xi32, #tpu.memory_space<vmem>>, vector<16xi32>,
      %swap3A_579 = vector.shape_cast %swap3A_578 : vector<16xi32> to vector<16xi32>
      %swap3A_580 = vector.shape_cast %select_n3A_576 : vector<16xi32> to vector<16xi32>
      tpu.vector_store %arg14[%swap3A_577], %swap3A_580 {strides = array<i32>} : memref<80xi32, #tpu.memory_space<vmem>>, vector<16xi32>,
      %get3A_581 = arith.constant 512 : index
      %get3A_582 = tpu.vector_load %arg7[%get3A_581] {strides = array<i32>} : memref<640xi32, #tpu.memory_space<vmem>>, vector<16xi32>,
      %get3A_583 = vector.shape_cast %get3A_582 : vector<16xi32> to vector<16xi32>
      %sub3A_584 = vector.broadcast %mul3A_0 : i32 to vector<16xi32>
      %sub3A_585 = arith.subi %get3A_583, %sub3A_584 : vector<16xi32>
      %lt3A_586 = arith.constant 0 : i32
      %lt3A_587 = vector.broadcast %lt3A_586 : i32 to vector<16xi32>
      %lt3A_588 = arith.cmpi slt, %sub3A_585, %lt3A_587 : vector<16xi32>
      %ge3A_589 = arith.constant 5200 : i32
      %ge3A_590 = vector.broadcast %ge3A_589 : i32 to vector<16xi32>
      %ge3A_591 = arith.cmpi sge, %sub3A_585, %ge3A_590 : vector<16xi32>
      %or3A_592 = arith.ori %lt3A_588, %ge3A_591 : vector<16xi1>
      %select_n3A_593 = arith.select %or3A_592, %broadcast_in_dim3A_25, %sub3A_585 : vector<16xi1>, vector<16xi32>
      %swap3A_594 = arith.constant 32 : index
      %swap3A_595 = tpu.vector_load %arg14[%swap3A_594] {strides = array<i32>} : memref<80xi32, #tpu.memory_space<vmem>>, vector<16xi32>,
      %swap3A_596 = vector.shape_cast %swap3A_595 : vector<16xi32> to vector<16xi32>
      %swap3A_597 = vector.shape_cast %select_n3A_593 : vector<16xi32> to vector<16xi32>
      tpu.vector_store %arg14[%swap3A_594], %swap3A_597 {strides = array<i32>} : memref<80xi32, #tpu.memory_space<vmem>>, vector<16xi32>,
      %get3A_598 = arith.constant 528 : index
      %get3A_599 = tpu.vector_load %arg7[%get3A_598] {strides = array<i32>} : memref<640xi32, #tpu.memory_space<vmem>>, vector<16xi32>,
      %get3A_600 = vector.shape_cast %get3A_599 : vector<16xi32> to vector<16xi32>
      %sub3A_601 = vector.broadcast %mul3A_0 : i32 to vector<16xi32>
      %sub3A_602 = arith.subi %get3A_600, %sub3A_601 : vector<16xi32>
      %lt3A_603 = arith.constant 0 : i32
      %lt3A_604 = vector.broadcast %lt3A_603 : i32 to vector<16xi32>
      %lt3A_605 = arith.cmpi slt, %sub3A_602, %lt3A_604 : vector<16xi32>
      %ge3A_606 = arith.constant 5200 : i32
      %ge3A_607 = vector.broadcast %ge3A_606 : i32 to vector<16xi32>
      %ge3A_608 = arith.cmpi sge, %sub3A_602, %ge3A_607 : vector<16xi32>
      %or3A_609 = arith.ori %lt3A_605, %ge3A_608 : vector<16xi1>
      %select_n3A_610 = arith.select %or3A_609, %broadcast_in_dim3A_25, %sub3A_602 : vector<16xi1>, vector<16xi32>
      %swap3A_611 = arith.constant 48 : index
      %swap3A_612 = tpu.vector_load %arg14[%swap3A_611] {strides = array<i32>} : memref<80xi32, #tpu.memory_space<vmem>>, vector<16xi32>,
      %swap3A_613 = vector.shape_cast %swap3A_612 : vector<16xi32> to vector<16xi32>
      %swap3A_614 = vector.shape_cast %select_n3A_610 : vector<16xi32> to vector<16xi32>
      tpu.vector_store %arg14[%swap3A_611], %swap3A_614 {strides = array<i32>} : memref<80xi32, #tpu.memory_space<vmem>>, vector<16xi32>,
      %get3A_615 = arith.constant 544 : index
      %get3A_616 = tpu.vector_load %arg7[%get3A_615] {strides = array<i32>} : memref<640xi32, #tpu.memory_space<vmem>>, vector<16xi32>,
      %get3A_617 = vector.shape_cast %get3A_616 : vector<16xi32> to vector<16xi32>
      %sub3A_618 = vector.broadcast %mul3A_0 : i32 to vector<16xi32>
      %sub3A_619 = arith.subi %get3A_617, %sub3A_618 : vector<16xi32>
      %lt3A_620 = arith.constant 0 : i32
      %lt3A_621 = vector.broadcast %lt3A_620 : i32 to vector<16xi32>
      %lt3A_622 = arith.cmpi slt, %sub3A_619, %lt3A_621 : vector<16xi32>
      %ge3A_623 = arith.constant 5200 : i32
      %ge3A_624 = vector.broadcast %ge3A_623 : i32 to vector<16xi32>
      %ge3A_625 = arith.cmpi sge, %sub3A_619, %ge3A_624 : vector<16xi32>
      %or3A_626 = arith.ori %lt3A_622, %ge3A_625 : vector<16xi1>
      %select_n3A_627 = arith.select %or3A_626, %broadcast_in_dim3A_25, %sub3A_619 : vector<16xi1>, vector<16xi32>
      %swap3A_628 = arith.constant 64 : index
      %swap3A_629 = tpu.vector_load %arg14[%swap3A_628] {strides = array<i32>} : memref<80xi32, #tpu.memory_space<vmem>>, vector<16xi32>,
      %swap3A_630 = vector.shape_cast %swap3A_629 : vector<16xi32> to vector<16xi32>
      %swap3A_631 = vector.shape_cast %select_n3A_627 : vector<16xi32> to vector<16xi32>
      tpu.vector_store %arg14[%swap3A_628], %swap3A_631 {strides = array<i32>} : memref<80xi32, #tpu.memory_space<vmem>>, vector<16xi32>,
      %get3A_632 = arith.constant 560 : index
      %get3A_633 = tpu.vector_load %arg7[%get3A_632] {strides = array<i32>} : memref<640xi32, #tpu.memory_space<vmem>>, vector<16xi32>,
      %get3A_634 = vector.shape_cast %get3A_633 : vector<16xi32> to vector<16xi32>
      %sub3A_635 = vector.broadcast %mul3A_0 : i32 to vector<16xi32>
      %sub3A_636 = arith.subi %get3A_634, %sub3A_635 : vector<16xi32>
      %lt3A_637 = arith.constant 0 : i32
      %lt3A_638 = vector.broadcast %lt3A_637 : i32 to vector<16xi32>
      %lt3A_639 = arith.cmpi slt, %sub3A_636, %lt3A_638 : vector<16xi32>
      %ge3A_640 = arith.constant 5200 : i32
      %ge3A_641 = vector.broadcast %ge3A_640 : i32 to vector<16xi32>
      %ge3A_642 = arith.cmpi sge, %sub3A_636, %ge3A_641 : vector<16xi32>
      %or3A_643 = arith.ori %lt3A_639, %ge3A_642 : vector<16xi1>
      %select_n3A_644 = arith.select %or3A_643, %broadcast_in_dim3A_25, %sub3A_636 : vector<16xi1>, vector<16xi32>
      %swap3A_645 = arith.constant 0 : index
      %swap3A_646 = tpu.vector_load %arg15[%swap3A_645] {strides = array<i32>} : memref<80xi32, #tpu.memory_space<vmem>>, vector<16xi32>,
      %swap3A_647 = vector.shape_cast %swap3A_646 : vector<16xi32> to vector<16xi32>
      %swap3A_648 = vector.shape_cast %select_n3A_644 : vector<16xi32> to vector<16xi32>
      tpu.vector_store %arg15[%swap3A_645], %swap3A_648 {strides = array<i32>} : memref<80xi32, #tpu.memory_space<vmem>>, vector<16xi32>,
      %get3A_649 = arith.constant 576 : index
      %get3A_650 = tpu.vector_load %arg7[%get3A_649] {strides = array<i32>} : memref<640xi32, #tpu.memory_space<vmem>>, vector<16xi32>,
      %get3A_651 = vector.shape_cast %get3A_650 : vector<16xi32> to vector<16xi32>
      %sub3A_652 = vector.broadcast %mul3A_0 : i32 to vector<16xi32>
      %sub3A_653 = arith.subi %get3A_651, %sub3A_652 : vector<16xi32>
      %lt3A_654 = arith.constant 0 : i32
      %lt3A_655 = vector.broadcast %lt3A_654 : i32 to vector<16xi32>
      %lt3A_656 = arith.cmpi slt, %sub3A_653, %lt3A_655 : vector<16xi32>
      %ge3A_657 = arith.constant 5200 : i32
      %ge3A_658 = vector.broadcast %ge3A_657 : i32 to vector<16xi32>
      %ge3A_659 = arith.cmpi sge, %sub3A_653, %ge3A_658 : vector<16xi32>
      %or3A_660 = arith.ori %lt3A_656, %ge3A_659 : vector<16xi1>
      %select_n3A_661 = arith.select %or3A_660, %broadcast_in_dim3A_25, %sub3A_653 : vector<16xi1>, vector<16xi32>
      %swap3A_662 = arith.constant 16 : index
      %swap3A_663 = tpu.vector_load %arg15[%swap3A_662] {strides = array<i32>} : memref<80xi32, #tpu.memory_space<vmem>>, vector<16xi32>,
      %swap3A_664 = vector.shape_cast %swap3A_663 : vector<16xi32> to vector<16xi32>
      %swap3A_665 = vector.shape_cast %select_n3A_661 : vector<16xi32> to vector<16xi32>
      tpu.vector_store %arg15[%swap3A_662], %swap3A_665 {strides = array<i32>} : memref<80xi32, #tpu.memory_space<vmem>>, vector<16xi32>,
      %get3A_666 = arith.constant 592 : index
      %get3A_667 = tpu.vector_load %arg7[%get3A_666] {strides = array<i32>} : memref<640xi32, #tpu.memory_space<vmem>>, vector<16xi32>,
      %get3A_668 = vector.shape_cast %get3A_667 : vector<16xi32> to vector<16xi32>
      %sub3A_669 = vector.broadcast %mul3A_0 : i32 to vector<16xi32>
      %sub3A_670 = arith.subi %get3A_668, %sub3A_669 : vector<16xi32>
      %lt3A_671 = arith.constant 0 : i32
      %lt3A_672 = vector.broadcast %lt3A_671 : i32 to vector<16xi32>
      %lt3A_673 = arith.cmpi slt, %sub3A_670, %lt3A_672 : vector<16xi32>
      %ge3A_674 = arith.constant 5200 : i32
      %ge3A_675 = vector.broadcast %ge3A_674 : i32 to vector<16xi32>
      %ge3A_676 = arith.cmpi sge, %sub3A_670, %ge3A_675 : vector<16xi32>
      %or3A_677 = arith.ori %lt3A_673, %ge3A_676 : vector<16xi1>
      %select_n3A_678 = arith.select %or3A_677, %broadcast_in_dim3A_25, %sub3A_670 : vector<16xi1>, vector<16xi32>
      %swap3A_679 = arith.constant 32 : index
      %swap3A_680 = tpu.vector_load %arg15[%swap3A_679] {strides = array<i32>} : memref<80xi32, #tpu.memory_space<vmem>>, vector<16xi32>,
      %swap3A_681 = vector.shape_cast %swap3A_680 : vector<16xi32> to vector<16xi32>
      %swap3A_682 = vector.shape_cast %select_n3A_678 : vector<16xi32> to vector<16xi32>
      tpu.vector_store %arg15[%swap3A_679], %swap3A_682 {strides = array<i32>} : memref<80xi32, #tpu.memory_space<vmem>>, vector<16xi32>,
      %get3A_683 = arith.constant 608 : index
      %get3A_684 = tpu.vector_load %arg7[%get3A_683] {strides = array<i32>} : memref<640xi32, #tpu.memory_space<vmem>>, vector<16xi32>,
      %get3A_685 = vector.shape_cast %get3A_684 : vector<16xi32> to vector<16xi32>
      %sub3A_686 = vector.broadcast %mul3A_0 : i32 to vector<16xi32>
      %sub3A_687 = arith.subi %get3A_685, %sub3A_686 : vector<16xi32>
      %lt3A_688 = arith.constant 0 : i32
      %lt3A_689 = vector.broadcast %lt3A_688 : i32 to vector<16xi32>
      %lt3A_690 = arith.cmpi slt, %sub3A_687, %lt3A_689 : vector<16xi32>
      %ge3A_691 = arith.constant 5200 : i32
      %ge3A_692 = vector.broadcast %ge3A_691 : i32 to vector<16xi32>
      %ge3A_693 = arith.cmpi sge, %sub3A_687, %ge3A_692 : vector<16xi32>
      %or3A_694 = arith.ori %lt3A_690, %ge3A_693 : vector<16xi1>
      %select_n3A_695 = arith.select %or3A_694, %broadcast_in_dim3A_25, %sub3A_687 : vector<16xi1>, vector<16xi32>
      %swap3A_696 = arith.constant 48 : index
      %swap3A_697 = tpu.vector_load %arg15[%swap3A_696] {strides = array<i32>} : memref<80xi32, #tpu.memory_space<vmem>>, vector<16xi32>,
      %swap3A_698 = vector.shape_cast %swap3A_697 : vector<16xi32> to vector<16xi32>
      %swap3A_699 = vector.shape_cast %select_n3A_695 : vector<16xi32> to vector<16xi32>
      tpu.vector_store %arg15[%swap3A_696], %swap3A_699 {strides = array<i32>} : memref<80xi32, #tpu.memory_space<vmem>>, vector<16xi32>,
      %get3A_700 = arith.constant 624 : index
      %get3A_701 = tpu.vector_load %arg7[%get3A_700] {strides = array<i32>} : memref<640xi32, #tpu.memory_space<vmem>>, vector<16xi32>,
      %get3A_702 = vector.shape_cast %get3A_701 : vector<16xi32> to vector<16xi32>
      %sub3A_703 = vector.broadcast %mul3A_0 : i32 to vector<16xi32>
      %sub3A_704 = arith.subi %get3A_702, %sub3A_703 : vector<16xi32>
      %lt3A_705 = arith.constant 0 : i32
      %lt3A_706 = vector.broadcast %lt3A_705 : i32 to vector<16xi32>
      %lt3A_707 = arith.cmpi slt, %sub3A_704, %lt3A_706 : vector<16xi32>
      %ge3A_708 = arith.constant 5200 : i32
      %ge3A_709 = vector.broadcast %ge3A_708 : i32 to vector<16xi32>
      %ge3A_710 = arith.cmpi sge, %sub3A_704, %ge3A_709 : vector<16xi32>
      %or3A_711 = arith.ori %lt3A_707, %ge3A_710 : vector<16xi1>
      %select_n3A_712 = arith.select %or3A_711, %broadcast_in_dim3A_25, %sub3A_704 : vector<16xi1>, vector<16xi32>
      %swap3A_713 = arith.constant 64 : index
      %swap3A_714 = tpu.vector_load %arg15[%swap3A_713] {strides = array<i32>} : memref<80xi32, #tpu.memory_space<vmem>>, vector<16xi32>,
      %swap3A_715 = vector.shape_cast %swap3A_714 : vector<16xi32> to vector<16xi32>
      %swap3A_716 = vector.shape_cast %select_n3A_712 : vector<16xi32> to vector<16xi32>
      tpu.vector_store %arg15[%swap3A_713], %swap3A_716 {strides = array<i32>} : memref<80xi32, #tpu.memory_space<vmem>>, vector<16xi32>,
      %add3A_717 = arith.constant 0 : i32
      %add3A_718 = arith.addi %multiple_of3A, %add3A_717 : i32
      "tpu.region"() ({
        %run_scoped3A = tpu.sem_alloc : memref<!tpu.dma_semaphore, #tpu.memory_space<semaphore_mem>>
        %dma_start3A = arith.constant 0 : i32
        %dma_start3A_725 = tpu.memref_slice %arg2[%add3A_718, %dma_start3A] : memref<320000x16xf32, #tpu.memory_space<hbm>> -> memref<160x16xf32, #tpu.memory_space<hbm>>
        %dma_start3A_726 = arith.constant 0 : i32
        %dma_start3A_727 = tpu.memref_slice %arg2[%add3A_718, %dma_start3A_726] : memref<320000x16xf32, #tpu.memory_space<hbm>> -> memref<160x16xf32, #tpu.memory_space<hbm>>
        tpu.enqueue_dma source(%dma_start3A_727 : memref<160x16xf32, #tpu.memory_space<hbm>>) target(%arg6 : memref<160x16xf32, #tpu.memory_space<vmem>>) target_semaphore(%run_scoped3A : memref<!tpu.dma_semaphore, #tpu.memory_space<semaphore_mem>>)
        %dma_wait3A = arith.constant 0 : i32
        %dma_wait3A_728 = tpu.memref_slice %arg2[%add3A_718, %dma_wait3A] : memref<320000x16xf32, #tpu.memory_space<hbm>> -> memref<160x16xf32, #tpu.memory_space<hbm>>
        %dma_wait3A_729 = arith.constant 0 : i32
        %dma_wait3A_730 = tpu.memref_slice %arg2[%add3A_718, %dma_wait3A_729] : memref<320000x16xf32, #tpu.memory_space<hbm>> -> memref<160x16xf32, #tpu.memory_space<hbm>>
        tpu.wait_dma2 semaphore(%run_scoped3A : memref<!tpu.dma_semaphore, #tpu.memory_space<semaphore_mem>>) src(%dma_wait3A_730 : memref<160x16xf32, #tpu.memory_space<hbm>>) dst(%arg6 : memref<160x16xf32, #tpu.memory_space<vmem>>)
        tpu.yield
      }) : () -> ()
      "tpu.region"() ({
        %run_scoped3A = tpu.sem_alloc : memref<!tpu.dma_semaphore, #tpu.memory_space<semaphore_mem>>
        %dma_start3A = arith.constant 0 : i32
        %dma_start3A_725 = arith.constant 0 : i32
        %dma_start3A_726 = tpu.memref_slice %arg6[%dma_start3A, %dma_start3A_725] : memref<160x16xf32, #tpu.memory_space<vmem>> -> memref<80x16xf32, #tpu.memory_space<vmem>>
        %dma_start3A_727 = arith.constant 0 : i32
        %dma_start3A_728 = arith.constant 0 : i32
        %dma_start3A_729 = tpu.memref_slice %arg18[%dma_start3A_727, %dma_start3A_728] : memref<5248x16xf32, #tpu.memory_space<vmem_shared>> -> memref<5248x16xf32, #tpu.memory_space<vmem_shared>>
        tpu.enqueue_indirect_dma source(%dma_start3A_726 : memref<80x16xf32, #tpu.memory_space<vmem>>) target(%dma_start3A_729 : memref<5248x16xf32, #tpu.memory_space<vmem_shared>>) offsets(%arg8 : memref<80xi32, #tpu.memory_space<vmem>>) semaphore(%run_scoped3A : memref<!tpu.dma_semaphore, #tpu.memory_space<semaphore_mem>>) {add = true}
        %dma_wait3A = arith.constant 0 : i32
        %dma_wait3A_730 = arith.constant 0 : i32
        %dma_wait3A_731 = tpu.memref_slice %arg6[%dma_wait3A, %dma_wait3A_730] : memref<160x16xf32, #tpu.memory_space<vmem>> -> memref<80x16xf32, #tpu.memory_space<vmem>>
        %dma_wait3A_732 = arith.constant 0 : i32
        %dma_wait3A_733 = arith.constant 0 : i32
        %dma_wait3A_734 = tpu.memref_slice %arg18[%dma_wait3A_732, %dma_wait3A_733] : memref<5248x16xf32, #tpu.memory_space<vmem_shared>> -> memref<5248x16xf32, #tpu.memory_space<vmem_shared>>
        tpu.wait_indirect_dma semaphore(%run_scoped3A : memref<!tpu.dma_semaphore, #tpu.memory_space<semaphore_mem>>) src(%dma_wait3A_731 : memref<80x16xf32, #tpu.memory_space<vmem>>) dst(%dma_wait3A_734 : memref<5248x16xf32, #tpu.memory_space<vmem_shared>>)
        tpu.yield
      }) : () -> ()
      "tpu.region"() ({
        %run_scoped3A = tpu.sem_alloc : memref<!tpu.dma_semaphore, #tpu.memory_space<semaphore_mem>>
        %dma_start3A = arith.constant 0 : i32
        %dma_start3A_725 = arith.constant 0 : i32
        %dma_start3A_726 = tpu.memref_slice %arg19[%dma_start3A, %dma_start3A_725] : memref<5248x16xf32, #tpu.memory_space<vmem_shared>> -> memref<5248x16xf32, #tpu.memory_space<vmem_shared>>
        tpu.enqueue_indirect_dma source(%arg16 : memref<80x16xf32, #tpu.memory_space<vmem>>) target(%dma_start3A_726 : memref<5248x16xf32, #tpu.memory_space<vmem_shared>>) offsets(%arg8 : memref<80xi32, #tpu.memory_space<vmem>>) semaphore(%run_scoped3A : memref<!tpu.dma_semaphore, #tpu.memory_space<semaphore_mem>>) {add = true}
        %dma_wait3A = arith.constant 0 : i32
        %dma_wait3A_727 = arith.constant 0 : i32
        %dma_wait3A_728 = tpu.memref_slice %arg19[%dma_wait3A, %dma_wait3A_727] : memref<5248x16xf32, #tpu.memory_space<vmem_shared>> -> memref<5248x16xf32, #tpu.memory_space<vmem_shared>>
        tpu.wait_indirect_dma semaphore(%run_scoped3A : memref<!tpu.dma_semaphore, #tpu.memory_space<semaphore_mem>>) src(%arg16 : memref<80x16xf32, #tpu.memory_space<vmem>>) dst(%dma_wait3A_728 : memref<5248x16xf32, #tpu.memory_space<vmem_shared>>)
        tpu.yield
      }) : () -> ()
      "tpu.region"() ({
        %run_scoped3A = tpu.sem_alloc : memref<!tpu.dma_semaphore, #tpu.memory_space<semaphore_mem>>
        %dma_start3A = arith.constant 80 : i32
        %dma_start3A_725 = arith.constant 0 : i32
        %dma_start3A_726 = tpu.memref_slice %arg6[%dma_start3A, %dma_start3A_725] : memref<160x16xf32, #tpu.memory_space<vmem>> -> memref<80x16xf32, #tpu.memory_space<vmem>>
        %dma_start3A_727 = arith.constant 0 : i32
        %dma_start3A_728 = arith.constant 0 : i32
        %dma_start3A_729 = tpu.memref_slice %arg18[%dma_start3A_727, %dma_start3A_728] : memref<5248x16xf32, #tpu.memory_space<vmem_shared>> -> memref<5248x16xf32, #tpu.memory_space<vmem_shared>>
        tpu.enqueue_indirect_dma source(%dma_start3A_726 : memref<80x16xf32, #tpu.memory_space<vmem>>) target(%dma_start3A_729 : memref<5248x16xf32, #tpu.memory_space<vmem_shared>>) offsets(%arg9 : memref<80xi32, #tpu.memory_space<vmem>>) semaphore(%run_scoped3A : memref<!tpu.dma_semaphore, #tpu.memory_space<semaphore_mem>>) {add = true}
        %dma_wait3A = arith.constant 80 : i32
        %dma_wait3A_730 = arith.constant 0 : i32
        %dma_wait3A_731 = tpu.memref_slice %arg6[%dma_wait3A, %dma_wait3A_730] : memref<160x16xf32, #tpu.memory_space<vmem>> -> memref<80x16xf32, #tpu.memory_space<vmem>>
        %dma_wait3A_732 = arith.constant 0 : i32
        %dma_wait3A_733 = arith.constant 0 : i32
        %dma_wait3A_734 = tpu.memref_slice %arg18[%dma_wait3A_732, %dma_wait3A_733] : memref<5248x16xf32, #tpu.memory_space<vmem_shared>> -> memref<5248x16xf32, #tpu.memory_space<vmem_shared>>
        tpu.wait_indirect_dma semaphore(%run_scoped3A : memref<!tpu.dma_semaphore, #tpu.memory_space<semaphore_mem>>) src(%dma_wait3A_731 : memref<80x16xf32, #tpu.memory_space<vmem>>) dst(%dma_wait3A_734 : memref<5248x16xf32, #tpu.memory_space<vmem_shared>>)
        tpu.yield
      }) : () -> ()
      "tpu.region"() ({
        %run_scoped3A = tpu.sem_alloc : memref<!tpu.dma_semaphore, #tpu.memory_space<semaphore_mem>>
        %dma_start3A = arith.constant 0 : i32
        %dma_start3A_725 = arith.constant 0 : i32
        %dma_start3A_726 = tpu.memref_slice %arg19[%dma_start3A, %dma_start3A_725] : memref<5248x16xf32, #tpu.memory_space<vmem_shared>> -> memref<5248x16xf32, #tpu.memory_space<vmem_shared>>
        tpu.enqueue_indirect_dma source(%arg16 : memref<80x16xf32, #tpu.memory_space<vmem>>) target(%dma_start3A_726 : memref<5248x16xf32, #tpu.memory_space<vmem_shared>>) offsets(%arg9 : memref<80xi32, #tpu.memory_space<vmem>>) semaphore(%run_scoped3A : memref<!tpu.dma_semaphore, #tpu.memory_space<semaphore_mem>>) {add = true}
        %dma_wait3A = arith.constant 0 : i32
        %dma_wait3A_727 = arith.constant 0 : i32
        %dma_wait3A_728 = tpu.memref_slice %arg19[%dma_wait3A, %dma_wait3A_727] : memref<5248x16xf32, #tpu.memory_space<vmem_shared>> -> memref<5248x16xf32, #tpu.memory_space<vmem_shared>>
        tpu.wait_indirect_dma semaphore(%run_scoped3A : memref<!tpu.dma_semaphore, #tpu.memory_space<semaphore_mem>>) src(%arg16 : memref<80x16xf32, #tpu.memory_space<vmem>>) dst(%dma_wait3A_728 : memref<5248x16xf32, #tpu.memory_space<vmem_shared>>)
        tpu.yield
      }) : () -> ()
      %add3A_719 = arith.constant 160 : i32
      %add3A_720 = arith.addi %multiple_of3A, %add3A_719 : i32
      "tpu.region"() ({
        %run_scoped3A = tpu.sem_alloc : memref<!tpu.dma_semaphore, #tpu.memory_space<semaphore_mem>>
        %dma_start3A = arith.constant 0 : i32
        %dma_start3A_725 = tpu.memref_slice %arg2[%add3A_720, %dma_start3A] : memref<320000x16xf32, #tpu.memory_space<hbm>> -> memref<160x16xf32, #tpu.memory_space<hbm>>
        %dma_start3A_726 = arith.constant 0 : i32
        %dma_start3A_727 = tpu.memref_slice %arg2[%add3A_720, %dma_start3A_726] : memref<320000x16xf32, #tpu.memory_space<hbm>> -> memref<160x16xf32, #tpu.memory_space<hbm>>
        tpu.enqueue_dma source(%dma_start3A_727 : memref<160x16xf32, #tpu.memory_space<hbm>>) target(%arg6 : memref<160x16xf32, #tpu.memory_space<vmem>>) target_semaphore(%run_scoped3A : memref<!tpu.dma_semaphore, #tpu.memory_space<semaphore_mem>>)
        %dma_wait3A = arith.constant 0 : i32
        %dma_wait3A_728 = tpu.memref_slice %arg2[%add3A_720, %dma_wait3A] : memref<320000x16xf32, #tpu.memory_space<hbm>> -> memref<160x16xf32, #tpu.memory_space<hbm>>
        %dma_wait3A_729 = arith.constant 0 : i32
        %dma_wait3A_730 = tpu.memref_slice %arg2[%add3A_720, %dma_wait3A_729] : memref<320000x16xf32, #tpu.memory_space<hbm>> -> memref<160x16xf32, #tpu.memory_space<hbm>>
        tpu.wait_dma2 semaphore(%run_scoped3A : memref<!tpu.dma_semaphore, #tpu.memory_space<semaphore_mem>>) src(%dma_wait3A_730 : memref<160x16xf32, #tpu.memory_space<hbm>>) dst(%arg6 : memref<160x16xf32, #tpu.memory_space<vmem>>)
        tpu.yield
      }) : () -> ()
      "tpu.region"() ({
        %run_scoped3A = tpu.sem_alloc : memref<!tpu.dma_semaphore, #tpu.memory_space<semaphore_mem>>
        %dma_start3A = arith.constant 0 : i32
        %dma_start3A_725 = arith.constant 0 : i32
        %dma_start3A_726 = tpu.memref_slice %arg6[%dma_start3A, %dma_start3A_725] : memref<160x16xf32, #tpu.memory_space<vmem>> -> memref<80x16xf32, #tpu.memory_space<vmem>>
        %dma_start3A_727 = arith.constant 0 : i32
        %dma_start3A_728 = arith.constant 0 : i32
        %dma_start3A_729 = tpu.memref_slice %arg18[%dma_start3A_727, %dma_start3A_728] : memref<5248x16xf32, #tpu.memory_space<vmem_shared>> -> memref<5248x16xf32, #tpu.memory_space<vmem_shared>>
        tpu.enqueue_indirect_dma source(%dma_start3A_726 : memref<80x16xf32, #tpu.memory_space<vmem>>) target(%dma_start3A_729 : memref<5248x16xf32, #tpu.memory_space<vmem_shared>>) offsets(%arg10 : memref<80xi32, #tpu.memory_space<vmem>>) semaphore(%run_scoped3A : memref<!tpu.dma_semaphore, #tpu.memory_space<semaphore_mem>>) {add = true}
        %dma_wait3A = arith.constant 0 : i32
        %dma_wait3A_730 = arith.constant 0 : i32
        %dma_wait3A_731 = tpu.memref_slice %arg6[%dma_wait3A, %dma_wait3A_730] : memref<160x16xf32, #tpu.memory_space<vmem>> -> memref<80x16xf32, #tpu.memory_space<vmem>>
        %dma_wait3A_732 = arith.constant 0 : i32
        %dma_wait3A_733 = arith.constant 0 : i32
        %dma_wait3A_734 = tpu.memref_slice %arg18[%dma_wait3A_732, %dma_wait3A_733] : memref<5248x16xf32, #tpu.memory_space<vmem_shared>> -> memref<5248x16xf32, #tpu.memory_space<vmem_shared>>
        tpu.wait_indirect_dma semaphore(%run_scoped3A : memref<!tpu.dma_semaphore, #tpu.memory_space<semaphore_mem>>) src(%dma_wait3A_731 : memref<80x16xf32, #tpu.memory_space<vmem>>) dst(%dma_wait3A_734 : memref<5248x16xf32, #tpu.memory_space<vmem_shared>>)
        tpu.yield
      }) : () -> ()
      "tpu.region"() ({
        %run_scoped3A = tpu.sem_alloc : memref<!tpu.dma_semaphore, #tpu.memory_space<semaphore_mem>>
        %dma_start3A = arith.constant 0 : i32
        %dma_start3A_725 = arith.constant 0 : i32
        %dma_start3A_726 = tpu.memref_slice %arg19[%dma_start3A, %dma_start3A_725] : memref<5248x16xf32, #tpu.memory_space<vmem_shared>> -> memref<5248x16xf32, #tpu.memory_space<vmem_shared>>
        tpu.enqueue_indirect_dma source(%arg16 : memref<80x16xf32, #tpu.memory_space<vmem>>) target(%dma_start3A_726 : memref<5248x16xf32, #tpu.memory_space<vmem_shared>>) offsets(%arg10 : memref<80xi32, #tpu.memory_space<vmem>>) semaphore(%run_scoped3A : memref<!tpu.dma_semaphore, #tpu.memory_space<semaphore_mem>>) {add = true}
        %dma_wait3A = arith.constant 0 : i32
        %dma_wait3A_727 = arith.constant 0 : i32
        %dma_wait3A_728 = tpu.memref_slice %arg19[%dma_wait3A, %dma_wait3A_727] : memref<5248x16xf32, #tpu.memory_space<vmem_shared>> -> memref<5248x16xf32, #tpu.memory_space<vmem_shared>>
        tpu.wait_indirect_dma semaphore(%run_scoped3A : memref<!tpu.dma_semaphore, #tpu.memory_space<semaphore_mem>>) src(%arg16 : memref<80x16xf32, #tpu.memory_space<vmem>>) dst(%dma_wait3A_728 : memref<5248x16xf32, #tpu.memory_space<vmem_shared>>)
        tpu.yield
      }) : () -> ()
      "tpu.region"() ({
        %run_scoped3A = tpu.sem_alloc : memref<!tpu.dma_semaphore, #tpu.memory_space<semaphore_mem>>
        %dma_start3A = arith.constant 80 : i32
        %dma_start3A_725 = arith.constant 0 : i32
        %dma_start3A_726 = tpu.memref_slice %arg6[%dma_start3A, %dma_start3A_725] : memref<160x16xf32, #tpu.memory_space<vmem>> -> memref<80x16xf32, #tpu.memory_space<vmem>>
        %dma_start3A_727 = arith.constant 0 : i32
        %dma_start3A_728 = arith.constant 0 : i32
        %dma_start3A_729 = tpu.memref_slice %arg18[%dma_start3A_727, %dma_start3A_728] : memref<5248x16xf32, #tpu.memory_space<vmem_shared>> -> memref<5248x16xf32, #tpu.memory_space<vmem_shared>>
        tpu.enqueue_indirect_dma source(%dma_start3A_726 : memref<80x16xf32, #tpu.memory_space<vmem>>) target(%dma_start3A_729 : memref<5248x16xf32, #tpu.memory_space<vmem_shared>>) offsets(%arg11 : memref<80xi32, #tpu.memory_space<vmem>>) semaphore(%run_scoped3A : memref<!tpu.dma_semaphore, #tpu.memory_space<semaphore_mem>>) {add = true}
        %dma_wait3A = arith.constant 80 : i32
        %dma_wait3A_730 = arith.constant 0 : i32
        %dma_wait3A_731 = tpu.memref_slice %arg6[%dma_wait3A, %dma_wait3A_730] : memref<160x16xf32, #tpu.memory_space<vmem>> -> memref<80x16xf32, #tpu.memory_space<vmem>>
        %dma_wait3A_732 = arith.constant 0 : i32
        %dma_wait3A_733 = arith.constant 0 : i32
        %dma_wait3A_734 = tpu.memref_slice %arg18[%dma_wait3A_732, %dma_wait3A_733] : memref<5248x16xf32, #tpu.memory_space<vmem_shared>> -> memref<5248x16xf32, #tpu.memory_space<vmem_shared>>
        tpu.wait_indirect_dma semaphore(%run_scoped3A : memref<!tpu.dma_semaphore, #tpu.memory_space<semaphore_mem>>) src(%dma_wait3A_731 : memref<80x16xf32, #tpu.memory_space<vmem>>) dst(%dma_wait3A_734 : memref<5248x16xf32, #tpu.memory_space<vmem_shared>>)
        tpu.yield
      }) : () -> ()
      "tpu.region"() ({
        %run_scoped3A = tpu.sem_alloc : memref<!tpu.dma_semaphore, #tpu.memory_space<semaphore_mem>>
        %dma_start3A = arith.constant 0 : i32
        %dma_start3A_725 = arith.constant 0 : i32
        %dma_start3A_726 = tpu.memref_slice %arg19[%dma_start3A, %dma_start3A_725] : memref<5248x16xf32, #tpu.memory_space<vmem_shared>> -> memref<5248x16xf32, #tpu.memory_space<vmem_shared>>
        tpu.enqueue_indirect_dma source(%arg16 : memref<80x16xf32, #tpu.memory_space<vmem>>) target(%dma_start3A_726 : memref<5248x16xf32, #tpu.memory_space<vmem_shared>>) offsets(%arg11 : memref<80xi32, #tpu.memory_space<vmem>>) semaphore(%run_scoped3A : memref<!tpu.dma_semaphore, #tpu.memory_space<semaphore_mem>>) {add = true}
        %dma_wait3A = arith.constant 0 : i32
        %dma_wait3A_727 = arith.constant 0 : i32
        %dma_wait3A_728 = tpu.memref_slice %arg19[%dma_wait3A, %dma_wait3A_727] : memref<5248x16xf32, #tpu.memory_space<vmem_shared>> -> memref<5248x16xf32, #tpu.memory_space<vmem_shared>>
        tpu.wait_indirect_dma semaphore(%run_scoped3A : memref<!tpu.dma_semaphore, #tpu.memory_space<semaphore_mem>>) src(%arg16 : memref<80x16xf32, #tpu.memory_space<vmem>>) dst(%dma_wait3A_728 : memref<5248x16xf32, #tpu.memory_space<vmem_shared>>)
        tpu.yield
      }) : () -> ()
      %add3A_721 = arith.constant 320 : i32
      %add3A_722 = arith.addi %multiple_of3A, %add3A_721 : i32
      "tpu.region"() ({
        %run_scoped3A = tpu.sem_alloc : memref<!tpu.dma_semaphore, #tpu.memory_space<semaphore_mem>>
        %dma_start3A = arith.constant 0 : i32
        %dma_start3A_725 = tpu.memref_slice %arg2[%add3A_722, %dma_start3A] : memref<320000x16xf32, #tpu.memory_space<hbm>> -> memref<160x16xf32, #tpu.memory_space<hbm>>
        %dma_start3A_726 = arith.constant 0 : i32
        %dma_start3A_727 = tpu.memref_slice %arg2[%add3A_722, %dma_start3A_726] : memref<320000x16xf32, #tpu.memory_space<hbm>> -> memref<160x16xf32, #tpu.memory_space<hbm>>
        tpu.enqueue_dma source(%dma_start3A_727 : memref<160x16xf32, #tpu.memory_space<hbm>>) target(%arg6 : memref<160x16xf32, #tpu.memory_space<vmem>>) target_semaphore(%run_scoped3A : memref<!tpu.dma_semaphore, #tpu.memory_space<semaphore_mem>>)
        %dma_wait3A = arith.constant 0 : i32
        %dma_wait3A_728 = tpu.memref_slice %arg2[%add3A_722, %dma_wait3A] : memref<320000x16xf32, #tpu.memory_space<hbm>> -> memref<160x16xf32, #tpu.memory_space<hbm>>
        %dma_wait3A_729 = arith.constant 0 : i32
        %dma_wait3A_730 = tpu.memref_slice %arg2[%add3A_722, %dma_wait3A_729] : memref<320000x16xf32, #tpu.memory_space<hbm>> -> memref<160x16xf32, #tpu.memory_space<hbm>>
        tpu.wait_dma2 semaphore(%run_scoped3A : memref<!tpu.dma_semaphore, #tpu.memory_space<semaphore_mem>>) src(%dma_wait3A_730 : memref<160x16xf32, #tpu.memory_space<hbm>>) dst(%arg6 : memref<160x16xf32, #tpu.memory_space<vmem>>)
        tpu.yield
      }) : () -> ()
      "tpu.region"() ({
        %run_scoped3A = tpu.sem_alloc : memref<!tpu.dma_semaphore, #tpu.memory_space<semaphore_mem>>
        %dma_start3A = arith.constant 0 : i32
        %dma_start3A_725 = arith.constant 0 : i32
        %dma_start3A_726 = tpu.memref_slice %arg6[%dma_start3A, %dma_start3A_725] : memref<160x16xf32, #tpu.memory_space<vmem>> -> memref<80x16xf32, #tpu.memory_space<vmem>>
        %dma_start3A_727 = arith.constant 0 : i32
        %dma_start3A_728 = arith.constant 0 : i32
        %dma_start3A_729 = tpu.memref_slice %arg18[%dma_start3A_727, %dma_start3A_728] : memref<5248x16xf32, #tpu.memory_space<vmem_shared>> -> memref<5248x16xf32, #tpu.memory_space<vmem_shared>>
        tpu.enqueue_indirect_dma source(%dma_start3A_726 : memref<80x16xf32, #tpu.memory_space<vmem>>) target(%dma_start3A_729 : memref<5248x16xf32, #tpu.memory_space<vmem_shared>>) offsets(%arg12 : memref<80xi32, #tpu.memory_space<vmem>>) semaphore(%run_scoped3A : memref<!tpu.dma_semaphore, #tpu.memory_space<semaphore_mem>>) {add = true}
        %dma_wait3A = arith.constant 0 : i32
        %dma_wait3A_730 = arith.constant 0 : i32
        %dma_wait3A_731 = tpu.memref_slice %arg6[%dma_wait3A, %dma_wait3A_730] : memref<160x16xf32, #tpu.memory_space<vmem>> -> memref<80x16xf32, #tpu.memory_space<vmem>>
        %dma_wait3A_732 = arith.constant 0 : i32
        %dma_wait3A_733 = arith.constant 0 : i32
        %dma_wait3A_734 = tpu.memref_slice %arg18[%dma_wait3A_732, %dma_wait3A_733] : memref<5248x16xf32, #tpu.memory_space<vmem_shared>> -> memref<5248x16xf32, #tpu.memory_space<vmem_shared>>
        tpu.wait_indirect_dma semaphore(%run_scoped3A : memref<!tpu.dma_semaphore, #tpu.memory_space<semaphore_mem>>) src(%dma_wait3A_731 : memref<80x16xf32, #tpu.memory_space<vmem>>) dst(%dma_wait3A_734 : memref<5248x16xf32, #tpu.memory_space<vmem_shared>>)
        tpu.yield
      }) : () -> ()
      "tpu.region"() ({
        %run_scoped3A = tpu.sem_alloc : memref<!tpu.dma_semaphore, #tpu.memory_space<semaphore_mem>>
        %dma_start3A = arith.constant 0 : i32
        %dma_start3A_725 = arith.constant 0 : i32
        %dma_start3A_726 = tpu.memref_slice %arg19[%dma_start3A, %dma_start3A_725] : memref<5248x16xf32, #tpu.memory_space<vmem_shared>> -> memref<5248x16xf32, #tpu.memory_space<vmem_shared>>
        tpu.enqueue_indirect_dma source(%arg16 : memref<80x16xf32, #tpu.memory_space<vmem>>) target(%dma_start3A_726 : memref<5248x16xf32, #tpu.memory_space<vmem_shared>>) offsets(%arg12 : memref<80xi32, #tpu.memory_space<vmem>>) semaphore(%run_scoped3A : memref<!tpu.dma_semaphore, #tpu.memory_space<semaphore_mem>>) {add = true}
        %dma_wait3A = arith.constant 0 : i32
        %dma_wait3A_727 = arith.constant 0 : i32
        %dma_wait3A_728 = tpu.memref_slice %arg19[%dma_wait3A, %dma_wait3A_727] : memref<5248x16xf32, #tpu.memory_space<vmem_shared>> -> memref<5248x16xf32, #tpu.memory_space<vmem_shared>>
        tpu.wait_indirect_dma semaphore(%run_scoped3A : memref<!tpu.dma_semaphore, #tpu.memory_space<semaphore_mem>>) src(%arg16 : memref<80x16xf32, #tpu.memory_space<vmem>>) dst(%dma_wait3A_728 : memref<5248x16xf32, #tpu.memory_space<vmem_shared>>)
        tpu.yield
      }) : () -> ()
      "tpu.region"() ({
        %run_scoped3A = tpu.sem_alloc : memref<!tpu.dma_semaphore, #tpu.memory_space<semaphore_mem>>
        %dma_start3A = arith.constant 80 : i32
        %dma_start3A_725 = arith.constant 0 : i32
        %dma_start3A_726 = tpu.memref_slice %arg6[%dma_start3A, %dma_start3A_725] : memref<160x16xf32, #tpu.memory_space<vmem>> -> memref<80x16xf32, #tpu.memory_space<vmem>>
        %dma_start3A_727 = arith.constant 0 : i32
        %dma_start3A_728 = arith.constant 0 : i32
        %dma_start3A_729 = tpu.memref_slice %arg18[%dma_start3A_727, %dma_start3A_728] : memref<5248x16xf32, #tpu.memory_space<vmem_shared>> -> memref<5248x16xf32, #tpu.memory_space<vmem_shared>>
        tpu.enqueue_indirect_dma source(%dma_start3A_726 : memref<80x16xf32, #tpu.memory_space<vmem>>) target(%dma_start3A_729 : memref<5248x16xf32, #tpu.memory_space<vmem_shared>>) offsets(%arg13 : memref<80xi32, #tpu.memory_space<vmem>>) semaphore(%run_scoped3A : memref<!tpu.dma_semaphore, #tpu.memory_space<semaphore_mem>>) {add = true}
        %dma_wait3A = arith.constant 80 : i32
        %dma_wait3A_730 = arith.constant 0 : i32
        %dma_wait3A_731 = tpu.memref_slice %arg6[%dma_wait3A, %dma_wait3A_730] : memref<160x16xf32, #tpu.memory_space<vmem>> -> memref<80x16xf32, #tpu.memory_space<vmem>>
        %dma_wait3A_732 = arith.constant 0 : i32
        %dma_wait3A_733 = arith.constant 0 : i32
        %dma_wait3A_734 = tpu.memref_slice %arg18[%dma_wait3A_732, %dma_wait3A_733] : memref<5248x16xf32, #tpu.memory_space<vmem_shared>> -> memref<5248x16xf32, #tpu.memory_space<vmem_shared>>
        tpu.wait_indirect_dma semaphore(%run_scoped3A : memref<!tpu.dma_semaphore, #tpu.memory_space<semaphore_mem>>) src(%dma_wait3A_731 : memref<80x16xf32, #tpu.memory_space<vmem>>) dst(%dma_wait3A_734 : memref<5248x16xf32, #tpu.memory_space<vmem_shared>>)
        tpu.yield
      }) : () -> ()
      "tpu.region"() ({
        %run_scoped3A = tpu.sem_alloc : memref<!tpu.dma_semaphore, #tpu.memory_space<semaphore_mem>>
        %dma_start3A = arith.constant 0 : i32
        %dma_start3A_725 = arith.constant 0 : i32
        %dma_start3A_726 = tpu.memref_slice %arg19[%dma_start3A, %dma_start3A_725] : memref<5248x16xf32, #tpu.memory_space<vmem_shared>> -> memref<5248x16xf32, #tpu.memory_space<vmem_shared>>
        tpu.enqueue_indirect_dma source(%arg16 : memref<80x16xf32, #tpu.memory_space<vmem>>) target(%dma_start3A_726 : memref<5248x16xf32, #tpu.memory_space<vmem_shared>>) offsets(%arg13 : memref<80xi32, #tpu.memory_space<vmem>>) semaphore(%run_scoped3A : memref<!tpu.dma_semaphore, #tpu.memory_space<semaphore_mem>>) {add = true}
        %dma_wait3A = arith.constant 0 : i32
        %dma_wait3A_727 = arith.constant 0 : i32
        %dma_wait3A_728 = tpu.memref_slice %arg19[%dma_wait3A, %dma_wait3A_727] : memref<5248x16xf32, #tpu.memory_space<vmem_shared>> -> memref<5248x16xf32, #tpu.memory_space<vmem_shared>>
        tpu.wait_indirect_dma semaphore(%run_scoped3A : memref<!tpu.dma_semaphore, #tpu.memory_space<semaphore_mem>>) src(%arg16 : memref<80x16xf32, #tpu.memory_space<vmem>>) dst(%dma_wait3A_728 : memref<5248x16xf32, #tpu.memory_space<vmem_shared>>)
        tpu.yield
      }) : () -> ()
      %add3A_723 = arith.constant 480 : i32
      %add3A_724 = arith.addi %multiple_of3A, %add3A_723 : i32
      "tpu.region"() ({
        %run_scoped3A = tpu.sem_alloc : memref<!tpu.dma_semaphore, #tpu.memory_space<semaphore_mem>>
        %dma_start3A = arith.constant 0 : i32
        %dma_start3A_725 = tpu.memref_slice %arg2[%add3A_724, %dma_start3A] : memref<320000x16xf32, #tpu.memory_space<hbm>> -> memref<160x16xf32, #tpu.memory_space<hbm>>
        %dma_start3A_726 = arith.constant 0 : i32
        %dma_start3A_727 = tpu.memref_slice %arg2[%add3A_724, %dma_start3A_726] : memref<320000x16xf32, #tpu.memory_space<hbm>> -> memref<160x16xf32, #tpu.memory_space<hbm>>
        tpu.enqueue_dma source(%dma_start3A_727 : memref<160x16xf32, #tpu.memory_space<hbm>>) target(%arg6 : memref<160x16xf32, #tpu.memory_space<vmem>>) target_semaphore(%run_scoped3A : memref<!tpu.dma_semaphore, #tpu.memory_space<semaphore_mem>>)
        %dma_wait3A = arith.constant 0 : i32
        %dma_wait3A_728 = tpu.memref_slice %arg2[%add3A_724, %dma_wait3A] : memref<320000x16xf32, #tpu.memory_space<hbm>> -> memref<160x16xf32, #tpu.memory_space<hbm>>
        %dma_wait3A_729 = arith.constant 0 : i32
        %dma_wait3A_730 = tpu.memref_slice %arg2[%add3A_724, %dma_wait3A_729] : memref<320000x16xf32, #tpu.memory_space<hbm>> -> memref<160x16xf32, #tpu.memory_space<hbm>>
        tpu.wait_dma2 semaphore(%run_scoped3A : memref<!tpu.dma_semaphore, #tpu.memory_space<semaphore_mem>>) src(%dma_wait3A_730 : memref<160x16xf32, #tpu.memory_space<hbm>>) dst(%arg6 : memref<160x16xf32, #tpu.memory_space<vmem>>)
        tpu.yield
      }) : () -> ()
      "tpu.region"() ({
        %run_scoped3A = tpu.sem_alloc : memref<!tpu.dma_semaphore, #tpu.memory_space<semaphore_mem>>
        %dma_start3A = arith.constant 0 : i32
        %dma_start3A_725 = arith.constant 0 : i32
        %dma_start3A_726 = tpu.memref_slice %arg6[%dma_start3A, %dma_start3A_725] : memref<160x16xf32, #tpu.memory_space<vmem>> -> memref<80x16xf32, #tpu.memory_space<vmem>>
        %dma_start3A_727 = arith.constant 0 : i32
        %dma_start3A_728 = arith.constant 0 : i32
        %dma_start3A_729 = tpu.memref_slice %arg18[%dma_start3A_727, %dma_start3A_728] : memref<5248x16xf32, #tpu.memory_space<vmem_shared>> -> memref<5248x16xf32, #tpu.memory_space<vmem_shared>>
        tpu.enqueue_indirect_dma source(%dma_start3A_726 : memref<80x16xf32, #tpu.memory_space<vmem>>) target(%dma_start3A_729 : memref<5248x16xf32, #tpu.memory_space<vmem_shared>>) offsets(%arg14 : memref<80xi32, #tpu.memory_space<vmem>>) semaphore(%run_scoped3A : memref<!tpu.dma_semaphore, #tpu.memory_space<semaphore_mem>>) {add = true}
        %dma_wait3A = arith.constant 0 : i32
        %dma_wait3A_730 = arith.constant 0 : i32
        %dma_wait3A_731 = tpu.memref_slice %arg6[%dma_wait3A, %dma_wait3A_730] : memref<160x16xf32, #tpu.memory_space<vmem>> -> memref<80x16xf32, #tpu.memory_space<vmem>>
        %dma_wait3A_732 = arith.constant 0 : i32
        %dma_wait3A_733 = arith.constant 0 : i32
        %dma_wait3A_734 = tpu.memref_slice %arg18[%dma_wait3A_732, %dma_wait3A_733] : memref<5248x16xf32, #tpu.memory_space<vmem_shared>> -> memref<5248x16xf32, #tpu.memory_space<vmem_shared>>
        tpu.wait_indirect_dma semaphore(%run_scoped3A : memref<!tpu.dma_semaphore, #tpu.memory_space<semaphore_mem>>) src(%dma_wait3A_731 : memref<80x16xf32, #tpu.memory_space<vmem>>) dst(%dma_wait3A_734 : memref<5248x16xf32, #tpu.memory_space<vmem_shared>>)
        tpu.yield
      }) : () -> ()
      "tpu.region"() ({
        %run_scoped3A = tpu.sem_alloc : memref<!tpu.dma_semaphore, #tpu.memory_space<semaphore_mem>>
        %dma_start3A = arith.constant 0 : i32
        %dma_start3A_725 = arith.constant 0 : i32
        %dma_start3A_726 = tpu.memref_slice %arg19[%dma_start3A, %dma_start3A_725] : memref<5248x16xf32, #tpu.memory_space<vmem_shared>> -> memref<5248x16xf32, #tpu.memory_space<vmem_shared>>
        tpu.enqueue_indirect_dma source(%arg16 : memref<80x16xf32, #tpu.memory_space<vmem>>) target(%dma_start3A_726 : memref<5248x16xf32, #tpu.memory_space<vmem_shared>>) offsets(%arg14 : memref<80xi32, #tpu.memory_space<vmem>>) semaphore(%run_scoped3A : memref<!tpu.dma_semaphore, #tpu.memory_space<semaphore_mem>>) {add = true}
        %dma_wait3A = arith.constant 0 : i32
        %dma_wait3A_727 = arith.constant 0 : i32
        %dma_wait3A_728 = tpu.memref_slice %arg19[%dma_wait3A, %dma_wait3A_727] : memref<5248x16xf32, #tpu.memory_space<vmem_shared>> -> memref<5248x16xf32, #tpu.memory_space<vmem_shared>>
        tpu.wait_indirect_dma semaphore(%run_scoped3A : memref<!tpu.dma_semaphore, #tpu.memory_space<semaphore_mem>>) src(%arg16 : memref<80x16xf32, #tpu.memory_space<vmem>>) dst(%dma_wait3A_728 : memref<5248x16xf32, #tpu.memory_space<vmem_shared>>)
        tpu.yield
      }) : () -> ()
      "tpu.region"() ({
        %run_scoped3A = tpu.sem_alloc : memref<!tpu.dma_semaphore, #tpu.memory_space<semaphore_mem>>
        %dma_start3A = arith.constant 80 : i32
        %dma_start3A_725 = arith.constant 0 : i32
        %dma_start3A_726 = tpu.memref_slice %arg6[%dma_start3A, %dma_start3A_725] : memref<160x16xf32, #tpu.memory_space<vmem>> -> memref<80x16xf32, #tpu.memory_space<vmem>>
        %dma_start3A_727 = arith.constant 0 : i32
        %dma_start3A_728 = arith.constant 0 : i32
        %dma_start3A_729 = tpu.memref_slice %arg18[%dma_start3A_727, %dma_start3A_728] : memref<5248x16xf32, #tpu.memory_space<vmem_shared>> -> memref<5248x16xf32, #tpu.memory_space<vmem_shared>>
        tpu.enqueue_indirect_dma source(%dma_start3A_726 : memref<80x16xf32, #tpu.memory_space<vmem>>) target(%dma_start3A_729 : memref<5248x16xf32, #tpu.memory_space<vmem_shared>>) offsets(%arg15 : memref<80xi32, #tpu.memory_space<vmem>>) semaphore(%run_scoped3A : memref<!tpu.dma_semaphore, #tpu.memory_space<semaphore_mem>>) {add = true}
        %dma_wait3A = arith.constant 80 : i32
        %dma_wait3A_730 = arith.constant 0 : i32
        %dma_wait3A_731 = tpu.memref_slice %arg6[%dma_wait3A, %dma_wait3A_730] : memref<160x16xf32, #tpu.memory_space<vmem>> -> memref<80x16xf32, #tpu.memory_space<vmem>>
        %dma_wait3A_732 = arith.constant 0 : i32
        %dma_wait3A_733 = arith.constant 0 : i32
        %dma_wait3A_734 = tpu.memref_slice %arg18[%dma_wait3A_732, %dma_wait3A_733] : memref<5248x16xf32, #tpu.memory_space<vmem_shared>> -> memref<5248x16xf32, #tpu.memory_space<vmem_shared>>
        tpu.wait_indirect_dma semaphore(%run_scoped3A : memref<!tpu.dma_semaphore, #tpu.memory_space<semaphore_mem>>) src(%dma_wait3A_731 : memref<80x16xf32, #tpu.memory_space<vmem>>) dst(%dma_wait3A_734 : memref<5248x16xf32, #tpu.memory_space<vmem_shared>>)
        tpu.yield
      }) : () -> ()
      "tpu.region"() ({
        %run_scoped3A = tpu.sem_alloc : memref<!tpu.dma_semaphore, #tpu.memory_space<semaphore_mem>>
        %dma_start3A = arith.constant 0 : i32
        %dma_start3A_725 = arith.constant 0 : i32
        %dma_start3A_726 = tpu.memref_slice %arg19[%dma_start3A, %dma_start3A_725] : memref<5248x16xf32, #tpu.memory_space<vmem_shared>> -> memref<5248x16xf32, #tpu.memory_space<vmem_shared>>
        tpu.enqueue_indirect_dma source(%arg16 : memref<80x16xf32, #tpu.memory_space<vmem>>) target(%dma_start3A_726 : memref<5248x16xf32, #tpu.memory_space<vmem_shared>>) offsets(%arg15 : memref<80xi32, #tpu.memory_space<vmem>>) semaphore(%run_scoped3A : memref<!tpu.dma_semaphore, #tpu.memory_space<semaphore_mem>>) {add = true}
        %dma_wait3A = arith.constant 0 : i32
        %dma_wait3A_727 = arith.constant 0 : i32
        %dma_wait3A_728 = tpu.memref_slice %arg19[%dma_wait3A, %dma_wait3A_727] : memref<5248x16xf32, #tpu.memory_space<vmem_shared>> -> memref<5248x16xf32, #tpu.memory_space<vmem_shared>>
        tpu.wait_indirect_dma semaphore(%run_scoped3A : memref<!tpu.dma_semaphore, #tpu.memory_space<semaphore_mem>>) src(%arg16 : memref<80x16xf32, #tpu.memory_space<vmem>>) dst(%dma_wait3A_728 : memref<5248x16xf32, #tpu.memory_space<vmem_shared>>)
        tpu.yield
      }) : () -> ()
    }
    %barrier3A_35 = arith.constant 0 : index
    tpu.barrier barrier_id(%barrier3A_35)
    %add3A_36 = arith.constant 0 : i32
    %add3A_37 = arith.addi %mul3A_20, %add3A_36 : i32
    "tpu.region"() ({
      %run_scoped3A = tpu.sem_alloc : memref<!tpu.dma_semaphore, #tpu.memory_space<semaphore_mem>>
      %dma_start3A = arith.constant 0 : i32
      %dma_start3A_38 = tpu.memref_slice %arg18[%add3A_37, %dma_start3A] : memref<5248x16xf32, #tpu.memory_space<vmem_shared>> -> memref<328x16xf32, #tpu.memory_space<vmem_shared>>
      %dma_start3A_39 = arith.constant 0 : i32
      %dma_start3A_40 = tpu.memref_slice %arg18[%add3A_37, %dma_start3A_39] : memref<5248x16xf32, #tpu.memory_space<vmem_shared>> -> memref<328x16xf32, #tpu.memory_space<vmem_shared>>
      tpu.enqueue_dma source(%dma_start3A_40 : memref<328x16xf32, #tpu.memory_space<vmem_shared>>) target(%arg17 : memref<328x16xf32, #tpu.memory_space<vmem>>) target_semaphore(%run_scoped3A : memref<!tpu.dma_semaphore, #tpu.memory_space<semaphore_mem>>)
      %dma_wait3A = arith.constant 0 : i32
      %dma_wait3A_41 = tpu.memref_slice %arg18[%add3A_37, %dma_wait3A] : memref<5248x16xf32, #tpu.memory_space<vmem_shared>> -> memref<328x16xf32, #tpu.memory_space<vmem_shared>>
      %dma_wait3A_42 = arith.constant 0 : i32
      %dma_wait3A_43 = tpu.memref_slice %arg18[%add3A_37, %dma_wait3A_42] : memref<5248x16xf32, #tpu.memory_space<vmem_shared>> -> memref<328x16xf32, #tpu.memory_space<vmem_shared>>
      tpu.wait_dma2 semaphore(%run_scoped3A : memref<!tpu.dma_semaphore, #tpu.memory_space<semaphore_mem>>) src(%dma_wait3A_43 : memref<328x16xf32, #tpu.memory_space<vmem_shared>>) dst(%arg17 : memref<328x16xf32, #tpu.memory_space<vmem>>)
      tpu.yield
    }) : () -> ()
    "tpu.region"() ({
      %run_scoped3A = tpu.sem_alloc : memref<!tpu.dma_semaphore, #tpu.memory_space<semaphore_mem>>
      %dma_start3A = arith.constant 0 : i32
      %dma_start3A_38 = tpu.memref_slice %arg4[%arg0, %add3A_37, %dma_start3A] : memref<2x5248x16xf32, #tpu.memory_space<hbm>> -> memref<1x328x16xf32, #tpu.memory_space<hbm>>
      %dma_start3A_39 = tpu.memref_squeeze %dma_start3A_38 : memref<1x328x16xf32, #tpu.memory_space<hbm>> -> memref<328x16xf32, #tpu.memory_space<hbm>>
      %dma_start3A_40 = arith.constant 0 : i32
      %dma_start3A_41 = tpu.memref_slice %arg4[%arg0, %add3A_37, %dma_start3A_40] : memref<2x5248x16xf32, #tpu.memory_space<hbm>> -> memref<1x328x16xf32, #tpu.memory_space<hbm>>
      %dma_start3A_42 = tpu.memref_squeeze %dma_start3A_41 : memref<1x328x16xf32, #tpu.memory_space<hbm>> -> memref<328x16xf32, #tpu.memory_space<hbm>>
      tpu.enqueue_dma source(%arg17 : memref<328x16xf32, #tpu.memory_space<vmem>>) target(%dma_start3A_42 : memref<328x16xf32, #tpu.memory_space<hbm>>) target_semaphore(%run_scoped3A : memref<!tpu.dma_semaphore, #tpu.memory_space<semaphore_mem>>)
      %dma_wait3A = arith.constant 0 : i32
      %dma_wait3A_43 = tpu.memref_slice %arg4[%arg0, %add3A_37, %dma_wait3A] : memref<2x5248x16xf32, #tpu.memory_space<hbm>> -> memref<1x328x16xf32, #tpu.memory_space<hbm>>
      %dma_wait3A_44 = tpu.memref_squeeze %dma_wait3A_43 : memref<1x328x16xf32, #tpu.memory_space<hbm>> -> memref<328x16xf32, #tpu.memory_space<hbm>>
      %dma_wait3A_45 = arith.constant 0 : i32
      %dma_wait3A_46 = tpu.memref_slice %arg4[%arg0, %add3A_37, %dma_wait3A_45] : memref<2x5248x16xf32, #tpu.memory_space<hbm>> -> memref<1x328x16xf32, #tpu.memory_space<hbm>>
      %dma_wait3A_47 = tpu.memref_squeeze %dma_wait3A_46 : memref<1x328x16xf32, #tpu.memory_space<hbm>> -> memref<328x16xf32, #tpu.memory_space<hbm>>
      tpu.wait_dma2 semaphore(%run_scoped3A : memref<!tpu.dma_semaphore, #tpu.memory_space<semaphore_mem>>) src(%arg17 : memref<328x16xf32, #tpu.memory_space<vmem>>) dst(%dma_wait3A_47 : memref<328x16xf32, #tpu.memory_space<hbm>>)
      tpu.yield
    }) : () -> ()
    "tpu.region"() ({
      %run_scoped3A = tpu.sem_alloc : memref<!tpu.dma_semaphore, #tpu.memory_space<semaphore_mem>>
      %dma_start3A = arith.constant 0 : i32
      %dma_start3A_38 = tpu.memref_slice %arg19[%add3A_37, %dma_start3A] : memref<5248x16xf32, #tpu.memory_space<vmem_shared>> -> memref<328x16xf32, #tpu.memory_space<vmem_shared>>
      %dma_start3A_39 = arith.constant 0 : i32
      %dma_start3A_40 = tpu.memref_slice %arg19[%add3A_37, %dma_start3A_39] : memref<5248x16xf32, #tpu.memory_space<vmem_shared>> -> memref<328x16xf32, #tpu.memory_space<vmem_shared>>
      tpu.enqueue_dma source(%dma_start3A_40 : memref<328x16xf32, #tpu.memory_space<vmem_shared>>) target(%arg17 : memref<328x16xf32, #tpu.memory_space<vmem>>) target_semaphore(%run_scoped3A : memref<!tpu.dma_semaphore, #tpu.memory_space<semaphore_mem>>)
      %dma_wait3A = arith.constant 0 : i32
      %dma_wait3A_41 = tpu.memref_slice %arg19[%add3A_37, %dma_wait3A] : memref<5248x16xf32, #tpu.memory_space<vmem_shared>> -> memref<328x16xf32, #tpu.memory_space<vmem_shared>>
      %dma_wait3A_42 = arith.constant 0 : i32
      %dma_wait3A_43 = tpu.memref_slice %arg19[%add3A_37, %dma_wait3A_42] : memref<5248x16xf32, #tpu.memory_space<vmem_shared>> -> memref<328x16xf32, #tpu.memory_space<vmem_shared>>
      tpu.wait_dma2 semaphore(%run_scoped3A : memref<!tpu.dma_semaphore, #tpu.memory_space<semaphore_mem>>) src(%dma_wait3A_43 : memref<328x16xf32, #tpu.memory_space<vmem_shared>>) dst(%arg17 : memref<328x16xf32, #tpu.memory_space<vmem>>)
      tpu.yield
    }) : () -> ()
    "tpu.region"() ({
      %run_scoped3A = tpu.sem_alloc : memref<!tpu.dma_semaphore, #tpu.memory_space<semaphore_mem>>
      %dma_start3A = arith.constant 0 : i32
      %dma_start3A_38 = tpu.memref_slice %arg5[%arg0, %add3A_37, %dma_start3A] : memref<2x5248x16xf32, #tpu.memory_space<hbm>> -> memref<1x328x16xf32, #tpu.memory_space<hbm>>
      %dma_start3A_39 = tpu.memref_squeeze %dma_start3A_38 : memref<1x328x16xf32, #tpu.memory_space<hbm>> -> memref<328x16xf32, #tpu.memory_space<hbm>>
      %dma_start3A_40 = arith.constant 0 : i32
      %dma_start3A_41 = tpu.memref_slice %arg5[%arg0, %add3A_37, %dma_start3A_40] : memref<2x5248x16xf32, #tpu.memory_space<hbm>> -> memref<1x328x16xf32, #tpu.memory_space<hbm>>
      %dma_start3A_42 = tpu.memref_squeeze %dma_start3A_41 : memref<1x328x16xf32, #tpu.memory_space<hbm>> -> memref<328x16xf32, #tpu.memory_space<hbm>>
      tpu.enqueue_dma source(%arg17 : memref<328x16xf32, #tpu.memory_space<vmem>>) target(%dma_start3A_42 : memref<328x16xf32, #tpu.memory_space<hbm>>) target_semaphore(%run_scoped3A : memref<!tpu.dma_semaphore, #tpu.memory_space<semaphore_mem>>)
      %dma_wait3A = arith.constant 0 : i32
      %dma_wait3A_43 = tpu.memref_slice %arg5[%arg0, %add3A_37, %dma_wait3A] : memref<2x5248x16xf32, #tpu.memory_space<hbm>> -> memref<1x328x16xf32, #tpu.memory_space<hbm>>
      %dma_wait3A_44 = tpu.memref_squeeze %dma_wait3A_43 : memref<1x328x16xf32, #tpu.memory_space<hbm>> -> memref<328x16xf32, #tpu.memory_space<hbm>>
      %dma_wait3A_45 = arith.constant 0 : i32
      %dma_wait3A_46 = tpu.memref_slice %arg5[%arg0, %add3A_37, %dma_wait3A_45] : memref<2x5248x16xf32, #tpu.memory_space<hbm>> -> memref<1x328x16xf32, #tpu.memory_space<hbm>>
      %dma_wait3A_47 = tpu.memref_squeeze %dma_wait3A_46 : memref<1x328x16xf32, #tpu.memory_space<hbm>> -> memref<328x16xf32, #tpu.memory_space<hbm>>
      tpu.wait_dma2 semaphore(%run_scoped3A : memref<!tpu.dma_semaphore, #tpu.memory_space<semaphore_mem>>) src(%arg17 : memref<328x16xf32, #tpu.memory_space<vmem>>) dst(%dma_wait3A_47 : memref<328x16xf32, #tpu.memory_space<hbm>>)
      tpu.yield
    }) : () -> ()
    return
  }
}

module attributes {stable_mosaic.version = 14 : i64} {
  func.func @body(%arg0: i32, %arg1: memref<400x128xf32, #tpu.memory_space<vmem>>, %arg2: memref<1x400x16xf32, #tpu.memory_space<vmem>>, %arg3: memref<1x400x16xf32, #tpu.memory_space<vmem>>, %arg4: memref<1x16xf32, #tpu.memory_space<vmem>>, %arg5: memref<128x64xf32, #tpu.memory_space<vmem>>, %arg6: memref<16x64xf32, #tpu.memory_space<vmem>>, %arg7: memref<64x64xf32, #tpu.memory_space<vmem>>, %arg8: memref<64x64xf32, #tpu.memory_space<vmem>>, %arg9: memref<1x64xf32, #tpu.memory_space<vmem>>, %arg10: memref<1x64xf32, #tpu.memory_space<vmem>>, %arg11: memref<1x64xf32, #tpu.memory_space<vmem>>, %arg12: memref<1x64xf32, #tpu.memory_space<vmem>>, %arg13: memref<1x64xf32, #tpu.memory_space<vmem>>, %arg14: memref<400x64xf32, #tpu.memory_space<vmem>>) attributes {dimension_semantics = [#tpu.dimension_semantics<arbitrary>], iteration_bounds = array<i64: 25>, scalar_prefetch = 0 : i64, scratch_operands = 0 : i64, tpu.core_type = #tpu.core_type<tc>, window_params = [{transform_indices = @transform_0, window_bounds = array<i64: 400, 128>}, {transform_indices = @transform_1, window_bounds = array<i64: 1, 400, 16>}, {transform_indices = @transform_2, window_bounds = array<i64: 1, 400, 16>}, {pipeline_mode = #tpu.pipeline_mode<synchronous>, transform_indices = @transform_3, window_bounds = array<i64: 1, 16>}, {pipeline_mode = #tpu.pipeline_mode<synchronous>, transform_indices = @transform_4, window_bounds = array<i64: 128, 64>}, {pipeline_mode = #tpu.pipeline_mode<synchronous>, transform_indices = @transform_5, window_bounds = array<i64: 16, 64>}, {pipeline_mode = #tpu.pipeline_mode<synchronous>, transform_indices = @transform_6, window_bounds = array<i64: 64, 64>}, {pipeline_mode = #tpu.pipeline_mode<synchronous>, transform_indices = @transform_7, window_bounds = array<i64: 64, 64>}, {pipeline_mode = #tpu.pipeline_mode<synchronous>, transform_indices = @transform_8, window_bounds = array<i64: 1, 64>}, {pipeline_mode = #tpu.pipeline_mode<synchronous>, transform_indices = @transform_9, window_bounds = array<i64: 1, 64>}, {pipeline_mode = #tpu.pipeline_mode<synchronous>, transform_indices = @transform_10, window_bounds = array<i64: 1, 64>}, {pipeline_mode = #tpu.pipeline_mode<synchronous>, transform_indices = @transform_11, window_bounds = array<i64: 1, 64>}, {pipeline_mode = #tpu.pipeline_mode<synchronous>, transform_indices = @transform_12, window_bounds = array<i64: 1, 64>}, {transform_indices = @transform_13, window_bounds = array<i64: 400, 64>}]} {
    %get3A = arith.constant 0 : index
    %get3A_0 = arith.constant 0 : index
    %get3A_1 = arith.constant 0 : index
    %get3A_2 = vector.load %arg2[%get3A, %get3A_0, %get3A_1] : memref<1x400x16xf32, #tpu.memory_space<vmem>>, vector<1x400x16xf32>
    %get3A_3 = vector.shape_cast %get3A_2 : vector<1x400x16xf32> to vector<400x16xf32>
    %get3A_4 = arith.constant 0 : index
    %get3A_5 = arith.constant 0 : index
    %get3A_6 = arith.constant 0 : index
    %get3A_7 = vector.load %arg3[%get3A_4, %get3A_5, %get3A_6] : memref<1x400x16xf32, #tpu.memory_space<vmem>>, vector<1x400x16xf32>
    %get3A_8 = vector.shape_cast %get3A_7 : vector<1x400x16xf32> to vector<400x16xf32>
    %slice3A = vector.extract_strided_slice %get3A_8 {offsets = [0, 0], sizes = [400, 1], strides = [1, 1]} : vector<400x16xf32> to vector<400x1xf32>
    %get3A_9 = arith.constant 0 : index
    %get3A_10 = arith.constant 0 : index
    %get3A_11 = vector.load %arg4[%get3A_9, %get3A_10] : memref<1x16xf32, #tpu.memory_space<vmem>>, vector<1x16xf32>
    %add3A = vector.broadcast %get3A_11 : vector<1x16xf32> to vector<400x16xf32>
    %add3A_12 = arith.addf %get3A_3, %add3A : vector<400x16xf32>
    %max3A = arith.constant 1.000000e+00 : f32
    %max3A_13 = vector.broadcast %max3A : f32 to vector<400x1xf32>
    %max3A_14 = arith.maximumf %slice3A, %max3A_13 : vector<400x1xf32>
    %div3A = vector.broadcast %max3A_14 : vector<400x1xf32> to vector<400x16xf32>
    %div3A_15 = arith.divf %add3A_12, %div3A : vector<400x16xf32>
    %get3A_16 = arith.constant 0 : index
    %get3A_17 = arith.constant 0 : index
    %get3A_18 = vector.load %arg1[%get3A_16, %get3A_17] : memref<400x128xf32, #tpu.memory_space<vmem>>, vector<400x128xf32>
    %get3A_19 = arith.constant 0 : index
    %get3A_20 = arith.constant 0 : index
    %get3A_21 = vector.load %arg5[%get3A_19, %get3A_20] : memref<128x64xf32, #tpu.memory_space<vmem>>, vector<128x64xf32>
    %dot_general3A = arith.constant dense<0.000000e+00> : vector<400x64xf32>
    %dot_general3A_22 = tpu.matmul %get3A_18, %get3A_21, %dot_general3A {dimension_numbers = #tpu.dot_dimension_numbers<[1], [0], [0], [1], [0, 0, 1, 1], [], []>, transpose_lhs_hint = false} : vector<400x128xf32>, vector<128x64xf32>, vector<400x64xf32> -> vector<400x64xf32>
    %get3A_23 = arith.constant 0 : index
    %get3A_24 = arith.constant 0 : index
    %get3A_25 = vector.load %arg6[%get3A_23, %get3A_24] : memref<16x64xf32, #tpu.memory_space<vmem>>, vector<16x64xf32>
    %dot_general3A_26 = arith.constant dense<0.000000e+00> : vector<400x64xf32>
    %dot_general3A_27 = tpu.matmul %div3A_15, %get3A_25, %dot_general3A_26 {dimension_numbers = #tpu.dot_dimension_numbers<[1], [0], [0], [1], [0, 0, 1, 1], [], []>, transpose_lhs_hint = false} : vector<400x16xf32>, vector<16x64xf32>, vector<400x64xf32> -> vector<400x64xf32>
    %add3A_28 = arith.addf %dot_general3A_22, %dot_general3A_27 : vector<400x64xf32>
    %get3A_29 = arith.constant 0 : index
    %get3A_30 = arith.constant 0 : index
    %get3A_31 = vector.load %arg9[%get3A_29, %get3A_30] : memref<1x64xf32, #tpu.memory_space<vmem>>, vector<1x64xf32>
    %add3A_32 = vector.broadcast %get3A_31 : vector<1x64xf32> to vector<400x64xf32>
    %add3A_33 = arith.addf %add3A_28, %add3A_32 : vector<400x64xf32>
    %max3A_34 = arith.constant 0.000000e+00 : f32
    %max3A_35 = vector.broadcast %max3A_34 : f32 to vector<400x64xf32>
    %max3A_36 = arith.maximumf %add3A_33, %max3A_35 : vector<400x64xf32>
    %get3A_37 = arith.constant 0 : index
    %get3A_38 = arith.constant 0 : index
    %get3A_39 = vector.load %arg7[%get3A_37, %get3A_38] : memref<64x64xf32, #tpu.memory_space<vmem>>, vector<64x64xf32>
    %dot_general3A_40 = arith.constant dense<0.000000e+00> : vector<400x64xf32>
    %dot_general3A_41 = tpu.matmul %max3A_36, %get3A_39, %dot_general3A_40 {dimension_numbers = #tpu.dot_dimension_numbers<[1], [0], [0], [1], [0, 0, 1, 1], [], []>, transpose_lhs_hint = false} : vector<400x64xf32>, vector<64x64xf32>, vector<400x64xf32> -> vector<400x64xf32>
    %get3A_42 = arith.constant 0 : index
    %get3A_43 = arith.constant 0 : index
    %get3A_44 = vector.load %arg10[%get3A_42, %get3A_43] : memref<1x64xf32, #tpu.memory_space<vmem>>, vector<1x64xf32>
    %add3A_45 = vector.broadcast %get3A_44 : vector<1x64xf32> to vector<400x64xf32>
    %add3A_46 = arith.addf %dot_general3A_41, %add3A_45 : vector<400x64xf32>
    %max3A_47 = arith.constant 0.000000e+00 : f32
    %max3A_48 = vector.broadcast %max3A_47 : f32 to vector<400x64xf32>
    %max3A_49 = arith.maximumf %add3A_46, %max3A_48 : vector<400x64xf32>
    %get3A_50 = arith.constant 0 : index
    %get3A_51 = arith.constant 0 : index
    %get3A_52 = vector.load %arg8[%get3A_50, %get3A_51] : memref<64x64xf32, #tpu.memory_space<vmem>>, vector<64x64xf32>
    %dot_general3A_53 = arith.constant dense<0.000000e+00> : vector<400x64xf32>
    %dot_general3A_54 = tpu.matmul %max3A_49, %get3A_52, %dot_general3A_53 {dimension_numbers = #tpu.dot_dimension_numbers<[1], [0], [0], [1], [0, 0, 1, 1], [], []>, transpose_lhs_hint = false} : vector<400x64xf32>, vector<64x64xf32>, vector<400x64xf32> -> vector<400x64xf32>
    %get3A_55 = arith.constant 0 : index
    %get3A_56 = arith.constant 0 : index
    %get3A_57 = vector.load %arg11[%get3A_55, %get3A_56] : memref<1x64xf32, #tpu.memory_space<vmem>>, vector<1x64xf32>
    %add3A_58 = vector.broadcast %get3A_57 : vector<1x64xf32> to vector<400x64xf32>
    %add3A_59 = arith.addf %dot_general3A_54, %add3A_58 : vector<400x64xf32>
    %reduce_sum3A = arith.constant dense<0.000000e+00> : vector<400xf32>
    %reduce_sum3A_60 = vector.multi_reduction <add>, %add3A_59, %reduce_sum3A [1] : vector<400x64xf32> to vector<400xf32>
    %broadcast_in_dim3A = vector.shape_cast %reduce_sum3A_60 : vector<400xf32> to vector<400x1xf32>
    %div3A_61 = arith.constant 6.400000e+01 : f32
    %div3A_62 = vector.broadcast %div3A_61 : f32 to vector<400x1xf32>
    %div3A_63 = arith.divf %broadcast_in_dim3A, %div3A_62 : vector<400x1xf32>
    %sub3A = vector.broadcast %div3A_63 : vector<400x1xf32> to vector<400x64xf32>
    %sub3A_64 = arith.subf %add3A_59, %sub3A : vector<400x64xf32>
    %integer_pow3A = arith.mulf %sub3A_64, %sub3A_64 : vector<400x64xf32>
    %reduce_sum3A_65 = arith.constant dense<0.000000e+00> : vector<400xf32>
    %reduce_sum3A_66 = vector.multi_reduction <add>, %integer_pow3A, %reduce_sum3A_65 [1] : vector<400x64xf32> to vector<400xf32>
    %broadcast_in_dim3A_67 = vector.shape_cast %reduce_sum3A_66 : vector<400xf32> to vector<400x1xf32>
    %div3A_68 = arith.constant 6.400000e+01 : f32
    %div3A_69 = vector.broadcast %div3A_68 : f32 to vector<400x1xf32>
    %div3A_70 = arith.divf %broadcast_in_dim3A_67, %div3A_69 : vector<400x1xf32>
    %sub3A_71 = vector.broadcast %div3A_63 : vector<400x1xf32> to vector<400x64xf32>
    %sub3A_72 = arith.subf %add3A_59, %sub3A_71 : vector<400x64xf32>
    %add3A_73 = arith.constant 9.99999974E-6 : f32
    %add3A_74 = vector.broadcast %add3A_73 : f32 to vector<400x1xf32>
    %add3A_75 = arith.addf %div3A_70, %add3A_74 : vector<400x1xf32>
    %rsqrt3A = math.rsqrt %add3A_75 : vector<400x1xf32>
    %mul3A = vector.broadcast %rsqrt3A : vector<400x1xf32> to vector<400x64xf32>
    %mul3A_76 = arith.mulf %sub3A_72, %mul3A : vector<400x64xf32>
    %get3A_77 = arith.constant 0 : index
    %get3A_78 = arith.constant 0 : index
    %get3A_79 = vector.load %arg12[%get3A_77, %get3A_78] : memref<1x64xf32, #tpu.memory_space<vmem>>, vector<1x64xf32>
    %mul3A_80 = vector.broadcast %get3A_79 : vector<1x64xf32> to vector<400x64xf32>
    %mul3A_81 = arith.mulf %mul3A_76, %mul3A_80 : vector<400x64xf32>
    %get3A_82 = arith.constant 0 : index
    %get3A_83 = arith.constant 0 : index
    %get3A_84 = vector.load %arg13[%get3A_82, %get3A_83] : memref<1x64xf32, #tpu.memory_space<vmem>>, vector<1x64xf32>
    %add3A_85 = vector.broadcast %get3A_84 : vector<1x64xf32> to vector<400x64xf32>
    %add3A_86 = arith.addf %mul3A_81, %add3A_85 : vector<400x64xf32>
    %swap3A = arith.constant 0 : index
    %swap3A_87 = arith.constant 0 : index
    %swap3A_88 = vector.load %arg14[%swap3A, %swap3A_87] : memref<400x64xf32, #tpu.memory_space<vmem>>, vector<400x64xf32>
    tpu.vector_store %arg14[%swap3A, %swap3A_87], %add3A_86 {strides = array<i32>} : memref<400x64xf32, #tpu.memory_space<vmem>>, vector<400x64xf32>,
    return
  }
  func.func @transform_0(%arg0: i32) -> (i32, i32) {
    %c0_i32 = arith.constant 0 : i32
    %c0_i32_0 = arith.constant 0 : i32
    return %arg0, %c0_i32 : i32, i32
  }
  func.func @transform_1(%arg0: i32) -> (i32, i32, i32) {
    %lt3A = arith.constant 13 : i32
    %lt3A_0 = arith.cmpi slt, %arg0, %lt3A : i32
    %jit3A = arith.constant 0 : i32
    %jit3A_1 = arith.constant 1 : i32
    %select_n3A = arith.select %lt3A_0, %jit3A, %jit3A_1 : i32
    %sub3A = arith.constant 13 : i32
    %sub3A_2 = arith.subi %arg0, %sub3A : i32
    %select_n3A_3 = arith.select %lt3A_0, %arg0, %sub3A_2 : i32
    %c0_i32 = arith.constant 0 : i32
    %c0_i32_4 = arith.constant 0 : i32
    return %select_n3A, %select_n3A_3, %c0_i32 : i32, i32, i32
  }
  func.func @transform_2(%arg0: i32) -> (i32, i32, i32) {
    %lt3A = arith.constant 13 : i32
    %lt3A_0 = arith.cmpi slt, %arg0, %lt3A : i32
    %jit3A = arith.constant 0 : i32
    %jit3A_1 = arith.constant 1 : i32
    %select_n3A = arith.select %lt3A_0, %jit3A, %jit3A_1 : i32
    %sub3A = arith.constant 13 : i32
    %sub3A_2 = arith.subi %arg0, %sub3A : i32
    %select_n3A_3 = arith.select %lt3A_0, %arg0, %sub3A_2 : i32
    %c0_i32 = arith.constant 0 : i32
    %c0_i32_4 = arith.constant 0 : i32
    return %select_n3A, %select_n3A_3, %c0_i32 : i32, i32, i32
  }
  func.func @transform_3(%arg0: i32) -> (i32, i32) {
    %c0_i32 = arith.constant 0 : i32
    %c0_i32_0 = arith.constant 0 : i32
    %c0_i32_1 = arith.constant 0 : i32
    return %c0_i32, %c0_i32_0 : i32, i32
  }
  func.func @transform_4(%arg0: i32) -> (i32, i32) {
    %c0_i32 = arith.constant 0 : i32
    %c0_i32_0 = arith.constant 0 : i32
    %c0_i32_1 = arith.constant 0 : i32
    return %c0_i32, %c0_i32_0 : i32, i32
  }
  func.func @transform_5(%arg0: i32) -> (i32, i32) {
    %c0_i32 = arith.constant 0 : i32
    %c0_i32_0 = arith.constant 0 : i32
    %c0_i32_1 = arith.constant 0 : i32
    return %c0_i32, %c0_i32_0 : i32, i32
  }
  func.func @transform_6(%arg0: i32) -> (i32, i32) {
    %c0_i32 = arith.constant 0 : i32
    %c0_i32_0 = arith.constant 0 : i32
    %c0_i32_1 = arith.constant 0 : i32
    return %c0_i32, %c0_i32_0 : i32, i32
  }
  func.func @transform_7(%arg0: i32) -> (i32, i32) {
    %c0_i32 = arith.constant 0 : i32
    %c0_i32_0 = arith.constant 0 : i32
    %c0_i32_1 = arith.constant 0 : i32
    return %c0_i32, %c0_i32_0 : i32, i32
  }
  func.func @transform_8(%arg0: i32) -> (i32, i32) {
    %c0_i32 = arith.constant 0 : i32
    %c0_i32_0 = arith.constant 0 : i32
    %c0_i32_1 = arith.constant 0 : i32
    return %c0_i32, %c0_i32_0 : i32, i32
  }
  func.func @transform_9(%arg0: i32) -> (i32, i32) {
    %c0_i32 = arith.constant 0 : i32
    %c0_i32_0 = arith.constant 0 : i32
    %c0_i32_1 = arith.constant 0 : i32
    return %c0_i32, %c0_i32_0 : i32, i32
  }
  func.func @transform_10(%arg0: i32) -> (i32, i32) {
    %c0_i32 = arith.constant 0 : i32
    %c0_i32_0 = arith.constant 0 : i32
    %c0_i32_1 = arith.constant 0 : i32
    return %c0_i32, %c0_i32_0 : i32, i32
  }
  func.func @transform_11(%arg0: i32) -> (i32, i32) {
    %c0_i32 = arith.constant 0 : i32
    %c0_i32_0 = arith.constant 0 : i32
    %c0_i32_1 = arith.constant 0 : i32
    return %c0_i32, %c0_i32_0 : i32, i32
  }
  func.func @transform_12(%arg0: i32) -> (i32, i32) {
    %c0_i32 = arith.constant 0 : i32
    %c0_i32_0 = arith.constant 0 : i32
    %c0_i32_1 = arith.constant 0 : i32
    return %c0_i32, %c0_i32_0 : i32, i32
  }
  func.func @transform_13(%arg0: i32) -> (i32, i32) {
    %c0_i32 = arith.constant 0 : i32
    %c0_i32_0 = arith.constant 0 : i32
    return %arg0, %c0_i32 : i32, i32
  }
}

</mosaic_0001>

<sc_bundles>
// kernel: kernel.4.cloned.1.call-start
scs
__scs_entry_jumppad:
0x0: {  	(pc) =	sbr.rel $0x88, $3  }
0x1: {  	(tag) =	ssettag $0x0;
	lr =	simm.s32 $0x1  }
0x2: {  	[smem:$0x3F95] =	sst lr;
	_ =	strace $0xD0000000  }
0x3: {  	_ = 	snop  }
0x4: {  	_ = 	snop  }
0x5: {  	_ = 	snop  }
0x6: {  	_ = 	snop  }
0x7: {  	_ = 	snop  }
__scs_overlays_trampoline_lowered:
0x8: {  	[smem:$0x3FA4] =	sst s0  }
0x9: {  	[smem:$0x3FA5] =	sst s1  }
0xa: {  	[smem:$0x3FA6] =	sst s2  }
0xb: {  	[smem:$0x3FA7] =	sst s3  }
0xc: {  	[smem:$0x3FA8] =	sst s4  }
0xd: {  	[smem:$0x3FA9] =	sst s5  }
0xe: {  	[smem:$0x3FAA] =	sst s6  }
0xf: {  	[smem:$0x3FAB] =	sst s7  }
0x10: {  	[smem:$0x3FAC] =	sst s8  }
0x11: {  	[smem:$0x3FAD] =	sst s9;
	s0 =	simm.s32 @!p0 $0x0  }
0x12: {  	s1 =	sld [smem:$0x3F93];
	s0 =	simm.s32 @p0 $0x1  }
0x13: {  	[smem:$0x3FAE] =	sst s0;
	s0 =	simm.s32 @!p1 $0x0  }
0x14: {  	s2 =	sld [smem:$0x3F92];
	s0 =	simm.s32 @p1 $0x1  }
0x15: {  	[smem:$0x3FAF] =	sst s0;
	s0 =	simm.s32 @!p2 $0x0  }
0x16: {  	s3 =	sld [smem:$0x3FDB];
	s0 =	simm.s32 @p2 $0x1  }
0x17: {  	s4 =	simm.s32 $0x1BF5;
	[smem:$0x3FB1] =	sst s0  }
0x18: {  	s0 =	sld [smem:$0x3F94];
	_ =	swait.ge [sflag:s4], $0x0  }
0x19: {  	s7 =	sld [smem:$0x3F95]  }
0x1a: {  	s8 =	sadd.s32 $0xFFFFE003, lr  }
0x1b: {  	s9 =	sadd.s32 $0xFFFFFEF7, lr;
	s5 =	simm.s32 $0xFFFFFFFF;
	p2 =	slt.u32 s8, $0xFFFFF086  }
0x1c: {  	p1 =	slt.u32 s9, $0xF7A;
	s5 =	simm.s32 @!p2 $0x0  }
0x1d: {  	s5 =	simm.s32 @p1 $0x1;
	p0 =	seq.s32 s7, s2  }
0x1e: {  	s7 =	smul.u32 @!p0 $0xF7A, s2;
	p2 =	seq.s32 @!p0 s5, $0x0  }
0x1f: {  	s9 =	smul.u32 $0xF7A, s1;
	s8 =	simm.s32 @!p0 $0x1BF5;
	p2 =	por !p2, p0  }
0x20: {  	[sflag:s8] =	ssyncset.s32 @!p0 $0xFFFFF086;
	s6 =	sadd.s32 @!p0 s3, s7;
	s7 =	simm.s32 @!p0 $0x108  }
0x21: {  	s3 =	sadd.s32 s3, s9;
	s6 =	sadd.s32 @!p0 $0x88, s6;
	s7 =	simm.s32 @p2 $0x1082  }
0x22: {  	[simem:s7], [sflag:s8] =	dma.local @!p0 [hbm:s6], $0xF7A  }
0x23: {  	s9 =	sor.u32 $0xD0000000, s2;
	s6 =	simm.s32 $0x108;
	_ =	swait.ge @!p0 [sflag:s8], $0x0  }
0x24: {  	s3 =	sadd.s32 $0x88, s3;
	s6 =	simm.s32 @!p1 $0x1082;
	[sflag:s4] =	ssyncset.s32 $0xFFFFF086  }
0x25: {  	[simem:s6], [sflag:s4] =	dma.local [hbm:s3], $0xF7A  }
0x26: {  	[smem:$0x3F95] =	sst s1;
	(tag) =	ssettag s2;
	_ =	strace s9  }
0x27: {  	s1 =	sld [smem:$0x3FA5]  }
0x28: {  	s2 =	sld [smem:$0x3FA6]  }
0x29: {  	s4 =	sld [smem:$0x3FA8]  }
0x2a: {  	p0 =	seq.s32 s5, $0x0;
	s5 =	sld [smem:$0x3FA9]  }
0x2b: {  	s6 =	sld [smem:$0x3FAA]  }
0x2c: {  	s7 =	sld [smem:$0x3FAB]  }
0x2d: {  	s3 =	simm.s32 $0x108;
	s8 =	sld [smem:$0x3FAC]  }
0x2e: {  	s3 =	simm.s32 @!p0 $0x1082;
	s9 =	sld [smem:$0x3FAD]  }
0x2f: {  	lr =	sadd.s32 s0, s3;
	s0 =	sld [smem:$0x3FA4]  }
0x30: {  	s3 =	sld [smem:$0x3FA7]  }
0x31: {  	[smem:$0x3FB0] =	sst s10  }
0x32: {  	s10 =	sld [smem:$0x3FAE];
	_ =	sdelay $0x3  }
0x33: {  	p0 =	seq.s32 s10, $0x1;
	s10 =	sld [smem:$0x3FB0];
	_ =	sdelay $0x3  }
0x34: {  	[smem:$0x3FB0] =	sst s10  }
0x35: {  	s10 =	sld [smem:$0x3FAF];
	_ =	sdelay $0x3  }
0x36: {  	p1 =	seq.s32 s10, $0x1;
	s10 =	sld [smem:$0x3FB0];
	_ =	sdelay $0x3  }
0x37: {  	[smem:$0x3FB0] =	sst s10  }
0x38: {  	s10 =	sld [smem:$0x3FB1]  }
0x39: {  	_ = 	snop;
	(pc) =	sbr.ind lr, $3  }
0x3a: {  	_ = 	snop  }
0x3b: {  	_ = 	snop  }
0x3c: {  	p2 =	seq.s32 s10, $0x1;
	s10 =	sld [smem:$0x3FB0]  }
0x3d: {  	_ =	shalt  }
0x3e: {  	_ =	shalt  }
0x3f: {  	_ =	shalt  }
0x40: {  	_ =	shalt  }
0x41: {  	_ =	shalt  }
0x42: {  	_ =	shalt  }
0x43: {  	_ =	shalt  }
0x44: {  	_ =	shalt  }
0x45: {  	_ =	shalt  }
0x46: {  	_ =	shalt  }
0x47: {  	_ =	shalt  }
0x48: {  	_ =	shalt  }
0x49: {  	_ =	shalt  }
0x4a: {  	_ =	shalt  }
0x4b: {  	_ =	shalt  }
0x4c: {  	_ =	shalt  }
0x4d: {  	_ =	shalt  }
0x4e: {  	_ =	shalt  }
0x4f: {  	_ =	shalt  }
0x50: {  	_ =	shalt  }
0x51: {  	_ =	shalt  }
0x52: {  	_ =	shalt  }
0x53: {  	_ =	shalt  }
0x54: {  	_ =	shalt  }
0x55: {  	_ =	shalt  }
0x56: {  	_ =	shalt  }
0x57: {  	_ =	shalt  }
0x58: {  	_ =	shalt  }
0x59: {  	_ =	shalt  }
0x5a: {  	_ =	shalt  }
0x5b: {  	_ =	shalt  }
0x5c: {  	_ =	shalt  }
0x5d: {  	_ =	shalt  }
0x5e: {  	_ =	shalt  }
0x5f: {  	_ =	shalt  }
0x60: {  	_ =	shalt  }
0x61: {  	_ =	shalt  }
0x62: {  	_ =	shalt  }
0x63: {  	_ =	shalt  }
0x64: {  	_ =	shalt  }
0x65: {  	_ =	shalt  }
0x66: {  	_ =	shalt  }
0x67: {  	_ =	shalt  }
0x68: {  	_ =	shalt  }
0x69: {  	_ =	shalt  }
0x6a: {  	_ =	shalt  }
0x6b: {  	_ =	shalt  }
0x6c: {  	_ =	shalt  }
0x6d: {  	_ =	shalt  }
0x6e: {  	_ =	shalt  }
0x6f: {  	_ =	shalt  }
0x70: {  	_ =	shalt  }
0x71: {  	_ =	shalt  }
0x72: {  	_ =	shalt  }
0x73: {  	_ =	shalt  }
0x74: {  	_ =	shalt  }
0x75: {  	_ =	shalt  }
0x76: {  	_ =	shalt  }
0x77: {  	_ =	shalt  }
0x78: {  	_ =	shalt  }
0x79: {  	_ =	shalt  }
0x7a: {  	_ =	shalt  }
0x7b: {  	_ =	shalt  }
0x7c: {  	_ =	shalt  }
0x7d: {  	_ =	shalt  }
0x7e: {  	_ =	shalt  }
0x7f: {  	_ =	shalt  }
0x80: {  	_ =	shalt  }
0x81: {  	_ =	shalt  }
0x82: {  	_ =	shalt  }
0x83: {  	_ =	shalt  }
0x84: {  	_ =	shalt  }
0x85: {  	_ =	shalt  }
0x86: {  	_ =	shalt  }
0x87: {  	_ =	shalt  }
.Lfunc_end0:
.L_simem_size_0:
called_computation_lowered:
.L_overlay_start_0:
0x88: {  	s2 =	sld [smem:$0x3FD9]  }
0x89: {  	s3 =	sld [smem:$0x3FFE];
	_ =	sdelay $0x1  }
0x8a: {  	s1 =	srdreg.scid  }
0x8b: {  	s0 =	sand.u32 $0x1, s1  }
0x8c: {  	s17 =	sshll.u32 s0, $0xA;
	s2 =	sadd.s32 s3, s2  }
0x8d: {  	s2 =	sadd.s32 s2, s17  }
0x8e: {  	[smem:$0x3FBC] =	sst s2  }
0x8f: {  	_ = 	snop  }
0x90: {  	s2 =	sld [smem:$0x3FBF];
	(tm) =	ssettm $0x1  }
0x91: {  	s18 =	sld [smem:$0x3FFB];
	_ =	sdelay $0x3  }
0x92: {  	_ =	strace s18  }
0x93: {  	s3 =	sld [smem:$0x3FFC];
	_ =	sdelay $0x3  }
0x94: {  	_ =	strace s3  }
0x95: {  	s3 =	sld [smem:$0x3FFD];
	_ =	sdelay $0x3  }
0x96: {  	_ =	strace s3  }
0x97: {  	_ =	strace $0x8FFFFFFF  }
0x98: {  	s19 =	sld [smem:$0x3FDB];
	_ =	sdelay $0x1  }
0x99: {  	s4 =	simm.s32 $_scs_section_size  }
0x9a: {  	s5 =	simm.s32 $_size__tile_overlayer_lowered;
	s6 =	simm.s32 $_tile_overlayer_lowered  }
0x9b: {  	s22 =	simm.s32 $0x1BFF;
	s21 =	sshll.u32 s6, $0x1;
	s3 =	sadd.s32 s4, s19  }
0x9c: {  	s7 =	simm.s32 $0x0;
	s20 =	sshll.u32 s5, $0x1;
	s5 =	sadd.s32 s21, s3  }
0x9d: {  	[timem:s7], [sflag:s22] =	dma.local [hbm:s5], s20  }
0x9e: {  	_ =	swait.ge [sflag:s22], s20  }
0x9f: {  	s4 =	ssub.s32 $0x0, s20;
	[sflag:s22] =	ssyncset.done $0x0  }
0xa0: {  	[sflag:s22] =	ssyncadd.s32 s4;
	_ =	sdelay $0x1  }
0xa1: {  	s23 =	simm.s32 $0x1B8B  }
0xa2: {  	_ =	swait.ge [sflag:s23], $0x1  }
0xa3: {  	[sflag:s23] =	ssyncset.done $0x0  }
0xa4: {  	s25 =	simm.s32 $0x1B8E;
	s24 =	sld [smem:$0x3FFE];
	[sflag:s23] =	ssyncadd.s32 $0xFFFFFFFF  }
0xa5: {  	s26 =	simm.s32 $execute0_lowered;
	[smem:$0x3FD2] =	sst s25  }
0xa6: {  	s5 =	sshll.u32 s26, $0x1;
	_ =	strace $0x80000046;
	[dreg:$0x1] =	wrdreg $0xFFFFFFFF  }
0xa7: {  	s28 =	simm.s32 $_size_execute0_lowered;
	s3 =	sadd.s32 s3, s5;
	[dreg:$0x0] =	wrdreg $0x0  }
0xa8: {  	s5 =	sshll.u32 s28, $0x1;
	[dreg:$0x2] =	wrdreg s3  }
0xa9: {  	[dreg:$0x3] =	wrdreg s5  }
0xaa: {  	[dreg:$0x4] =	wrdreg $0xC0  }
0xab: {  	_ =	task [dreg:s7], $0x5FFFF  }
0xac: {  	[dreg:$0x1] =	wrdreg $0xFFFFFFFF  }
0xad: {  	[dreg:$0x0] =	wrdreg $0x60  }
0xae: {  	[dreg:$0x2] =	wrdreg s24  }
0xaf: {  	[dreg:$0x3] =	wrdreg s2  }
0xb0: {  	[dreg:$0x4] =	wrdreg $0x122800  }
0xb1: {  	[dreg:$0x5] =	wrdreg $0x137000  }
0xb2: {  	[dreg:$0x6] =	wrdreg $0x9  }
0xb3: {  	_ =	task.clear_ibuf [dreg:s7], $0x7FFFF;
	_ =	strace $0x90000046  }
0xb4: {  	s29 =	simm.s32 $0x9;
	_ =	strace $0x80000048  }
0xb5: {  	_ =	swait.ge [sflag:s29], $0x1  }
0xb6: {  	[sflag:s29] =	ssyncadd.s32 $0xFFFFFFFF  }
0xb7: {  	_ =	strace $0x90000048  }
0xb8: {  	_ =	sfence  }
0xb9: {  	s30 =	sld [smem:$0x0];
	_ =	sdelay $0x2  }
0xba: {  	s31 =	sshll.u32 s1, $0xD;
	s1 =	sshrl.u32 s1, $0x2  }
0xbb: {  	s3 =	sand.u32 $0x4000, s31;
	s1 =	sadd.s32 s1, s30  }
0xbc: {  	s0 =	sor.u32 s3, s0;
	s1 =	sshll.u32 s1, $0x11  }
0xbd: {  	s0 =	sor.u32 s1, s0  }
0xbe: {  	s0 =	sadd.s32 $0x8F2B, s0  }
0xbf: {  	[sflag:s0] =	ssyncadd.remote.s32 $0x1  }
0xc0: {  	_ =	sfence.sel $0xFFFF  }
0xc1: {  	[dreg:$0x0] =	wrdreg $0xFFFFFFFF;
	(pc) =	sbr.abs _section_cstart, $3  }
0xc2: {  	[dreg:$0x1] =	wrdreg $0xFFFFFFFF  }
0xc3: {  	_ =	task.clear_ibuf [dreg:s7], $0x2FFFF;
	_ =	strace $0x9FFFFFFF  }
0xc4: {  	(tm) =	ssettm $0x7FFFFFFF  }
0xc5: {  	_ =	shalt  }
tec
execute0_lowered:
.L_overlay_start_1:
0x0: {  	(tag) =	ssettag $0x1  }
0x1: {  	s6 =	rddreg [dreg:$0x0]  }
0x2: {  	s0 =	rddreg [dreg:$0x1]  }
0x3: {  	s2 =	rddreg [dreg:$0x2];
	s1 =	srdreg.scid  }
0x4: {  	s23 =	stileid.u32;
	s3 =	rddreg [dreg:$0x3]  }
0x5: {  	s4 =	simm.s32 $0x0;
	s31 =	simm.s32 $0x5000;
	s17 =	simm.s32 $0x5280  }
0x6: {  	s18 =	simm.s32 $0x5680;
	s19 =	simm.s32 $0x5300;
	s8 =	smul.u32 $0xA400, s23  }
0x7: {  	s20 =	simm.s32 $0x2800;
	s21 =	simm.s32 $0x5380;
	s13 =	smul.u32 $0x26C000, s23  }
0x8: {  	s22 =	simm.s32 $0x5400;
	s7 =	sand.u32 $0x1, s1;
	s15 =	smul.u32 $0x4D80, s23  }
0x9: {  	s28 =	simm.s32 $0x0;
	[dreg:$0x5] =	wrdreg s0;
	s5 =	smul.u32 $0xA4000, s7  }
0xa: {  	[smem:$0x7FF] =	sst s4;
	s26 =	smin.u32 s23, $0x4;
	s25 =	smul.u32 $0x1450, s7  }
0xb: {  	p0 =	slt.u32 s23, $0x4;
	s23 =	simm.s32 $0x5480;
	s14 =	smul.u32 $0x14000, s26  }
0xc: {  	_ =	strace $0x80000047;
	s10 =	ssub.s32 $0x2, s7;
	s16 =	smul.u32 $0x280, s26  }
0xd: {  	[dreg:$0x6] =	wrdreg s31;
	s26 =	simm.s32 $0x5600;
	s24 =	sshrl.u32 s10, $0x1  }
0xe: {  	s7 =	sadd.s32 s8, s2;
	s9 =	sadd.s32 s8, s5;
	s5 =	sadd.s32 $0x2400, s6  }
0xf: {  	s12 =	ssub.s32 s10, s24;
	s8 =	sadd.s32 s8, s3;
	s30 =	sadd.s32 s14, s13  }
0x10: {  	s13 =	sadd.s32 s16, s15;
	s14 =	simm.s32 $0x7E80;
	s9 =	sshrl.u32 s9, $0x3  }
0x11: {  	s15 =	simm.s32 $0x1;
	s11 =	sadd.s32 s9, s6;
	s6 =	simm.s32 $0x20  }
0x12: {  	s24 =	simm.s32 $0x5500;
	v0 =	vmov s25;
	s25 =	simm.s32 $0x5580;
	s6 =	simm.s32 @!p0 $0x1F  }
0x13: {  	s16 =	simm.s32 $0x50;
	s29 =	sadd.s32 $0x4E4400, s11;
	s10 =	sadd.s32 $0x50D400, s11  }
0x14: {  	v1 =	vimm.f32 $0.0e+00;
	v2 =	vimm.f32 $1.000000000e+00;
	s11 =	smax.u32 s12, $0x1;
	s12 =	sadd.s32 $0xF000, s30;
	[dreg:$0x7] =	wrdreg s29  }
.LBB2_1:
0x15: {  	s29 =	simm.s32 $0x0  }
.LBB2_2:
0x16: {  	p0 =	sne.s32 s29, $0x28E00  }
.Ltmp0:
0x17: {  	_ = 	snop;
	(pc) =	sbr.rel @p0 .LBB2_2-.Ltmp0, $3  }
0x18: {  	_ =	sdelay $0x1  }
0x19: {  	s30 =	sshra.s32 s29, $0x2  }
0x1a: {  	s29 =	sadd.s32 $0x200, s29;
	[tilespmem:s30+$0x7E80] =	vst v1  }
0x1b: {  	s29 =	simm.s32 $0x200;
	s30 =	simm.s32 $0x0  }
.LBB2_4:
0x1c: {  	p0 =	sne.s32 s29, $0x9E00;
	[tilespmem:s30+$0x5680] =	vst v2;
	s30 =	smov.u32 s29;
	s29 =	sadd.s32 $0x200, s29  }
.Ltmp1:
0x1d: {  	(pc) =	sbr.rel @p0 .LBB2_4-.Ltmp1, $2  }
0x1e: {  	_ =	sdelay $0x2  }
0x1f: {  	s30 =	sshra.s32 s30, $0x2  }
0x20: {  	[tilespmem:s30+$0x5680] =	vst v2  }
0x21: {  	[spmem:s7] =	stream.linear.scatter [tilespmem:s14], [sflag:$0x1], $0xA400, $0x38;
	[tilespmem:$0x14B80] =	vst v63  }
0x22: {  	_ =	swait.ge [sflag:s15], $0xA400  }
0x23: {  	[sflag:s15] =	ssyncset.done $0x0  }
0x24: {  	[sflag:s15] =	ssyncadd.s32 $0xFFFF5C00  }
0x25: {  	[spmem:s8] =	stream.linear.scatter [tilespmem:s14], [sflag:$0x1], $0xA400, $0x38;
	[tilespmem:$0x14B80] =	vst v63  }
0x26: {  	_ =	swait.ge [sflag:s15], $0xA400  }
0x27: {  	[sflag:s15] =	ssyncset.done $0x0  }
0x28: {  	s29 =	smov.u32 s13;
	[sflag:s15] =	ssyncadd.s32 $0xFFFF5C00  }
0x29: {  	s30 =	smov.u32 s12;
	s31 =	smov.u32 s6;
	[bflag:$0x0] =	sbarrier.arrive $0xFFFF  }
.LBB2_6:
0x2a: {  	s1 =	rddreg [dreg:$0x5];
	s9 =	sshrl.u32 s29, $0x3  }
0x2b: {  	s0 =	rddreg [dreg:$0x6];
	s1 =	sadd.s32 s1, s9  }
0x2c: {  	[tilespmem:s0], [sflag:$0x1] =	stream.linear.gather [hbm4b:s1+s4], $0x280, $0x38;
	[tilespmem:$0x14B80] =	vst v63  }
0x2d: {  	_ =	swait.ge [sflag:s15], $0x280  }
0x2e: {  	[sflag:s15] =	ssyncset.done $0x0  }
0x2f: {  	[sflag:s15] =	ssyncadd.s32 $0xFFFFFD80  }
0x30: {  	v3 =	vld [tilespmem:$0x5000]  }
0x31: {  	v4 =	vld [tilespmem:$0x5010]  }
0x32: {  	v5 =	vld [tilespmem:$0x5020]  }
0x33: {  	v6 =	vld [tilespmem:$0x5030]  }
0x34: {  	v7 =	vld [tilespmem:$0x5040]  }
0x35: {  	v8 =	vld [tilespmem:$0x5050];
	v3 =	vsub.s32 v3, v0  }
0x36: {  	v9 =	vld [tilespmem:$0x5060];
	v4 =	vsub.s32 v4, v0;
	v3 =	vmin.u32 v3, $0x1450  }
0x37: {  	v46 =	vld [tilespmem:$0x5070];
	v45 =	vsub.s32 v5, v0;
	[tilespmem:$0x5280] =	vst v3;
	v3 =	vmin.u32 v4, $0x1450  }
0x38: {  	v48 =	vld [tilespmem:$0x5080];
	v47 =	vsub.s32 v6, v0;
	[tilespmem:$0x5290] =	vst v3;
	v3 =	vmin.u32 v45, $0x1450  }
0x39: {  	v50 =	vld [tilespmem:$0x5090];
	v49 =	vsub.s32 v7, v0;
	[tilespmem:$0x52A0] =	vst v3;
	v3 =	vmin.u32 v47, $0x1450  }
0x3a: {  	v52 =	vld [tilespmem:$0x50A0];
	v51 =	vsub.s32 v8, v0;
	[tilespmem:$0x52B0] =	vst v3;
	v3 =	vmin.u32 v49, $0x1450  }
0x3b: {  	v54 =	vld [tilespmem:$0x50B0];
	v53 =	vsub.s32 v9, v0;
	[tilespmem:$0x52C0] =	vst v3;
	v3 =	vmin.u32 v51, $0x1450  }
0x3c: {  	v56 =	vld [tilespmem:$0x50C0];
	v55 =	vsub.s32 v46, v0;
	[tilespmem:$0x5300] =	vst v3;
	v3 =	vmin.u32 v53, $0x1450  }
0x3d: {  	v58 =	vld [tilespmem:$0x50D0];
	v57 =	vsub.s32 v48, v0;
	[tilespmem:$0x5310] =	vst v3;
	v3 =	vmin.u32 v55, $0x1450  }
0x3e: {  	v60 =	vld [tilespmem:$0x50E0];
	v59 =	vsub.s32 v50, v0;
	[tilespmem:$0x5320] =	vst v3;
	v3 =	vmin.u32 v57, $0x1450  }
0x3f: {  	v62 =	vld [tilespmem:$0x50F0];
	v61 =	vsub.s32 v52, v0;
	[tilespmem:$0x5330] =	vst v3;
	v3 =	vmin.u32 v59, $0x1450  }
0x40: {  	v12 =	vld [tilespmem:$0x5100];
	v63 =	vsub.s32 v54, v0;
	[tilespmem:$0x5340] =	vst v3;
	v3 =	vmin.u32 v61, $0x1450  }
0x41: {  	v14 =	vld [tilespmem:$0x5110];
	v13 =	vsub.s32 v56, v0;
	[tilespmem:$0x5380] =	vst v3;
	v3 =	vmin.u32 v63, $0x1450  }
0x42: {  	v16 =	vld [tilespmem:$0x5120];
	v15 =	vsub.s32 v58, v0;
	[tilespmem:$0x5390] =	vst v3;
	v3 =	vmin.u32 v13, $0x1450  }
0x43: {  	v18 =	vld [tilespmem:$0x5130];
	v17 =	vsub.s32 v60, v0;
	[tilespmem:$0x53A0] =	vst v3;
	v3 =	vmin.u32 v15, $0x1450  }
0x44: {  	v20 =	vld [tilespmem:$0x5140];
	v19 =	vsub.s32 v62, v0;
	[tilespmem:$0x53B0] =	vst v3;
	v3 =	vmin.u32 v17, $0x1450  }
0x45: {  	v22 =	vld [tilespmem:$0x5150];
	v21 =	vsub.s32 v12, v0;
	[tilespmem:$0x53C0] =	vst v3;
	v3 =	vmin.u32 v19, $0x1450  }
0x46: {  	v24 =	vld [tilespmem:$0x5160];
	v23 =	vsub.s32 v14, v0;
	[tilespmem:$0x5400] =	vst v3;
	v3 =	vmin.u32 v21, $0x1450  }
0x47: {  	v26 =	vld [tilespmem:$0x5170];
	v25 =	vsub.s32 v16, v0;
	[tilespmem:$0x5410] =	vst v3;
	v3 =	vmin.u32 v23, $0x1450  }
0x48: {  	v28 =	vld [tilespmem:$0x5180];
	v27 =	vsub.s32 v18, v0;
	[tilespmem:$0x5420] =	vst v3;
	v3 =	vmin.u32 v25, $0x1450  }
0x49: {  	v30 =	vld [tilespmem:$0x5190];
	v29 =	vsub.s32 v20, v0;
	[tilespmem:$0x5430] =	vst v3;
	v3 =	vmin.u32 v27, $0x1450  }
0x4a: {  	v32 =	vld [tilespmem:$0x51A0];
	v31 =	vsub.s32 v22, v0;
	[tilespmem:$0x5440] =	vst v3;
	v3 =	vmin.u32 v29, $0x1450  }
0x4b: {  	v34 =	vld [tilespmem:$0x51B0];
	v33 =	vsub.s32 v24, v0;
	[tilespmem:$0x5480] =	vst v3;
	v3 =	vmin.u32 v31, $0x1450  }
0x4c: {  	v36 =	vld [tilespmem:$0x51C0];
	v35 =	vsub.s32 v26, v0;
	[tilespmem:$0x5490] =	vst v3;
	v3 =	vmin.u32 v33, $0x1450  }
0x4d: {  	v38 =	vld [tilespmem:$0x51D0];
	v37 =	vsub.s32 v28, v0;
	[tilespmem:$0x54A0] =	vst v3;
	v3 =	vmin.u32 v35, $0x1450  }
0x4e: {  	v40 =	vld [tilespmem:$0x51E0];
	v39 =	vsub.s32 v30, v0;
	[tilespmem:$0x54B0] =	vst v3;
	v3 =	vmin.u32 v37, $0x1450  }
0x4f: {  	v42 =	vld [tilespmem:$0x51F0];
	v41 =	vsub.s32 v32, v0;
	[tilespmem:$0x54C0] =	vst v3;
	v3 =	vmin.u32 v39, $0x1450  }
0x50: {  	v44 =	vld [tilespmem:$0x5200];
	v43 =	vsub.s32 v34, v0;
	[tilespmem:$0x5500] =	vst v3;
	v3 =	vmin.u32 v41, $0x1450  }
0x51: {  	v46 =	vld [tilespmem:$0x5210];
	v45 =	vsub.s32 v36, v0;
	[tilespmem:$0x5510] =	vst v3;
	v3 =	vmin.u32 v43, $0x1450  }
0x52: {  	v48 =	vld [tilespmem:$0x5220];
	v47 =	vsub.s32 v38, v0;
	[tilespmem:$0x5520] =	vst v3;
	v3 =	vmin.u32 v45, $0x1450  }
0x53: {  	v50 =	vld [tilespmem:$0x5230];
	v49 =	vsub.s32 v40, v0;
	[tilespmem:$0x5530] =	vst v3;
	v3 =	vmin.u32 v47, $0x1450  }
0x54: {  	v52 =	vld [tilespmem:$0x5240];
	v51 =	vsub.s32 v42, v0;
	[tilespmem:$0x5540] =	vst v3;
	v3 =	vmin.u32 v49, $0x1450  }
0x55: {  	v54 =	vld [tilespmem:$0x5250];
	v53 =	vsub.s32 v44, v0;
	[tilespmem:$0x5580] =	vst v3;
	v3 =	vmin.u32 v51, $0x1450  }
0x56: {  	v56 =	vld [tilespmem:$0x5260];
	v55 =	vsub.s32 v46, v0;
	[tilespmem:$0x5590] =	vst v3;
	v3 =	vmin.u32 v53, $0x1450  }
0x57: {  	v58 =	vld [tilespmem:$0x5270];
	v57 =	vsub.s32 v48, v0;
	[tilespmem:$0x55A0] =	vst v3;
	v3 =	vmin.u32 v55, $0x1450  }
0x58: {  	v59 =	vsub.s32 v50, v0;
	[tilespmem:$0x55B0] =	vst v3;
	v3 =	vmin.u32 v57, $0x1450  }
0x59: {  	v60 =	vsub.s32 v52, v0;
	[tilespmem:$0x55C0] =	vst v3;
	v3 =	vmin.u32 v59, $0x1450  }
0x5a: {  	v61 =	vsub.s32 v54, v0;
	[tilespmem:$0x5600] =	vst v3;
	v3 =	vmin.u32 v60, $0x1450  }
0x5b: {  	v62 =	vsub.s32 v56, v0;
	[tilespmem:$0x5610] =	vst v3;
	v3 =	vmin.u32 v61, $0x1450  }
0x5c: {  	s1 =	sadd.s32 $0xFFFF1000, s30;
	v63 =	vsub.s32 v58, v0;
	[tilespmem:$0x5620] =	vst v3;
	v3 =	vmin.u32 v62, $0x1450  }
0x5d: {  	s0 =	sshrl.u32 s1, $0x3;
	[tilespmem:$0x5630] =	vst v3;
	v3 =	vmin.u32 v63, $0x1450  }
0x5e: {  	s0 =	sadd.s32 s5, s0;
	[tilespmem:$0x5640] =	vst v3  }
0x5f: {  	[tilespmem:s4], [sflag:$0x1] =	stream.linear.gather [hbm4b:s0+s4], $0x5000, $0x38;
	[tilespmem:$0x14B80] =	vst v63  }
0x60: {  	_ =	swait.ge [sflag:s15], $0x5000  }
0x61: {  	[sflag:s15] =	ssyncset.done $0x0  }
0x62: {  	[sflag:s15] =	ssyncadd.s32 $0xFFFFB000  }
0x63: {  	[spmem:s2] =	stream.indirect.scatter.add.f32 [tilespmem:s4], [sflag:$0x1], $0x10, s17, s16, $0xb8;
	[tilespmem:$0x14B80] =	vst v63  }
0x64: {  	_ =	swait.ge [sflag:s15], $0x500  }
0x65: {  	[sflag:s15] =	ssyncset.done $0x0  }
0x66: {  	[sflag:s15] =	ssyncadd.s32 $0xFFFFFB00  }
0x67: {  	[spmem:s3] =	stream.indirect.scatter.add.f32 [tilespmem:s18], [sflag:$0x1], $0x10, s17, s16, $0xb8;
	[tilespmem:$0x14B80] =	vst v63  }
0x68: {  	_ =	swait.ge [sflag:s15], $0x500  }
0x69: {  	[sflag:s15] =	ssyncset.done $0x0  }
0x6a: {  	[sflag:s15] =	ssyncadd.s32 $0xFFFFFB00  }
0x6b: {  	[spmem:s2] =	stream.indirect.scatter.add.f32 [tilespmem:s20], [sflag:$0x1], $0x10, s19, s16, $0xb8;
	[tilespmem:$0x14B80] =	vst v63  }
0x6c: {  	_ =	swait.ge [sflag:s15], $0x500  }
0x6d: {  	[sflag:s15] =	ssyncset.done $0x0  }
0x6e: {  	[sflag:s15] =	ssyncadd.s32 $0xFFFFFB00  }
0x6f: {  	[spmem:s3] =	stream.indirect.scatter.add.f32 [tilespmem:s18], [sflag:$0x1], $0x10, s19, s16, $0xb8;
	[tilespmem:$0x14B80] =	vst v63  }
0x70: {  	s9 =	sadd.s32 $0xFFFF6000, s30;
	_ =	swait.ge [sflag:s15], $0x500  }
0x71: {  	s0 =	sshrl.u32 s9, $0x3;
	[sflag:s15] =	ssyncset.done $0x0  }
0x72: {  	s0 =	sadd.s32 s5, s0;
	[sflag:s15] =	ssyncadd.s32 $0xFFFFFB00  }
0x73: {  	[tilespmem:s4], [sflag:$0x1] =	stream.linear.gather [hbm4b:s0+s4], $0x5000, $0x38;
	[tilespmem:$0x14B80] =	vst v63  }
0x74: {  	_ =	swait.ge [sflag:s15], $0x5000  }
0x75: {  	[sflag:s15] =	ssyncset.done $0x0  }
0x76: {  	[sflag:s15] =	ssyncadd.s32 $0xFFFFB000  }
0x77: {  	[spmem:s2] =	stream.indirect.scatter.add.f32 [tilespmem:s4], [sflag:$0x1], $0x10, s21, s16, $0xb8;
	[tilespmem:$0x14B80] =	vst v63  }
0x78: {  	_ =	swait.ge [sflag:s15], $0x500  }
0x79: {  	[sflag:s15] =	ssyncset.done $0x0  }
0x7a: {  	[sflag:s15] =	ssyncadd.s32 $0xFFFFFB00  }
0x7b: {  	[spmem:s3] =	stream.indirect.scatter.add.f32 [tilespmem:s18], [sflag:$0x1], $0x10, s21, s16, $0xb8;
	[tilespmem:$0x14B80] =	vst v63  }
0x7c: {  	_ =	swait.ge [sflag:s15], $0x500  }
0x7d: {  	[sflag:s15] =	ssyncset.done $0x0  }
0x7e: {  	[sflag:s15] =	ssyncadd.s32 $0xFFFFFB00  }
0x7f: {  	[spmem:s2] =	stream.indirect.scatter.add.f32 [tilespmem:s20], [sflag:$0x1], $0x10, s22, s16, $0xb8;
	[tilespmem:$0x14B80] =	vst v63  }
0x80: {  	_ =	swait.ge [sflag:s15], $0x500  }
0x81: {  	[sflag:s15] =	ssyncset.done $0x0  }
0x82: {  	[sflag:s15] =	ssyncadd.s32 $0xFFFFFB00  }
0x83: {  	[spmem:s3] =	stream.indirect.scatter.add.f32 [tilespmem:s18], [sflag:$0x1], $0x10, s22, s16, $0xb8;
	[tilespmem:$0x14B80] =	vst v63  }
0x84: {  	s1 =	sadd.s32 $0xFFFFB000, s30;
	_ =	swait.ge [sflag:s15], $0x500  }
0x85: {  	s0 =	sshrl.u32 s1, $0x3;
	[sflag:s15] =	ssyncset.done $0x0  }
0x86: {  	s0 =	sadd.s32 s5, s0;
	[sflag:s15] =	ssyncadd.s32 $0xFFFFFB00  }
0x87: {  	[tilespmem:s4], [sflag:$0x1] =	stream.linear.gather [hbm4b:s0+s4], $0x5000, $0x38;
	[tilespmem:$0x14B80] =	vst v63  }
0x88: {  	_ =	swait.ge [sflag:s15], $0x5000  }
0x89: {  	[sflag:s15] =	ssyncset.done $0x0  }
0x8a: {  	[sflag:s15] =	ssyncadd.s32 $0xFFFFB000  }
0x8b: {  	[spmem:s2] =	stream.indirect.scatter.add.f32 [tilespmem:s4], [sflag:$0x1], $0x10, s23, s16, $0xb8;
	[tilespmem:$0x14B80] =	vst v63  }
0x8c: {  	_ =	swait.ge [sflag:s15], $0x500  }
0x8d: {  	[sflag:s15] =	ssyncset.done $0x0  }
0x8e: {  	[sflag:s15] =	ssyncadd.s32 $0xFFFFFB00  }
0x8f: {  	[spmem:s3] =	stream.indirect.scatter.add.f32 [tilespmem:s18], [sflag:$0x1], $0x10, s23, s16, $0xb8;
	[tilespmem:$0x14B80] =	vst v63  }
0x90: {  	_ =	swait.ge [sflag:s15], $0x500  }
0x91: {  	[sflag:s15] =	ssyncset.done $0x0  }
0x92: {  	[sflag:s15] =	ssyncadd.s32 $0xFFFFFB00  }
0x93: {  	[spmem:s2] =	stream.indirect.scatter.add.f32 [tilespmem:s20], [sflag:$0x1], $0x10, s24, s16, $0xb8;
	[tilespmem:$0x14B80] =	vst v63  }
0x94: {  	_ =	swait.ge [sflag:s15], $0x500  }
0x95: {  	[sflag:s15] =	ssyncset.done $0x0  }
0x96: {  	[sflag:s15] =	ssyncadd.s32 $0xFFFFFB00  }
0x97: {  	[spmem:s3] =	stream.indirect.scatter.add.f32 [tilespmem:s18], [sflag:$0x1], $0x10, s24, s16, $0xb8;
	[tilespmem:$0x14B80] =	vst v63  }
0x98: {  	_ =	swait.ge [sflag:s15], $0x500  }
0x99: {  	s9 =	sshrl.u32 s30, $0x3;
	[sflag:s15] =	ssyncset.done $0x0  }
0x9a: {  	s0 =	sadd.s32 s5, s9;
	[sflag:s15] =	ssyncadd.s32 $0xFFFFFB00  }
0x9b: {  	[tilespmem:s4], [sflag:$0x1] =	stream.linear.gather [hbm4b:s0+s4], $0x5000, $0x38;
	[tilespmem:$0x14B80] =	vst v63  }
0x9c: {  	_ =	swait.ge [sflag:s15], $0x5000  }
0x9d: {  	[sflag:s15] =	ssyncset.done $0x0  }
0x9e: {  	[sflag:s15] =	ssyncadd.s32 $0xFFFFB000  }
0x9f: {  	[spmem:s2] =	stream.indirect.scatter.add.f32 [tilespmem:s4], [sflag:$0x1], $0x10, s25, s16, $0xb8;
	[tilespmem:$0x14B80] =	vst v63  }
0xa0: {  	_ =	swait.ge [sflag:s15], $0x500  }
0xa1: {  	[sflag:s15] =	ssyncset.done $0x0  }
0xa2: {  	[sflag:s15] =	ssyncadd.s32 $0xFFFFFB00  }
0xa3: {  	[spmem:s3] =	stream.indirect.scatter.add.f32 [tilespmem:s18], [sflag:$0x1], $0x10, s25, s16, $0xb8;
	[tilespmem:$0x14B80] =	vst v63  }
0xa4: {  	_ =	swait.ge [sflag:s15], $0x500  }
0xa5: {  	[sflag:s15] =	ssyncset.done $0x0  }
0xa6: {  	[sflag:s15] =	ssyncadd.s32 $0xFFFFFB00  }
0xa7: {  	[spmem:s2] =	stream.indirect.scatter.add.f32 [tilespmem:s20], [sflag:$0x1], $0x10, s26, s16, $0xb8;
	[tilespmem:$0x14B80] =	vst v63  }
0xa8: {  	_ =	swait.ge [sflag:s15], $0x500  }
0xa9: {  	p0 =	sne.s32 s31, $0x1;
	[sflag:s15] =	ssyncset.done $0x0  }
.Ltmp2:
0xaa: {  	[sflag:s15] =	ssyncadd.s32 $0xFFFFFB00;
	(pc) =	sbr.rel @p0 .LBB2_6-.Ltmp2, $4  }
0xab: {  	[spmem:s3] =	stream.indirect.scatter.add.f32 [tilespmem:s18], [sflag:$0x1], $0x10, s26, s16, $0xb8;
	[tilespmem:$0x14B80] =	vst v63  }
0xac: {  	_ =	swait.ge [sflag:s15], $0x500  }
0xad: {  	s29 =	sadd.s32 $0x280, s29;
	[sflag:s15] =	ssyncset.done $0x0  }
0xae: {  	s31 =	sadd.s32 $0xFFFFFFFF, s31;
	s30 =	sadd.s32 $0x14000, s30;
	[sflag:s15] =	ssyncadd.s32 $0xFFFFFB00  }
0xaf: {  	[bflag:$0x0] =	sbarrier.arrive $0xFFFF  }
0xb0: {  	[tilespmem:s14], [sflag:$0x1] =	stream.linear.gather [spmem:s7], $0xA400, $0x38;
	[tilespmem:$0x14B80] =	vst v63  }
0xb1: {  	_ =	swait.ge [sflag:s15], $0xA400  }
0xb2: {  	[sflag:s15] =	ssyncset.done $0x0  }
0xb3: {  	s0 =	rddreg [dreg:$0x7];
	[sflag:s15] =	ssyncadd.s32 $0xFFFF5C00  }
0xb4: {  	[hbm4b:s0+s4] =	stream.linear.scatter [tilespmem:s14], [sflag:$0x1], $0xA400, $0x38;
	[tilespmem:$0x14B80] =	vst v63  }
0xb5: {  	_ =	swait.ge [sflag:s15], $0xA400  }
0xb6: {  	[sflag:s15] =	ssyncset.done $0x0  }
0xb7: {  	[sflag:s15] =	ssyncadd.s32 $0xFFFF5C00  }
0xb8: {  	[tilespmem:s14], [sflag:$0x1] =	stream.linear.gather [spmem:s8], $0xA400, $0x38;
	[tilespmem:$0x14B80] =	vst v63  }
0xb9: {  	s28 =	sadd.s32 $0x1, s28;
	_ =	swait.ge [sflag:s15], $0xA400  }
0xba: {  	p0 =	sne.s32 s28, s11;
	[sflag:s15] =	ssyncset.done $0x0  }
.Ltmp3:
0xbb: {  	[sflag:s15] =	ssyncadd.s32 $0xFFFF5C00;
	(pc) =	sbr.rel @p0 .LBB2_1-.Ltmp3, $4  }
0xbc: {  	[hbm4b:s10+s4] =	stream.linear.scatter [tilespmem:s14], [sflag:$0x1], $0xA400, $0x38;
	[tilespmem:$0x14B80] =	vst v63  }
0xbd: {  	_ =	swait.ge [sflag:s15], $0xA400  }
0xbe: {  	[sflag:s15] =	ssyncset.done $0x0  }
0xbf: {  	[sflag:s15] =	ssyncadd.s32 $0xFFFF5C00  }
0xc0: {  	_ =	sfence.sel $0x180000  }
0xc1: {  	[bflag:$0x0] =	sbarrier.arrive $0xFFFF  }
0xc2: {  	_ =	strace $0x90000047  }
0xc3: {  	s0 =	stileid.u32;
	[bflag:$0x2] =	sbarrier.arrive $0xFFFF  }
0xc4: {  	p0 =	sne.s32 s0, $0x0;
	s0 =	rddreg [dreg:$0x4]  }
0xc5: {  	s0 =	sadd.s32 @!p0 $0x100000, s0  }
0xc6: {  	[sflag:s0] =	ssyncadd.tile.s32 @!p0 $0x1;
	_ =	shalt  }
.Lfunc_end2:
_tile_overlayer_lowered:
.L_overlay_start_2:
0xc7: {  	(tag) =	ssettag $0x2  }
0xc8: {  	s0 =	rddreg [dreg:$0x0];
	s2 =	stileid.u32  }
0xc9: {  	s1 =	rddreg [dreg:$0x1];
	p0 =	sne.s32 s2, $0x0  }
0xca: {  	s3 =	rddreg [dreg:$0x2];
	[bflag:$0x3] =	sbarrier.arrive $0xFFFF;
	s2 =	simm.s32 @!p0 $0x1C01  }
0xcb: {  	[timem:s3], [sflag:s2] =	dma.local @!p0 [hbm:s0], s1  }
0xcc: {  	s0 =	simm.s32 @!p0 $0x1  }
0xcd: {  	_ =	swait.ge @!p0 [sflag:s0], s1  }
0xce: {  	s1 =	ssub.s32 @!p0 $0x0, s1;
	[sflag:s0] =	ssyncset.done @!p0 $0x0  }
0xcf: {  	[sflag:s0] =	ssyncadd.s32 @!p0 s1  }
0xd0: {  	[bflag:$0x3] =	sbarrier.arrive $0xFFFF  }
0xd1: {  	_ =	shalt  }

</sc_bundles>
